<compile_context>
chip_gen: v7x
topology: tpu7x:2x2x1
jax: 0.10.2.dev20260603
libtpu: 0.0.44.dev20260713+nightly
codegen_flags: <defaults>
</compile_context>

<pallas_src>
import functools

import jax
import jax.numpy as jnp
from jax import lax
from jax.experimental import pallas as pl
from jax.experimental.pallas import tpu as pltpu
from jax.experimental.pallas import tpu_sc as plsc

N_NODES = 100000
N_EDGES = 3200000
HID = 16

NC = 2
NS = 16
NW = NC * NS
EPW = N_EDGES // NW
CHUNK = 400
NCHUNK = EPW // CHUNK

_mesh = plsc.VectorSubcoreMesh(core_axis_name="c", subcore_axis_name="s")


def _gat_layer_body(src_hbm, dst_hbm, ea_hbm, asrc_hbm, adst_hbm, h_hbm,
                    cev_hbm, z16_hbm, z1_hbm,
                    accp_hbm, denp_hbm,
                    srcv, dstv, eav, asv, adv, exv, rowsv, cvv,
                    aspm, adpm, denpm, accpm,
                    sem1, sem2, sem3, sem4, sem5):
    c = lax.axis_index("c")
    s = lax.axis_index("s")

    @pl.when(s == 0)
    def _stage():
        pltpu.sync_copy(asrc_hbm, aspm)
        pltpu.sync_copy(adst_hbm, adpm)
        pltpu.sync_copy(z1_hbm, denpm)
        pltpu.sync_copy(z16_hbm, accpm)

    plsc.subcore_barrier()

    pltpu.sync_copy(cev_hbm, cvv)
    cv = cvv[...]

    base0 = (c * NS + s) * EPW

    def chunk_body(k, _):
        base = base0 + k * CHUNK
        d1 = pltpu.async_copy(src_hbm.at[pl.ds(base, CHUNK)], srcv, sem1)
        d2 = pltpu.async_copy(dst_hbm.at[pl.ds(base, CHUNK)], dstv, sem2)
        d3 = pltpu.async_copy(ea_hbm.at[pl.ds(base, CHUNK)], eav, sem3)
        d1.wait()
        g1 = pltpu.async_copy(aspm.at[srcv], asv, sem4)
        g3 = pltpu.async_copy(h_hbm.at[srcv], rowsv, sem1)
        d2.wait()
        g2 = pltpu.async_copy(adpm.at[dstv], adv, sem5)
        d3.wait()
        g1.wait()
        g2.wait()

        def alpha_body(i, _):
            sl = pl.ds(i * 16, 16)
            a = asv[sl] + adv[sl] + eav[sl] * cv
            a = jnp.where(a >= 0.0, a, a * 0.2)
            exv[sl] = jnp.exp(a)
            return 0

        lax.fori_loop(0, CHUNK // 16, alpha_body, 0, unroll=4)

        a1 = pltpu.async_copy(exv, denpm.at[dstv], sem2, add=True)
        g3.wait()

        def scale_body(i, _):
            e16 = exv[pl.ds(i * 16, 16)]
            for u in range(16):
                j = i * 16 + u
                rowsv[j, :] = rowsv[j, :] * e16[u]
            return 0

        lax.fori_loop(0, CHUNK // 16, scale_body, 0)

        a2 = pltpu.async_copy(rowsv, accpm.at[dstv], sem3, add=True)
        a1.wait()
        a2.wait()
        return 0

    lax.fori_loop(0, NCHUNK, chunk_body, 0)

    plsc.subcore_barrier()

    @pl.when(s == 0)
    def _drain():
        pltpu.sync_copy(denpm, denp_hbm.at[c])
        pltpu.sync_copy(accpm, accp_hbm.at[c])


def _make_gat_kernel():
    def wrapped(src, dst, ea, asrc, adst, h, cev, z16, z1):
        return pl.kernel(
            _gat_layer_body,
            out_type=(
                jax.ShapeDtypeStruct((NC, N_NODES, HID), jnp.float32),
                jax.ShapeDtypeStruct((NC, N_NODES), jnp.float32),
            ),
            mesh=_mesh,
            compiler_params=pltpu.CompilerParams(use_tc_tiling_on_sc=False),
            scratch_types=[
                pltpu.VMEM((CHUNK,), jnp.int32),
                pltpu.VMEM((CHUNK,), jnp.int32),
                pltpu.VMEM((CHUNK,), jnp.float32),
                pltpu.VMEM((CHUNK,), jnp.float32),
                pltpu.VMEM((CHUNK,), jnp.float32),
                pltpu.VMEM((CHUNK,), jnp.float32),
                pltpu.VMEM((CHUNK, HID), jnp.float32),
                pltpu.VMEM((16,), jnp.float32),
                pltpu.VMEM_SHARED((N_NODES,), jnp.float32),
                pltpu.VMEM_SHARED((N_NODES,), jnp.float32),
                pltpu.VMEM_SHARED((N_NODES,), jnp.float32),
                pltpu.VMEM_SHARED((N_NODES, HID), jnp.float32),
                pltpu.SemaphoreType.DMA,
                pltpu.SemaphoreType.DMA,
                pltpu.SemaphoreType.DMA,
                pltpu.SemaphoreType.DMA,
                pltpu.SemaphoreType.DMA,
            ],
        )(src, dst, ea, asrc, adst, h, cev, z16, z1)

    return wrapped


_gat_kernel = _make_gat_kernel()


GCHUNK = 2000
GNCHUNK = EPW // GCHUNK


def _gather_body(src_hbm, dst_hbm, h_hbm, gs_hbm, gd_hbm,
                 srcv, dstv, rsv, rdv, sem1, sem2, sem3, sem4):
    c = lax.axis_index("c")
    s = lax.axis_index("s")
    base0 = (c * NS + s) * EPW

    def chunk_body(k, _):
        base = base0 + k * GCHUNK
        d1 = pltpu.async_copy(src_hbm.at[pl.ds(base, GCHUNK)], srcv, sem1)
        d2 = pltpu.async_copy(dst_hbm.at[pl.ds(base, GCHUNK)], dstv, sem2)
        d1.wait()
        g1 = pltpu.async_copy(h_hbm.at[srcv], rsv, sem3)
        d2.wait()
        g2 = pltpu.async_copy(h_hbm.at[dstv], rdv, sem4)
        g1.wait()
        o1 = pltpu.async_copy(rsv, gs_hbm.at[pl.ds(base, GCHUNK)], sem1)
        g2.wait()
        o2 = pltpu.async_copy(rdv, gd_hbm.at[pl.ds(base, GCHUNK)], sem2)
        o1.wait()
        o2.wait()
        return 0

    lax.fori_loop(0, GNCHUNK, chunk_body, 0)


_gather_kernel = pl.kernel(
    _gather_body,
    out_type=(
        jax.ShapeDtypeStruct((N_EDGES, HID), jnp.float32),
        jax.ShapeDtypeStruct((N_EDGES, HID), jnp.float32),
    ),
    mesh=_mesh,
    compiler_params=pltpu.CompilerParams(use_tc_tiling_on_sc=False),
    scratch_types=[
        pltpu.VMEM((GCHUNK,), jnp.int32),
        pltpu.VMEM((GCHUNK,), jnp.int32),
        pltpu.VMEM((GCHUNK, HID), jnp.float32),
        pltpu.VMEM((GCHUNK, HID), jnp.float32),
        pltpu.SemaphoreType.DMA,
        pltpu.SemaphoreType.DMA,
        pltpu.SemaphoreType.DMA,
        pltpu.SemaphoreType.DMA,
    ],
)


def _mlp33_body(s_ref, d_ref, ea_ref, wp1_ref, bp1_ref, wp2_ref, bp2_ref,
                o_ref):
    edge_inputs = jnp.concatenate(
        [s_ref[...], d_ref[...], ea_ref[...]], axis=-1)
    z = jnp.maximum(jnp.dot(edge_inputs, wp1_ref[...]) + bp1_ref[...], 0.0)
    o = jnp.dot(z, wp2_ref[...]) + bp2_ref[...]
    o_ref[...] = jnp.maximum(o, 0.0)


_MLP_BLK = 6400


def _edge_mlp33(gs, gd, ea, Wp1, bp1, Wp2, bp2):
    return pl.pallas_call(
        _mlp33_body,
        grid=(N_EDGES // _MLP_BLK,),
        in_specs=[
            pl.BlockSpec((_MLP_BLK, HID), lambda i: (i, 0)),
            pl.BlockSpec((_MLP_BLK, HID), lambda i: (i, 0)),
            pl.BlockSpec((_MLP_BLK, 1), lambda i: (i, 0)),
            pl.BlockSpec((2 * HID + 1, HID), lambda i: (0, 0)),
            pl.BlockSpec((1, HID), lambda i: (0, 0)),
            pl.BlockSpec((HID, 1), lambda i: (0, 0)),
            pl.BlockSpec((1, 1), lambda i: (0, 0)),
        ],
        out_specs=pl.BlockSpec((_MLP_BLK, 1), lambda i: (i, 0)),
        out_shape=jax.ShapeDtypeStruct((N_EDGES, 1), jnp.float32),
    )(gs, gd, ea, Wp1, bp1.reshape(1, HID), Wp2, bp2.reshape(1, 1))


def kernel(x, edge_index, edge_attr, W1, att_src1, att_dst1, We1, att_e1, b1,
           W2, att_src2, att_dst2, We2, att_e2, b2, Wp1, bp1, Wp2, bp2):
    src = edge_index[0]
    dst = edge_index[1]
    ea = edge_attr[:, 0]
    z16 = jnp.zeros((N_NODES, HID), jnp.float32)
    z1 = jnp.zeros((N_NODES,), jnp.float32)

    h = x
    for (W, a_s, a_d, We, a_e, b) in (
            (W1, att_src1, att_dst1, We1, att_e1, b1),
            (W2, att_src2, att_dst2, We2, att_e2, b2)):
        hw = h @ W
        asrc = (hw * a_s).sum(-1)
        adst = (hw * a_d).sum(-1)
        ce = (We[0] * a_e).sum()
        cev = jnp.full((16,), ce, jnp.float32)
        accp, denp = _gat_kernel(src, dst, ea, asrc, adst, hw, cev, z16, z1)
        acc = accp[0] + accp[1]
        den = denp[0] + denp[1]
        h = jax.nn.relu(acc / (den[:, None] + 1e-16) + b)

    gs, gd = _gather_kernel(src, dst, h)
    return _edge_mlp33(gs, gd, edge_attr, Wp1, bp1, Wp2, bp2)

# --- scband reference (transcript-rebuilt; emitter-appended) ---
"""Pipeline reference for scband-maritime-gat-16827681866281 (READ-ONLY COPY).

The authoritative reference and input builder live on the scoring server;
editing this copy changes nothing except your own understanding.
"""

import jax, jax.numpy as jnp
import numpy as np

N_NODES = 100000
N_EDGES = 3200000
NODE_IN = 3
EDGE_IN = 1
HID = 16
EDGE_OUT = 1


def _gat_conv(x, edge_index, edge_attr, W, att_src, att_dst, We, att_e, b):
    # PyG GATConv, heads=1, add_self_loops=False, edge_dim=EDGE_IN
    src = edge_index[0]
    dst = edge_index[1]
    N = x.shape[0]
    h = x @ W                                   # [N, C]
    a_src = (h * att_src).sum(-1)               # [N]
    a_dst = (h * att_dst).sum(-1)               # [N]
    e = edge_attr @ We                          # [E, C]
    a_e = (e * att_e).sum(-1)                   # [E]
    alpha = a_src[src] + a_dst[dst] + a_e       # [E]
    alpha = jax.nn.leaky_relu(alpha, 0.2)
    amax = jax.ops.segment_max(alpha, dst, num_segments=N)
    amax = jnp.where(jnp.isfinite(amax), amax, 0.0)
    ex = jnp.exp(alpha - amax[dst])
    denom = jax.ops.segment_sum(ex, dst, num_segments=N)
    coef = ex / (denom[dst] + 1e-16)
    out = jax.ops.segment_sum(h[src] * coef[:, None], dst, num_segments=N)
    return out + b


def setup_inputs(seed: int = 0) -> dict:
    key = jax.random.key(seed)
    ks = jax.random.split(key, 24)
    x = jax.random.normal(ks[0], (N_NODES, NODE_IN), dtype=jnp.float32)
    edge_index = jax.random.randint(ks[1], (2, N_EDGES), 0, N_NODES)
    edge_attr = jax.random.uniform(ks[2], (N_EDGES, EDGE_IN), dtype=jnp.float32)
    s = 0.1
    params = {
        'W1': jax.random.normal(ks[3], (NODE_IN, HID)) * s,
        'att_src1': jax.random.normal(ks[4], (HID,)) * s,
        'att_dst1': jax.random.normal(ks[5], (HID,)) * s,
        'We1': jax.random.normal(ks[6], (EDGE_IN, HID)) * s,
        'att_e1': jax.random.normal(ks[7], (HID,)) * s,
        'b1': jnp.zeros((HID,), jnp.float32),
        'W2': jax.random.normal(ks[8], (HID, HID)) * s,
        'att_src2': jax.random.normal(ks[9], (HID,)) * s,
        'att_dst2': jax.random.normal(ks[10], (HID,)) * s,
        'We2': jax.random.normal(ks[11], (EDGE_IN, HID)) * s,
        'att_e2': jax.random.normal(ks[12], (HID,)) * s,
        'b2': jnp.zeros((HID,), jnp.float32),
        'Wp1': jax.random.normal(ks[13], (HID * 2 + EDGE_IN, HID)) * s,
        'bp1': jnp.zeros((HID,), jnp.float32),
        'Wp2': jax.random.normal(ks[14], (HID, EDGE_OUT)) * s,
        'bp2': jnp.zeros((EDGE_OUT,), jnp.float32),
    }
    out = {'x': x, 'edge_index': edge_index, 'edge_attr': edge_attr}
    out.update(params)
    return out


def reference(x, edge_index, edge_attr, W1, att_src1, att_dst1, We1, att_e1, b1,
              W2, att_src2, att_dst2, We2, att_e2, b2, Wp1, bp1, Wp2, bp2):
    h = _gat_conv(x, edge_index, edge_attr, W1, att_src1, att_dst1, We1, att_e1, b1)
    h = jax.nn.relu(h)
    h = _gat_conv(h, edge_index, edge_attr, W2, att_src2, att_dst2, We2, att_e2, b2)
    h = jax.nn.relu(h)
    src = edge_index[0]
    dst = edge_index[1]
    src_emb = h[src]
    dst_emb = h[dst]
    edge_inputs = jnp.concatenate([src_emb, dst_emb, edge_attr], axis=-1)
    z = jax.nn.relu(edge_inputs @ Wp1 + bp1)
    out = z @ Wp2 + bp2
    return jax.nn.relu(out)

if __name__ == "__main__":
    import jax
    _d = setup_inputs()
    print(jax.jit(kernel)(*tuple(_d.values())))

</pallas_src>

<mosaic_0001>
#map = affine_map<(d0, d1) -> (0)>
#map1 = affine_map<(d0, d1) -> (0, 0)>
module attributes {stable_mosaic.version = 14 : i64} {
  func.func @_gather_body(%arg0: i32, %arg1: i32, %arg2: memref<3200000xi32, #tpu.memory_space<hbm>>, %arg3: memref<3200000xi32, #tpu.memory_space<hbm>>, %arg4: memref<100000x16xf32, #tpu.memory_space<hbm>>, %arg5: memref<3200000x16xf32, #tpu.memory_space<hbm>>, %arg6: memref<3200000x16xf32, #tpu.memory_space<hbm>>, %arg7: memref<2000xi32, #tpu.memory_space<vmem>>, %arg8: memref<2000xi32, #tpu.memory_space<vmem>>, %arg9: memref<2000x16xf32, #tpu.memory_space<vmem>>, %arg10: memref<2000x16xf32, #tpu.memory_space<vmem>>, %arg11: memref<!tpu.dma_semaphore, #tpu.memory_space<semaphore_mem>>, %arg12: memref<!tpu.dma_semaphore, #tpu.memory_space<semaphore_mem>>, %arg13: memref<!tpu.dma_semaphore, #tpu.memory_space<semaphore_mem>>, %arg14: memref<!tpu.dma_semaphore, #tpu.memory_space<semaphore_mem>>) attributes {dimension_semantics = [#tpu.dimension_semantics<core_parallel>, #tpu.dimension_semantics<subcore_parallel>], iteration_bounds = array<i64: 2, 16>, scalar_prefetch = 0 : i64, scratch_operands = 8 : i64, tpu.core_type = #tpu.core_type<sc_vector_subcore>, window_params = [{transform_indices = #map}, {transform_indices = #map}, {transform_indices = #map1}, {transform_indices = #map1}, {transform_indices = #map1}]} {
    %mul3A = arith.constant 16 : i32
    %mul3A_0 = arith.muli %arg0, %mul3A : i32
    %add3A = arith.addi %mul3A_0, %arg1 : i32
    %mul3A_1 = arith.constant 100000 : i32
    %mul3A_2 = arith.muli %add3A, %mul3A_1 : i32
    %scan3A = arith.constant 0 : i32
    %scan3A_3 = arith.constant 0 : i32
    %scan3A_4 = arith.constant 50 : i32
    %scan3A_5 = arith.addi %scan3A_3, %scan3A_4 : i32
    %scan3A_6 = arith.constant 1 : i32
    %scan3A_7 = scf.for %scan3A_9 = %scan3A_3 to %scan3A_5 step %scan3A_6 iter_args(%scan3A_10 = %scan3A) -> (i32)  : i32 {
      %mul3A_11 = arith.constant 2000 : i32
      %mul3A_12 = arith.muli %scan3A_9, %mul3A_11 : i32
      %add3A_13 = arith.addi %mul3A_2, %mul3A_12 : i32
      %dma_start3A = tpu.memref_slice %arg2[%add3A_13] : memref<3200000xi32, #tpu.memory_space<hbm>> -> memref<2000xi32, #tpu.memory_space<hbm>>
      %dma_start3A_14 = tpu.memref_slice %arg2[%add3A_13] : memref<3200000xi32, #tpu.memory_space<hbm>> -> memref<2000xi32, #tpu.memory_space<hbm>>
      tpu.enqueue_dma source(%dma_start3A_14 : memref<2000xi32, #tpu.memory_space<hbm>>) target(%arg7 : memref<2000xi32, #tpu.memory_space<vmem>>) target_semaphore(%arg11 : memref<!tpu.dma_semaphore, #tpu.memory_space<semaphore_mem>>)
      %dma_start3A_15 = tpu.memref_slice %arg3[%add3A_13] : memref<3200000xi32, #tpu.memory_space<hbm>> -> memref<2000xi32, #tpu.memory_space<hbm>>
      %dma_start3A_16 = tpu.memref_slice %arg3[%add3A_13] : memref<3200000xi32, #tpu.memory_space<hbm>> -> memref<2000xi32, #tpu.memory_space<hbm>>
      tpu.enqueue_dma source(%dma_start3A_16 : memref<2000xi32, #tpu.memory_space<hbm>>) target(%arg8 : memref<2000xi32, #tpu.memory_space<vmem>>) target_semaphore(%arg12 : memref<!tpu.dma_semaphore, #tpu.memory_space<semaphore_mem>>)
      %dma_wait3A = tpu.memref_slice %arg2[%add3A_13] : memref<3200000xi32, #tpu.memory_space<hbm>> -> memref<2000xi32, #tpu.memory_space<hbm>>
      %dma_wait3A_17 = tpu.memref_slice %arg2[%add3A_13] : memref<3200000xi32, #tpu.memory_space<hbm>> -> memref<2000xi32, #tpu.memory_space<hbm>>
      tpu.wait_dma2 semaphore(%arg11 : memref<!tpu.dma_semaphore, #tpu.memory_space<semaphore_mem>>) src(%dma_wait3A_17 : memref<2000xi32, #tpu.memory_space<hbm>>) dst(%arg7 : memref<2000xi32, #tpu.memory_space<vmem>>)
      %dma_start3A_18 = arith.constant 0 : i32
      %dma_start3A_19 = arith.constant 0 : i32
      %dma_start3A_20 = tpu.memref_slice %arg4[%dma_start3A_18, %dma_start3A_19] : memref<100000x16xf32, #tpu.memory_space<hbm>> -> memref<100000x16xf32, #tpu.memory_space<hbm>>
      tpu.enqueue_indirect_dma source(%dma_start3A_20 : memref<100000x16xf32, #tpu.memory_space<hbm>>) target(%arg9 : memref<2000x16xf32, #tpu.memory_space<vmem>>) offsets(%arg7 : memref<2000xi32, #tpu.memory_space<vmem>>) semaphore(%arg13 : memref<!tpu.dma_semaphore, #tpu.memory_space<semaphore_mem>>)
      %dma_wait3A_21 = tpu.memref_slice %arg3[%add3A_13] : memref<3200000xi32, #tpu.memory_space<hbm>> -> memref<2000xi32, #tpu.memory_space<hbm>>
      %dma_wait3A_22 = tpu.memref_slice %arg3[%add3A_13] : memref<3200000xi32, #tpu.memory_space<hbm>> -> memref<2000xi32, #tpu.memory_space<hbm>>
      tpu.wait_dma2 semaphore(%arg12 : memref<!tpu.dma_semaphore, #tpu.memory_space<semaphore_mem>>) src(%dma_wait3A_22 : memref<2000xi32, #tpu.memory_space<hbm>>) dst(%arg8 : memref<2000xi32, #tpu.memory_space<vmem>>)
      %dma_start3A_23 = arith.constant 0 : i32
      %dma_start3A_24 = arith.constant 0 : i32
      %dma_start3A_25 = tpu.memref_slice %arg4[%dma_start3A_23, %dma_start3A_24] : memref<100000x16xf32, #tpu.memory_space<hbm>> -> memref<100000x16xf32, #tpu.memory_space<hbm>>
      tpu.enqueue_indirect_dma source(%dma_start3A_25 : memref<100000x16xf32, #tpu.memory_space<hbm>>) target(%arg10 : memref<2000x16xf32, #tpu.memory_space<vmem>>) offsets(%arg8 : memref<2000xi32, #tpu.memory_space<vmem>>) semaphore(%arg14 : memref<!tpu.dma_semaphore, #tpu.memory_space<semaphore_mem>>)
      %dma_wait3A_26 = arith.constant 0 : i32
      %dma_wait3A_27 = arith.constant 0 : i32
      %dma_wait3A_28 = tpu.memref_slice %arg4[%dma_wait3A_26, %dma_wait3A_27] : memref<100000x16xf32, #tpu.memory_space<hbm>> -> memref<100000x16xf32, #tpu.memory_space<hbm>>
      tpu.wait_indirect_dma semaphore(%arg13 : memref<!tpu.dma_semaphore, #tpu.memory_space<semaphore_mem>>) src(%dma_wait3A_28 : memref<100000x16xf32, #tpu.memory_space<hbm>>) dst(%arg9 : memref<2000x16xf32, #tpu.memory_space<vmem>>)
      %dma_start3A_29 = arith.constant 0 : i32
      %dma_start3A_30 = tpu.memref_slice %arg5[%add3A_13, %dma_start3A_29] : memref<3200000x16xf32, #tpu.memory_space<hbm>> -> memref<2000x16xf32, #tpu.memory_space<hbm>>
      %dma_start3A_31 = arith.constant 0 : i32
      %dma_start3A_32 = tpu.memref_slice %arg5[%add3A_13, %dma_start3A_31] : memref<3200000x16xf32, #tpu.memory_space<hbm>> -> memref<2000x16xf32, #tpu.memory_space<hbm>>
      tpu.enqueue_dma source(%arg9 : memref<2000x16xf32, #tpu.memory_space<vmem>>) target(%dma_start3A_32 : memref<2000x16xf32, #tpu.memory_space<hbm>>) target_semaphore(%arg11 : memref<!tpu.dma_semaphore, #tpu.memory_space<semaphore_mem>>)
      %dma_wait3A_33 = arith.constant 0 : i32
      %dma_wait3A_34 = arith.constant 0 : i32
      %dma_wait3A_35 = tpu.memref_slice %arg4[%dma_wait3A_33, %dma_wait3A_34] : memref<100000x16xf32, #tpu.memory_space<hbm>> -> memref<100000x16xf32, #tpu.memory_space<hbm>>
      tpu.wait_indirect_dma semaphore(%arg14 : memref<!tpu.dma_semaphore, #tpu.memory_space<semaphore_mem>>) src(%dma_wait3A_35 : memref<100000x16xf32, #tpu.memory_space<hbm>>) dst(%arg10 : memref<2000x16xf32, #tpu.memory_space<vmem>>)
      %dma_start3A_36 = arith.constant 0 : i32
      %dma_start3A_37 = tpu.memref_slice %arg6[%add3A_13, %dma_start3A_36] : memref<3200000x16xf32, #tpu.memory_space<hbm>> -> memref<2000x16xf32, #tpu.memory_space<hbm>>
      %dma_start3A_38 = arith.constant 0 : i32
      %dma_start3A_39 = tpu.memref_slice %arg6[%add3A_13, %dma_start3A_38] : memref<3200000x16xf32, #tpu.memory_space<hbm>> -> memref<2000x16xf32, #tpu.memory_space<hbm>>
      tpu.enqueue_dma source(%arg10 : memref<2000x16xf32, #tpu.memory_space<vmem>>) target(%dma_start3A_39 : memref<2000x16xf32, #tpu.memory_space<hbm>>) target_semaphore(%arg12 : memref<!tpu.dma_semaphore, #tpu.memory_space<semaphore_mem>>)
      %dma_wait3A_40 = arith.constant 0 : i32
      %dma_wait3A_41 = tpu.memref_slice %arg5[%add3A_13, %dma_wait3A_40] : memref<3200000x16xf32, #tpu.memory_space<hbm>> -> memref<2000x16xf32, #tpu.memory_space<hbm>>
      %dma_wait3A_42 = arith.constant 0 : i32
      %dma_wait3A_43 = tpu.memref_slice %arg5[%add3A_13, %dma_wait3A_42] : memref<3200000x16xf32, #tpu.memory_space<hbm>> -> memref<2000x16xf32, #tpu.memory_space<hbm>>
      tpu.wait_dma2 semaphore(%arg11 : memref<!tpu.dma_semaphore, #tpu.memory_space<semaphore_mem>>) src(%arg9 : memref<2000x16xf32, #tpu.memory_space<vmem>>) dst(%dma_wait3A_43 : memref<2000x16xf32, #tpu.memory_space<hbm>>)
      %dma_wait3A_44 = arith.constant 0 : i32
      %dma_wait3A_45 = tpu.memref_slice %arg6[%add3A_13, %dma_wait3A_44] : memref<3200000x16xf32, #tpu.memory_space<hbm>> -> memref<2000x16xf32, #tpu.memory_space<hbm>>
      %dma_wait3A_46 = arith.constant 0 : i32
      %dma_wait3A_47 = tpu.memref_slice %arg6[%add3A_13, %dma_wait3A_46] : memref<3200000x16xf32, #tpu.memory_space<hbm>> -> memref<2000x16xf32, #tpu.memory_space<hbm>>
      tpu.wait_dma2 semaphore(%arg12 : memref<!tpu.dma_semaphore, #tpu.memory_space<semaphore_mem>>) src(%arg10 : memref<2000x16xf32, #tpu.memory_space<vmem>>) dst(%dma_wait3A_47 : memref<2000x16xf32, #tpu.memory_space<hbm>>)
      %scan3A_48 = arith.constant 0 : i32
      scf.yield %scan3A_48 : i32
    }
    %scan3A_8 = arith.constant 50 : i32
    return
  }
}

#map = affine_map<(d0, d1) -> (0)>
#map1 = affine_map<(d0, d1) -> (0, 0)>
#map2 = affine_map<(d0, d1) -> (0, 0, 0)>
module attributes {stable_mosaic.version = 14 : i64} {
  func.func @_gat_layer_body(%arg0: i32, %arg1: i32, %arg2: memref<3200000xi32, #tpu.memory_space<hbm>>, %arg3: memref<3200000xi32, #tpu.memory_space<hbm>>, %arg4: memref<3200000xf32, #tpu.memory_space<hbm>>, %arg5: memref<100000xf32, #tpu.memory_space<hbm>>, %arg6: memref<100000xf32, #tpu.memory_space<hbm>>, %arg7: memref<100000x16xf32, #tpu.memory_space<hbm>>, %arg8: memref<16xf32, #tpu.memory_space<hbm>>, %arg9: memref<100000x16xf32, #tpu.memory_space<hbm>>, %arg10: memref<100000xf32, #tpu.memory_space<hbm>>, %arg11: memref<2x100000x16xf32, #tpu.memory_space<hbm>>, %arg12: memref<2x100000xf32, #tpu.memory_space<hbm>>, %arg13: memref<400xi32, #tpu.memory_space<vmem>>, %arg14: memref<400xi32, #tpu.memory_space<vmem>>, %arg15: memref<400xf32, #tpu.memory_space<vmem>>, %arg16: memref<400xf32, #tpu.memory_space<vmem>>, %arg17: memref<400xf32, #tpu.memory_space<vmem>>, %arg18: memref<400xf32, #tpu.memory_space<vmem>>, %arg19: memref<400x16xf32, #tpu.memory_space<vmem>>, %arg20: memref<16xf32, #tpu.memory_space<vmem>>, %arg21: memref<100000xf32, #tpu.memory_space<vmem_shared>>, %arg22: memref<100000xf32, #tpu.memory_space<vmem_shared>>, %arg23: memref<100000xf32, #tpu.memory_space<vmem_shared>>, %arg24: memref<100000x16xf32, #tpu.memory_space<vmem_shared>>, %arg25: memref<!tpu.dma_semaphore, #tpu.memory_space<semaphore_mem>>, %arg26: memref<!tpu.dma_semaphore, #tpu.memory_space<semaphore_mem>>, %arg27: memref<!tpu.dma_semaphore, #tpu.memory_space<semaphore_mem>>, %arg28: memref<!tpu.dma_semaphore, #tpu.memory_space<semaphore_mem>>, %arg29: memref<!tpu.dma_semaphore, #tpu.memory_space<semaphore_mem>>) attributes {dimension_semantics = [#tpu.dimension_semantics<core_parallel>, #tpu.dimension_semantics<subcore_parallel>], iteration_bounds = array<i64: 2, 16>, scalar_prefetch = 0 : i64, scratch_operands = 17 : i64, tpu.core_type = #tpu.core_type<sc_vector_subcore>, window_params = [{transform_indices = #map}, {transform_indices = #map}, {transform_indices = #map}, {transform_indices = #map}, {transform_indices = #map}, {transform_indices = #map1}, {transform_indices = #map}, {transform_indices = #map1}, {transform_indices = #map}, {transform_indices = #map2}, {transform_indices = #map1}]} {
    %eq3A = arith.constant 0 : i32
    %eq3A_0 = arith.cmpi eq, %arg1, %eq3A : i32
    %convert_element_type3A = arith.extui %eq3A_0 : i1 to i32
    %cond3A = arith.constant 0 : i32
    %cond3A_1 = arith.cmpi ne, %convert_element_type3A, %cond3A : i32
    scf.if %cond3A_1 {
      "tpu.region"() ({
        %run_scoped3A = tpu.sem_alloc : memref<!tpu.dma_semaphore, #tpu.memory_space<semaphore_mem>>
        tpu.enqueue_dma source(%arg5 : memref<100000xf32, #tpu.memory_space<hbm>>) target(%arg21 : memref<100000xf32, #tpu.memory_space<vmem_shared>>) target_semaphore(%run_scoped3A : memref<!tpu.dma_semaphore, #tpu.memory_space<semaphore_mem>>)
        tpu.wait_dma2 semaphore(%run_scoped3A : memref<!tpu.dma_semaphore, #tpu.memory_space<semaphore_mem>>) src(%arg5 : memref<100000xf32, #tpu.memory_space<hbm>>) dst(%arg21 : memref<100000xf32, #tpu.memory_space<vmem_shared>>)
        tpu.yield
      }) : () -> ()
      "tpu.region"() ({
        %run_scoped3A = tpu.sem_alloc : memref<!tpu.dma_semaphore, #tpu.memory_space<semaphore_mem>>
        tpu.enqueue_dma source(%arg6 : memref<100000xf32, #tpu.memory_space<hbm>>) target(%arg22 : memref<100000xf32, #tpu.memory_space<vmem_shared>>) target_semaphore(%run_scoped3A : memref<!tpu.dma_semaphore, #tpu.memory_space<semaphore_mem>>)
        tpu.wait_dma2 semaphore(%run_scoped3A : memref<!tpu.dma_semaphore, #tpu.memory_space<semaphore_mem>>) src(%arg6 : memref<100000xf32, #tpu.memory_space<hbm>>) dst(%arg22 : memref<100000xf32, #tpu.memory_space<vmem_shared>>)
        tpu.yield
      }) : () -> ()
      "tpu.region"() ({
        %run_scoped3A = tpu.sem_alloc : memref<!tpu.dma_semaphore, #tpu.memory_space<semaphore_mem>>
        tpu.enqueue_dma source(%arg10 : memref<100000xf32, #tpu.memory_space<hbm>>) target(%arg23 : memref<100000xf32, #tpu.memory_space<vmem_shared>>) target_semaphore(%run_scoped3A : memref<!tpu.dma_semaphore, #tpu.memory_space<semaphore_mem>>)
        tpu.wait_dma2 semaphore(%run_scoped3A : memref<!tpu.dma_semaphore, #tpu.memory_space<semaphore_mem>>) src(%arg10 : memref<100000xf32, #tpu.memory_space<hbm>>) dst(%arg23 : memref<100000xf32, #tpu.memory_space<vmem_shared>>)
        tpu.yield
      }) : () -> ()
      "tpu.region"() ({
        %run_scoped3A = tpu.sem_alloc : memref<!tpu.dma_semaphore, #tpu.memory_space<semaphore_mem>>
        tpu.enqueue_dma source(%arg9 : memref<100000x16xf32, #tpu.memory_space<hbm>>) target(%arg24 : memref<100000x16xf32, #tpu.memory_space<vmem_shared>>) target_semaphore(%run_scoped3A : memref<!tpu.dma_semaphore, #tpu.memory_space<semaphore_mem>>)
        tpu.wait_dma2 semaphore(%run_scoped3A : memref<!tpu.dma_semaphore, #tpu.memory_space<semaphore_mem>>) src(%arg9 : memref<100000x16xf32, #tpu.memory_space<hbm>>) dst(%arg24 : memref<100000x16xf32, #tpu.memory_space<vmem_shared>>)
        tpu.yield
      }) : () -> ()
    } else {
    }
    %barrier3A = arith.constant 0 : index
    tpu.barrier barrier_id(%barrier3A)
    "tpu.region"() ({
      %run_scoped3A = tpu.sem_alloc : memref<!tpu.dma_semaphore, #tpu.memory_space<semaphore_mem>>
      tpu.enqueue_dma source(%arg8 : memref<16xf32, #tpu.memory_space<hbm>>) target(%arg20 : memref<16xf32, #tpu.memory_space<vmem>>) target_semaphore(%run_scoped3A : memref<!tpu.dma_semaphore, #tpu.memory_space<semaphore_mem>>)
      tpu.wait_dma2 semaphore(%run_scoped3A : memref<!tpu.dma_semaphore, #tpu.memory_space<semaphore_mem>>) src(%arg8 : memref<16xf32, #tpu.memory_space<hbm>>) dst(%arg20 : memref<16xf32, #tpu.memory_space<vmem>>)
      tpu.yield
    }) : () -> ()
    %get3A = arith.constant 0 : index
    %get3A_2 = tpu.vector_load %arg20[%get3A] {strides = array<i32>} : memref<16xf32, #tpu.memory_space<vmem>>, vector<16xf32>,
    %get3A_3 = vector.shape_cast %get3A_2 : vector<16xf32> to vector<16xf32>
    %mul3A = arith.constant 16 : i32
    %mul3A_4 = arith.muli %arg0, %mul3A : i32
    %add3A = arith.addi %mul3A_4, %arg1 : i32
    %mul3A_5 = arith.constant 100000 : i32
    %mul3A_6 = arith.muli %add3A, %mul3A_5 : i32
    %scan3A = arith.constant 0 : i32
    %scan3A_7 = arith.constant 0 : i32
    %scan3A_8 = arith.constant 250 : i32
    %scan3A_9 = arith.addi %scan3A_7, %scan3A_8 : i32
    %scan3A_10 = arith.constant 1 : i32
    %scan3A_11 = scf.for %scan3A_19 = %scan3A_7 to %scan3A_9 step %scan3A_10 iter_args(%scan3A_20 = %scan3A) -> (i32)  : i32 {
      %mul3A_21 = arith.constant 400 : i32
      %mul3A_22 = arith.muli %scan3A_19, %mul3A_21 : i32
      %add3A_23 = arith.addi %mul3A_6, %mul3A_22 : i32
      %dma_start3A = tpu.memref_slice %arg2[%add3A_23] : memref<3200000xi32, #tpu.memory_space<hbm>> -> memref<400xi32, #tpu.memory_space<hbm>>
      %dma_start3A_24 = tpu.memref_slice %arg2[%add3A_23] : memref<3200000xi32, #tpu.memory_space<hbm>> -> memref<400xi32, #tpu.memory_space<hbm>>
      tpu.enqueue_dma source(%dma_start3A_24 : memref<400xi32, #tpu.memory_space<hbm>>) target(%arg13 : memref<400xi32, #tpu.memory_space<vmem>>) target_semaphore(%arg25 : memref<!tpu.dma_semaphore, #tpu.memory_space<semaphore_mem>>)
      %dma_start3A_25 = tpu.memref_slice %arg3[%add3A_23] : memref<3200000xi32, #tpu.memory_space<hbm>> -> memref<400xi32, #tpu.memory_space<hbm>>
      %dma_start3A_26 = tpu.memref_slice %arg3[%add3A_23] : memref<3200000xi32, #tpu.memory_space<hbm>> -> memref<400xi32, #tpu.memory_space<hbm>>
      tpu.enqueue_dma source(%dma_start3A_26 : memref<400xi32, #tpu.memory_space<hbm>>) target(%arg14 : memref<400xi32, #tpu.memory_space<vmem>>) target_semaphore(%arg26 : memref<!tpu.dma_semaphore, #tpu.memory_space<semaphore_mem>>)
      %dma_start3A_27 = tpu.memref_slice %arg4[%add3A_23] : memref<3200000xf32, #tpu.memory_space<hbm>> -> memref<400xf32, #tpu.memory_space<hbm>>
      %dma_start3A_28 = tpu.memref_slice %arg4[%add3A_23] : memref<3200000xf32, #tpu.memory_space<hbm>> -> memref<400xf32, #tpu.memory_space<hbm>>
      tpu.enqueue_dma source(%dma_start3A_28 : memref<400xf32, #tpu.memory_space<hbm>>) target(%arg15 : memref<400xf32, #tpu.memory_space<vmem>>) target_semaphore(%arg27 : memref<!tpu.dma_semaphore, #tpu.memory_space<semaphore_mem>>)
      %dma_wait3A = tpu.memref_slice %arg2[%add3A_23] : memref<3200000xi32, #tpu.memory_space<hbm>> -> memref<400xi32, #tpu.memory_space<hbm>>
      %dma_wait3A_29 = tpu.memref_slice %arg2[%add3A_23] : memref<3200000xi32, #tpu.memory_space<hbm>> -> memref<400xi32, #tpu.memory_space<hbm>>
      tpu.wait_dma2 semaphore(%arg25 : memref<!tpu.dma_semaphore, #tpu.memory_space<semaphore_mem>>) src(%dma_wait3A_29 : memref<400xi32, #tpu.memory_space<hbm>>) dst(%arg13 : memref<400xi32, #tpu.memory_space<vmem>>)
      %dma_start3A_30 = arith.constant 0 : i32
      %dma_start3A_31 = tpu.memref_slice %arg21[%dma_start3A_30] : memref<100000xf32, #tpu.memory_space<vmem_shared>> -> memref<100000xf32, #tpu.memory_space<vmem_shared>>
      tpu.enqueue_indirect_dma source(%dma_start3A_31 : memref<100000xf32, #tpu.memory_space<vmem_shared>>) target(%arg16 : memref<400xf32, #tpu.memory_space<vmem>>) offsets(%arg13 : memref<400xi32, #tpu.memory_space<vmem>>) semaphore(%arg28 : memref<!tpu.dma_semaphore, #tpu.memory_space<semaphore_mem>>)
      %dma_start3A_32 = arith.constant 0 : i32
      %dma_start3A_33 = arith.constant 0 : i32
      %dma_start3A_34 = tpu.memref_slice %arg7[%dma_start3A_32, %dma_start3A_33] : memref<100000x16xf32, #tpu.memory_space<hbm>> -> memref<100000x16xf32, #tpu.memory_space<hbm>>
      tpu.enqueue_indirect_dma source(%dma_start3A_34 : memref<100000x16xf32, #tpu.memory_space<hbm>>) target(%arg19 : memref<400x16xf32, #tpu.memory_space<vmem>>) offsets(%arg13 : memref<400xi32, #tpu.memory_space<vmem>>) semaphore(%arg25 : memref<!tpu.dma_semaphore, #tpu.memory_space<semaphore_mem>>)
      %dma_wait3A_35 = tpu.memref_slice %arg3[%add3A_23] : memref<3200000xi32, #tpu.memory_space<hbm>> -> memref<400xi32, #tpu.memory_space<hbm>>
      %dma_wait3A_36 = tpu.memref_slice %arg3[%add3A_23] : memref<3200000xi32, #tpu.memory_space<hbm>> -> memref<400xi32, #tpu.memory_space<hbm>>
      tpu.wait_dma2 semaphore(%arg26 : memref<!tpu.dma_semaphore, #tpu.memory_space<semaphore_mem>>) src(%dma_wait3A_36 : memref<400xi32, #tpu.memory_space<hbm>>) dst(%arg14 : memref<400xi32, #tpu.memory_space<vmem>>)
      %dma_start3A_37 = arith.constant 0 : i32
      %dma_start3A_38 = tpu.memref_slice %arg22[%dma_start3A_37] : memref<100000xf32, #tpu.memory_space<vmem_shared>> -> memref<100000xf32, #tpu.memory_space<vmem_shared>>
      tpu.enqueue_indirect_dma source(%dma_start3A_38 : memref<100000xf32, #tpu.memory_space<vmem_shared>>) target(%arg17 : memref<400xf32, #tpu.memory_space<vmem>>) offsets(%arg14 : memref<400xi32, #tpu.memory_space<vmem>>) semaphore(%arg29 : memref<!tpu.dma_semaphore, #tpu.memory_space<semaphore_mem>>)
      %dma_wait3A_39 = tpu.memref_slice %arg4[%add3A_23] : memref<3200000xf32, #tpu.memory_space<hbm>> -> memref<400xf32, #tpu.memory_space<hbm>>
      %dma_wait3A_40 = tpu.memref_slice %arg4[%add3A_23] : memref<3200000xf32, #tpu.memory_space<hbm>> -> memref<400xf32, #tpu.memory_space<hbm>>
      tpu.wait_dma2 semaphore(%arg27 : memref<!tpu.dma_semaphore, #tpu.memory_space<semaphore_mem>>) src(%dma_wait3A_40 : memref<400xf32, #tpu.memory_space<hbm>>) dst(%arg15 : memref<400xf32, #tpu.memory_space<vmem>>)
      %dma_wait3A_41 = arith.constant 0 : i32
      %dma_wait3A_42 = tpu.memref_slice %arg21[%dma_wait3A_41] : memref<100000xf32, #tpu.memory_space<vmem_shared>> -> memref<100000xf32, #tpu.memory_space<vmem_shared>>
      tpu.wait_indirect_dma semaphore(%arg28 : memref<!tpu.dma_semaphore, #tpu.memory_space<semaphore_mem>>) src(%dma_wait3A_42 : memref<100000xf32, #tpu.memory_space<vmem_shared>>) dst(%arg16 : memref<400xf32, #tpu.memory_space<vmem>>)
      %dma_wait3A_43 = arith.constant 0 : i32
      %dma_wait3A_44 = tpu.memref_slice %arg22[%dma_wait3A_43] : memref<100000xf32, #tpu.memory_space<vmem_shared>> -> memref<100000xf32, #tpu.memory_space<vmem_shared>>
      tpu.wait_indirect_dma semaphore(%arg29 : memref<!tpu.dma_semaphore, #tpu.memory_space<semaphore_mem>>) src(%dma_wait3A_44 : memref<100000xf32, #tpu.memory_space<vmem_shared>>) dst(%arg17 : memref<400xf32, #tpu.memory_space<vmem>>)
      %scan3A_45 = arith.constant 0 : i32
      %scan3A_46 = arith.constant 0 : i32
      %scan3A_47 = arith.constant 24 : i32
      %scan3A_48 = arith.addi %scan3A_46, %scan3A_47 : i32
      %scan3A_49 = arith.constant 4 : i32
      %scan3A_50 = scf.for %scan3A_98 = %scan3A_46 to %scan3A_48 step %scan3A_49 iter_args(%scan3A_99 = %scan3A_45) -> (i32)  : i32 {
        %mul3A_100 = arith.constant 16 : i32
        %mul3A_101 = arith.muli %scan3A_98, %mul3A_100 : i32
        %get3A_102 = arith.index_cast %mul3A_101 : i32 to index
        %get3A_103 = tpu.vector_load %arg16[%get3A_102] {strides = array<i32>} : memref<400xf32, #tpu.memory_space<vmem>>, vector<16xf32>,
        %get3A_104 = vector.shape_cast %get3A_103 : vector<16xf32> to vector<16xf32>
        %get3A_105 = arith.index_cast %mul3A_101 : i32 to index
        %get3A_106 = tpu.vector_load %arg17[%get3A_105] {strides = array<i32>} : memref<400xf32, #tpu.memory_space<vmem>>, vector<16xf32>,
        %get3A_107 = vector.shape_cast %get3A_106 : vector<16xf32> to vector<16xf32>
        %add3A_108 = arith.addf %get3A_104, %get3A_107 : vector<16xf32>
        %get3A_109 = arith.index_cast %mul3A_101 : i32 to index
        %get3A_110 = tpu.vector_load %arg15[%get3A_109] {strides = array<i32>} : memref<400xf32, #tpu.memory_space<vmem>>, vector<16xf32>,
        %get3A_111 = vector.shape_cast %get3A_110 : vector<16xf32> to vector<16xf32>
        %mul3A_112 = arith.mulf %get3A_111, %get3A_3 : vector<16xf32>
        %add3A_113 = arith.addf %add3A_108, %mul3A_112 : vector<16xf32>
        %ge3A_114 = arith.constant 0.000000e+00 : f32
        %ge3A_115 = vector.broadcast %ge3A_114 : f32 to vector<16xf32>
        %ge3A_116 = arith.cmpf oge, %add3A_113, %ge3A_115 : vector<16xf32>
        %mul3A_117 = arith.constant 2.000000e-01 : f32
        %mul3A_118 = vector.broadcast %mul3A_117 : f32 to vector<16xf32>
        %mul3A_119 = arith.mulf %add3A_113, %mul3A_118 : vector<16xf32>
        %select_n3A_120 = arith.select %ge3A_116, %add3A_113, %mul3A_119 : vector<16xi1>, vector<16xf32>
        %exp3A_121 = math.exp %select_n3A_120 : vector<16xf32>
        %swap3A_122 = arith.index_cast %mul3A_101 : i32 to index
        %swap3A_123 = tpu.vector_load %arg18[%swap3A_122] {strides = array<i32>} : memref<400xf32, #tpu.memory_space<vmem>>, vector<16xf32>,
        %swap3A_124 = vector.shape_cast %swap3A_123 : vector<16xf32> to vector<16xf32>
        %swap3A_125 = vector.shape_cast %exp3A_121 : vector<16xf32> to vector<16xf32>
        tpu.vector_store %arg18[%swap3A_122], %swap3A_125 {strides = array<i32>} : memref<400xf32, #tpu.memory_space<vmem>>, vector<16xf32>,
        %scan3A_126 = arith.constant 0 : i32
        %scan3A_127 = arith.constant 1 : i32
        %scan3A_128 = arith.addi %scan3A_98, %scan3A_127 : i32
        %mul3A_129 = arith.constant 16 : i32
        %mul3A_130 = arith.muli %scan3A_128, %mul3A_129 : i32
        %get3A_131 = arith.index_cast %mul3A_130 : i32 to index
        %get3A_132 = tpu.vector_load %arg16[%get3A_131] {strides = array<i32>} : memref<400xf32, #tpu.memory_space<vmem>>, vector<16xf32>,
        %get3A_133 = vector.shape_cast %get3A_132 : vector<16xf32> to vector<16xf32>
        %get3A_134 = arith.index_cast %mul3A_130 : i32 to index
        %get3A_135 = tpu.vector_load %arg17[%get3A_134] {strides = array<i32>} : memref<400xf32, #tpu.memory_space<vmem>>, vector<16xf32>,
        %get3A_136 = vector.shape_cast %get3A_135 : vector<16xf32> to vector<16xf32>
        %add3A_137 = arith.addf %get3A_133, %get3A_136 : vector<16xf32>
        %get3A_138 = arith.index_cast %mul3A_130 : i32 to index
        %get3A_139 = tpu.vector_load %arg15[%get3A_138] {strides = array<i32>} : memref<400xf32, #tpu.memory_space<vmem>>, vector<16xf32>,
        %get3A_140 = vector.shape_cast %get3A_139 : vector<16xf32> to vector<16xf32>
        %mul3A_141 = arith.mulf %get3A_140, %get3A_3 : vector<16xf32>
        %add3A_142 = arith.addf %add3A_137, %mul3A_141 : vector<16xf32>
        %ge3A_143 = arith.constant 0.000000e+00 : f32
        %ge3A_144 = vector.broadcast %ge3A_143 : f32 to vector<16xf32>
        %ge3A_145 = arith.cmpf oge, %add3A_142, %ge3A_144 : vector<16xf32>
        %mul3A_146 = arith.constant 2.000000e-01 : f32
        %mul3A_147 = vector.broadcast %mul3A_146 : f32 to vector<16xf32>
        %mul3A_148 = arith.mulf %add3A_142, %mul3A_147 : vector<16xf32>
        %select_n3A_149 = arith.select %ge3A_145, %add3A_142, %mul3A_148 : vector<16xi1>, vector<16xf32>
        %exp3A_150 = math.exp %select_n3A_149 : vector<16xf32>
        %swap3A_151 = arith.index_cast %mul3A_130 : i32 to index
        %swap3A_152 = tpu.vector_load %arg18[%swap3A_151] {strides = array<i32>} : memref<400xf32, #tpu.memory_space<vmem>>, vector<16xf32>,
        %swap3A_153 = vector.shape_cast %swap3A_152 : vector<16xf32> to vector<16xf32>
        %swap3A_154 = vector.shape_cast %exp3A_150 : vector<16xf32> to vector<16xf32>
        tpu.vector_store %arg18[%swap3A_151], %swap3A_154 {strides = array<i32>} : memref<400xf32, #tpu.memory_space<vmem>>, vector<16xf32>,
        %scan3A_155 = arith.constant 0 : i32
        %scan3A_156 = arith.constant 2 : i32
        %scan3A_157 = arith.addi %scan3A_98, %scan3A_156 : i32
        %mul3A_158 = arith.constant 16 : i32
        %mul3A_159 = arith.muli %scan3A_157, %mul3A_158 : i32
        %get3A_160 = arith.index_cast %mul3A_159 : i32 to index
        %get3A_161 = tpu.vector_load %arg16[%get3A_160] {strides = array<i32>} : memref<400xf32, #tpu.memory_space<vmem>>, vector<16xf32>,
        %get3A_162 = vector.shape_cast %get3A_161 : vector<16xf32> to vector<16xf32>
        %get3A_163 = arith.index_cast %mul3A_159 : i32 to index
        %get3A_164 = tpu.vector_load %arg17[%get3A_163] {strides = array<i32>} : memref<400xf32, #tpu.memory_space<vmem>>, vector<16xf32>,
        %get3A_165 = vector.shape_cast %get3A_164 : vector<16xf32> to vector<16xf32>
        %add3A_166 = arith.addf %get3A_162, %get3A_165 : vector<16xf32>
        %get3A_167 = arith.index_cast %mul3A_159 : i32 to index
        %get3A_168 = tpu.vector_load %arg15[%get3A_167] {strides = array<i32>} : memref<400xf32, #tpu.memory_space<vmem>>, vector<16xf32>,
        %get3A_169 = vector.shape_cast %get3A_168 : vector<16xf32> to vector<16xf32>
        %mul3A_170 = arith.mulf %get3A_169, %get3A_3 : vector<16xf32>
        %add3A_171 = arith.addf %add3A_166, %mul3A_170 : vector<16xf32>
        %ge3A_172 = arith.constant 0.000000e+00 : f32
        %ge3A_173 = vector.broadcast %ge3A_172 : f32 to vector<16xf32>
        %ge3A_174 = arith.cmpf oge, %add3A_171, %ge3A_173 : vector<16xf32>
        %mul3A_175 = arith.constant 2.000000e-01 : f32
        %mul3A_176 = vector.broadcast %mul3A_175 : f32 to vector<16xf32>
        %mul3A_177 = arith.mulf %add3A_171, %mul3A_176 : vector<16xf32>
        %select_n3A_178 = arith.select %ge3A_174, %add3A_171, %mul3A_177 : vector<16xi1>, vector<16xf32>
        %exp3A_179 = math.exp %select_n3A_178 : vector<16xf32>
        %swap3A_180 = arith.index_cast %mul3A_159 : i32 to index
        %swap3A_181 = tpu.vector_load %arg18[%swap3A_180] {strides = array<i32>} : memref<400xf32, #tpu.memory_space<vmem>>, vector<16xf32>,
        %swap3A_182 = vector.shape_cast %swap3A_181 : vector<16xf32> to vector<16xf32>
        %swap3A_183 = vector.shape_cast %exp3A_179 : vector<16xf32> to vector<16xf32>
        tpu.vector_store %arg18[%swap3A_180], %swap3A_183 {strides = array<i32>} : memref<400xf32, #tpu.memory_space<vmem>>, vector<16xf32>,
        %scan3A_184 = arith.constant 0 : i32
        %scan3A_185 = arith.constant 3 : i32
        %scan3A_186 = arith.addi %scan3A_98, %scan3A_185 : i32
        %mul3A_187 = arith.constant 16 : i32
        %mul3A_188 = arith.muli %scan3A_186, %mul3A_187 : i32
        %get3A_189 = arith.index_cast %mul3A_188 : i32 to index
        %get3A_190 = tpu.vector_load %arg16[%get3A_189] {strides = array<i32>} : memref<400xf32, #tpu.memory_space<vmem>>, vector<16xf32>,
        %get3A_191 = vector.shape_cast %get3A_190 : vector<16xf32> to vector<16xf32>
        %get3A_192 = arith.index_cast %mul3A_188 : i32 to index
        %get3A_193 = tpu.vector_load %arg17[%get3A_192] {strides = array<i32>} : memref<400xf32, #tpu.memory_space<vmem>>, vector<16xf32>,
        %get3A_194 = vector.shape_cast %get3A_193 : vector<16xf32> to vector<16xf32>
        %add3A_195 = arith.addf %get3A_191, %get3A_194 : vector<16xf32>
        %get3A_196 = arith.index_cast %mul3A_188 : i32 to index
        %get3A_197 = tpu.vector_load %arg15[%get3A_196] {strides = array<i32>} : memref<400xf32, #tpu.memory_space<vmem>>, vector<16xf32>,
        %get3A_198 = vector.shape_cast %get3A_197 : vector<16xf32> to vector<16xf32>
        %mul3A_199 = arith.mulf %get3A_198, %get3A_3 : vector<16xf32>
        %add3A_200 = arith.addf %add3A_195, %mul3A_199 : vector<16xf32>
        %ge3A_201 = arith.constant 0.000000e+00 : f32
        %ge3A_202 = vector.broadcast %ge3A_201 : f32 to vector<16xf32>
        %ge3A_203 = arith.cmpf oge, %add3A_200, %ge3A_202 : vector<16xf32>
        %mul3A_204 = arith.constant 2.000000e-01 : f32
        %mul3A_205 = vector.broadcast %mul3A_204 : f32 to vector<16xf32>
        %mul3A_206 = arith.mulf %add3A_200, %mul3A_205 : vector<16xf32>
        %select_n3A_207 = arith.select %ge3A_203, %add3A_200, %mul3A_206 : vector<16xi1>, vector<16xf32>
        %exp3A_208 = math.exp %select_n3A_207 : vector<16xf32>
        %swap3A_209 = arith.index_cast %mul3A_188 : i32 to index
        %swap3A_210 = tpu.vector_load %arg18[%swap3A_209] {strides = array<i32>} : memref<400xf32, #tpu.memory_space<vmem>>, vector<16xf32>,
        %swap3A_211 = vector.shape_cast %swap3A_210 : vector<16xf32> to vector<16xf32>
        %swap3A_212 = vector.shape_cast %exp3A_208 : vector<16xf32> to vector<16xf32>
        tpu.vector_store %arg18[%swap3A_209], %swap3A_212 {strides = array<i32>} : memref<400xf32, #tpu.memory_space<vmem>>, vector<16xf32>,
        %scan3A_213 = arith.constant 0 : i32
        scf.yield %scan3A_213 : i32
      }
      %scan3A_51 = arith.constant 24 : i32
      %scan3A_52 = arith.addi %scan3A_46, %scan3A_51 : i32
      %mul3A_53 = arith.constant 16 : i32
      %mul3A_54 = arith.muli %scan3A_52, %mul3A_53 : i32
      %get3A_55 = arith.index_cast %mul3A_54 : i32 to index
      %get3A_56 = tpu.vector_load %arg16[%get3A_55] {strides = array<i32>} : memref<400xf32, #tpu.memory_space<vmem>>, vector<16xf32>,
      %get3A_57 = vector.shape_cast %get3A_56 : vector<16xf32> to vector<16xf32>
      %get3A_58 = arith.index_cast %mul3A_54 : i32 to index
      %get3A_59 = tpu.vector_load %arg17[%get3A_58] {strides = array<i32>} : memref<400xf32, #tpu.memory_space<vmem>>, vector<16xf32>,
      %get3A_60 = vector.shape_cast %get3A_59 : vector<16xf32> to vector<16xf32>
      %add3A_61 = arith.addf %get3A_57, %get3A_60 : vector<16xf32>
      %get3A_62 = arith.index_cast %mul3A_54 : i32 to index
      %get3A_63 = tpu.vector_load %arg15[%get3A_62] {strides = array<i32>} : memref<400xf32, #tpu.memory_space<vmem>>, vector<16xf32>,
      %get3A_64 = vector.shape_cast %get3A_63 : vector<16xf32> to vector<16xf32>
      %mul3A_65 = arith.mulf %get3A_64, %get3A_3 : vector<16xf32>
      %add3A_66 = arith.addf %add3A_61, %mul3A_65 : vector<16xf32>
      %ge3A = arith.constant 0.000000e+00 : f32
      %ge3A_67 = vector.broadcast %ge3A : f32 to vector<16xf32>
      %ge3A_68 = arith.cmpf oge, %add3A_66, %ge3A_67 : vector<16xf32>
      %mul3A_69 = arith.constant 2.000000e-01 : f32
      %mul3A_70 = vector.broadcast %mul3A_69 : f32 to vector<16xf32>
      %mul3A_71 = arith.mulf %add3A_66, %mul3A_70 : vector<16xf32>
      %select_n3A = arith.select %ge3A_68, %add3A_66, %mul3A_71 : vector<16xi1>, vector<16xf32>
      %exp3A = math.exp %select_n3A : vector<16xf32>
      %swap3A = arith.index_cast %mul3A_54 : i32 to index
      %swap3A_72 = tpu.vector_load %arg18[%swap3A] {strides = array<i32>} : memref<400xf32, #tpu.memory_space<vmem>>, vector<16xf32>,
      %swap3A_73 = vector.shape_cast %swap3A_72 : vector<16xf32> to vector<16xf32>
      %swap3A_74 = vector.shape_cast %exp3A : vector<16xf32> to vector<16xf32>
      tpu.vector_store %arg18[%swap3A], %swap3A_74 {strides = array<i32>} : memref<400xf32, #tpu.memory_space<vmem>>, vector<16xf32>,
      %scan3A_75 = arith.constant 0 : i32
      %scan3A_76 = arith.constant 25 : i32
      %dma_start3A_77 = arith.constant 0 : i32
      %dma_start3A_78 = tpu.memref_slice %arg23[%dma_start3A_77] : memref<100000xf32, #tpu.memory_space<vmem_shared>> -> memref<100000xf32, #tpu.memory_space<vmem_shared>>
      tpu.enqueue_indirect_dma source(%arg18 : memref<400xf32, #tpu.memory_space<vmem>>) target(%dma_start3A_78 : memref<100000xf32, #tpu.memory_space<vmem_shared>>) offsets(%arg14 : memref<400xi32, #tpu.memory_space<vmem>>) semaphore(%arg26 : memref<!tpu.dma_semaphore, #tpu.memory_space<semaphore_mem>>) {add = true}
      %dma_wait3A_79 = arith.constant 0 : i32
      %dma_wait3A_80 = arith.constant 0 : i32
      %dma_wait3A_81 = tpu.memref_slice %arg7[%dma_wait3A_79, %dma_wait3A_80] : memref<100000x16xf32, #tpu.memory_space<hbm>> -> memref<100000x16xf32, #tpu.memory_space<hbm>>
      tpu.wait_indirect_dma semaphore(%arg25 : memref<!tpu.dma_semaphore, #tpu.memory_space<semaphore_mem>>) src(%dma_wait3A_81 : memref<100000x16xf32, #tpu.memory_space<hbm>>) dst(%arg19 : memref<400x16xf32, #tpu.memory_space<vmem>>)
      %scan3A_82 = arith.constant 0 : i32
      %scan3A_83 = arith.constant 0 : i32
      %scan3A_84 = arith.constant 25 : i32
      %scan3A_85 = arith.addi %scan3A_83, %scan3A_84 : i32
      %scan3A_86 = arith.constant 1 : i32
      %scan3A_87 = scf.for %scan3A_98 = %scan3A_83 to %scan3A_85 step %scan3A_86 iter_args(%scan3A_99 = %scan3A_82) -> (i32)  : i32 {
        %mul3A_100 = arith.constant 16 : i32
        %mul3A_101 = arith.muli %scan3A_98, %mul3A_100 : i32
        %get3A_102 = arith.index_cast %mul3A_101 : i32 to index
        %get3A_103 = tpu.vector_load %arg18[%get3A_102] {strides = array<i32>} : memref<400xf32, #tpu.memory_space<vmem>>, vector<16xf32>,
        %get3A_104 = vector.shape_cast %get3A_103 : vector<16xf32> to vector<16xf32>
        %mul3A_105 = arith.constant 16 : i32
        %mul3A_106 = arith.muli %scan3A_98, %mul3A_105 : i32
        %add3A_107 = arith.constant 0 : i32
        %add3A_108 = arith.addi %mul3A_106, %add3A_107 : i32
        %get3A_109 = arith.index_cast %add3A_108 : i32 to index
        %get3A_110 = arith.constant 0 : index
        %get3A_111 = tpu.vector_load %arg19[%get3A_109, %get3A_110] {strides = array<i32>} : memref<400x16xf32, #tpu.memory_space<vmem>>, vector<1x16xf32>,
        %get3A_112 = vector.shape_cast %get3A_111 : vector<1x16xf32> to vector<16xf32>
        %slice3A = vector.extract_strided_slice %get3A_104 {offsets = [0], sizes = [1], strides = [1]} : vector<16xf32> to vector<1xf32>
        %squeeze3A = vector.extract %slice3A[0] : f32 from vector<1xf32>
        %mul3A_113 = vector.broadcast %squeeze3A : f32 to vector<16xf32>
        %mul3A_114 = arith.mulf %get3A_112, %mul3A_113 : vector<16xf32>
        %swap3A_115 = arith.index_cast %add3A_108 : i32 to index
        %swap3A_116 = arith.constant 0 : index
        %swap3A_117 = tpu.vector_load %arg19[%swap3A_115, %swap3A_116] {strides = array<i32>} : memref<400x16xf32, #tpu.memory_space<vmem>>, vector<1x16xf32>,
        %swap3A_118 = vector.shape_cast %swap3A_117 : vector<1x16xf32> to vector<16xf32>
        %swap3A_119 = vector.shape_cast %mul3A_114 : vector<16xf32> to vector<1x16xf32>
        tpu.vector_store %arg19[%swap3A_115, %swap3A_116], %swap3A_119 {strides = array<i32>} : memref<400x16xf32, #tpu.memory_space<vmem>>, vector<1x16xf32>,
        %mul3A_120 = arith.constant 16 : i32
        %mul3A_121 = arith.muli %scan3A_98, %mul3A_120 : i32
        %add3A_122 = arith.constant 1 : i32
        %add3A_123 = arith.addi %mul3A_121, %add3A_122 : i32
        %get3A_124 = arith.index_cast %add3A_123 : i32 to index
        %get3A_125 = arith.constant 0 : index
        %get3A_126 = tpu.vector_load %arg19[%get3A_124, %get3A_125] {strides = array<i32>} : memref<400x16xf32, #tpu.memory_space<vmem>>, vector<1x16xf32>,
        %get3A_127 = vector.shape_cast %get3A_126 : vector<1x16xf32> to vector<16xf32>
        %slice3A_128 = vector.extract_strided_slice %get3A_104 {offsets = [1], sizes = [1], strides = [1]} : vector<16xf32> to vector<1xf32>
        %squeeze3A_129 = vector.extract %slice3A_128[0] : f32 from vector<1xf32>
        %mul3A_130 = vector.broadcast %squeeze3A_129 : f32 to vector<16xf32>
        %mul3A_131 = arith.mulf %get3A_127, %mul3A_130 : vector<16xf32>
        %swap3A_132 = arith.index_cast %add3A_123 : i32 to index
        %swap3A_133 = arith.constant 0 : index
        %swap3A_134 = tpu.vector_load %arg19[%swap3A_132, %swap3A_133] {strides = array<i32>} : memref<400x16xf32, #tpu.memory_space<vmem>>, vector<1x16xf32>,
        %swap3A_135 = vector.shape_cast %swap3A_134 : vector<1x16xf32> to vector<16xf32>
        %swap3A_136 = vector.shape_cast %mul3A_131 : vector<16xf32> to vector<1x16xf32>
        tpu.vector_store %arg19[%swap3A_132, %swap3A_133], %swap3A_136 {strides = array<i32>} : memref<400x16xf32, #tpu.memory_space<vmem>>, vector<1x16xf32>,
        %mul3A_137 = arith.constant 16 : i32
        %mul3A_138 = arith.muli %scan3A_98, %mul3A_137 : i32
        %add3A_139 = arith.constant 2 : i32
        %add3A_140 = arith.addi %mul3A_138, %add3A_139 : i32
        %get3A_141 = arith.index_cast %add3A_140 : i32 to index
        %get3A_142 = arith.constant 0 : index
        %get3A_143 = tpu.vector_load %arg19[%get3A_141, %get3A_142] {strides = array<i32>} : memref<400x16xf32, #tpu.memory_space<vmem>>, vector<1x16xf32>,
        %get3A_144 = vector.shape_cast %get3A_143 : vector<1x16xf32> to vector<16xf32>
        %slice3A_145 = vector.extract_strided_slice %get3A_104 {offsets = [2], sizes = [1], strides = [1]} : vector<16xf32> to vector<1xf32>
        %squeeze3A_146 = vector.extract %slice3A_145[0] : f32 from vector<1xf32>
        %mul3A_147 = vector.broadcast %squeeze3A_146 : f32 to vector<16xf32>
        %mul3A_148 = arith.mulf %get3A_144, %mul3A_147 : vector<16xf32>
        %swap3A_149 = arith.index_cast %add3A_140 : i32 to index
        %swap3A_150 = arith.constant 0 : index
        %swap3A_151 = tpu.vector_load %arg19[%swap3A_149, %swap3A_150] {strides = array<i32>} : memref<400x16xf32, #tpu.memory_space<vmem>>, vector<1x16xf32>,
        %swap3A_152 = vector.shape_cast %swap3A_151 : vector<1x16xf32> to vector<16xf32>
        %swap3A_153 = vector.shape_cast %mul3A_148 : vector<16xf32> to vector<1x16xf32>
        tpu.vector_store %arg19[%swap3A_149, %swap3A_150], %swap3A_153 {strides = array<i32>} : memref<400x16xf32, #tpu.memory_space<vmem>>, vector<1x16xf32>,
        %mul3A_154 = arith.constant 16 : i32
        %mul3A_155 = arith.muli %scan3A_98, %mul3A_154 : i32
        %add3A_156 = arith.constant 3 : i32
        %add3A_157 = arith.addi %mul3A_155, %add3A_156 : i32
        %get3A_158 = arith.index_cast %add3A_157 : i32 to index
        %get3A_159 = arith.constant 0 : index
        %get3A_160 = tpu.vector_load %arg19[%get3A_158, %get3A_159] {strides = array<i32>} : memref<400x16xf32, #tpu.memory_space<vmem>>, vector<1x16xf32>,
        %get3A_161 = vector.shape_cast %get3A_160 : vector<1x16xf32> to vector<16xf32>
        %slice3A_162 = vector.extract_strided_slice %get3A_104 {offsets = [3], sizes = [1], strides = [1]} : vector<16xf32> to vector<1xf32>
        %squeeze3A_163 = vector.extract %slice3A_162[0] : f32 from vector<1xf32>
        %mul3A_164 = vector.broadcast %squeeze3A_163 : f32 to vector<16xf32>
        %mul3A_165 = arith.mulf %get3A_161, %mul3A_164 : vector<16xf32>
        %swap3A_166 = arith.index_cast %add3A_157 : i32 to index
        %swap3A_167 = arith.constant 0 : index
        %swap3A_168 = tpu.vector_load %arg19[%swap3A_166, %swap3A_167] {strides = array<i32>} : memref<400x16xf32, #tpu.memory_space<vmem>>, vector<1x16xf32>,
        %swap3A_169 = vector.shape_cast %swap3A_168 : vector<1x16xf32> to vector<16xf32>
        %swap3A_170 = vector.shape_cast %mul3A_165 : vector<16xf32> to vector<1x16xf32>
        tpu.vector_store %arg19[%swap3A_166, %swap3A_167], %swap3A_170 {strides = array<i32>} : memref<400x16xf32, #tpu.memory_space<vmem>>, vector<1x16xf32>,
        %mul3A_171 = arith.constant 16 : i32
        %mul3A_172 = arith.muli %scan3A_98, %mul3A_171 : i32
        %add3A_173 = arith.constant 4 : i32
        %add3A_174 = arith.addi %mul3A_172, %add3A_173 : i32
        %get3A_175 = arith.index_cast %add3A_174 : i32 to index
        %get3A_176 = arith.constant 0 : index
        %get3A_177 = tpu.vector_load %arg19[%get3A_175, %get3A_176] {strides = array<i32>} : memref<400x16xf32, #tpu.memory_space<vmem>>, vector<1x16xf32>,
        %get3A_178 = vector.shape_cast %get3A_177 : vector<1x16xf32> to vector<16xf32>
        %slice3A_179 = vector.extract_strided_slice %get3A_104 {offsets = [4], sizes = [1], strides = [1]} : vector<16xf32> to vector<1xf32>
        %squeeze3A_180 = vector.extract %slice3A_179[0] : f32 from vector<1xf32>
        %mul3A_181 = vector.broadcast %squeeze3A_180 : f32 to vector<16xf32>
        %mul3A_182 = arith.mulf %get3A_178, %mul3A_181 : vector<16xf32>
        %swap3A_183 = arith.index_cast %add3A_174 : i32 to index
        %swap3A_184 = arith.constant 0 : index
        %swap3A_185 = tpu.vector_load %arg19[%swap3A_183, %swap3A_184] {strides = array<i32>} : memref<400x16xf32, #tpu.memory_space<vmem>>, vector<1x16xf32>,
        %swap3A_186 = vector.shape_cast %swap3A_185 : vector<1x16xf32> to vector<16xf32>
        %swap3A_187 = vector.shape_cast %mul3A_182 : vector<16xf32> to vector<1x16xf32>
        tpu.vector_store %arg19[%swap3A_183, %swap3A_184], %swap3A_187 {strides = array<i32>} : memref<400x16xf32, #tpu.memory_space<vmem>>, vector<1x16xf32>,
        %mul3A_188 = arith.constant 16 : i32
        %mul3A_189 = arith.muli %scan3A_98, %mul3A_188 : i32
        %add3A_190 = arith.constant 5 : i32
        %add3A_191 = arith.addi %mul3A_189, %add3A_190 : i32
        %get3A_192 = arith.index_cast %add3A_191 : i32 to index
        %get3A_193 = arith.constant 0 : index
        %get3A_194 = tpu.vector_load %arg19[%get3A_192, %get3A_193] {strides = array<i32>} : memref<400x16xf32, #tpu.memory_space<vmem>>, vector<1x16xf32>,
        %get3A_195 = vector.shape_cast %get3A_194 : vector<1x16xf32> to vector<16xf32>
        %slice3A_196 = vector.extract_strided_slice %get3A_104 {offsets = [5], sizes = [1], strides = [1]} : vector<16xf32> to vector<1xf32>
        %squeeze3A_197 = vector.extract %slice3A_196[0] : f32 from vector<1xf32>
        %mul3A_198 = vector.broadcast %squeeze3A_197 : f32 to vector<16xf32>
        %mul3A_199 = arith.mulf %get3A_195, %mul3A_198 : vector<16xf32>
        %swap3A_200 = arith.index_cast %add3A_191 : i32 to index
        %swap3A_201 = arith.constant 0 : index
        %swap3A_202 = tpu.vector_load %arg19[%swap3A_200, %swap3A_201] {strides = array<i32>} : memref<400x16xf32, #tpu.memory_space<vmem>>, vector<1x16xf32>,
        %swap3A_203 = vector.shape_cast %swap3A_202 : vector<1x16xf32> to vector<16xf32>
        %swap3A_204 = vector.shape_cast %mul3A_199 : vector<16xf32> to vector<1x16xf32>
        tpu.vector_store %arg19[%swap3A_200, %swap3A_201], %swap3A_204 {strides = array<i32>} : memref<400x16xf32, #tpu.memory_space<vmem>>, vector<1x16xf32>,
        %mul3A_205 = arith.constant 16 : i32
        %mul3A_206 = arith.muli %scan3A_98, %mul3A_205 : i32
        %add3A_207 = arith.constant 6 : i32
        %add3A_208 = arith.addi %mul3A_206, %add3A_207 : i32
        %get3A_209 = arith.index_cast %add3A_208 : i32 to index
        %get3A_210 = arith.constant 0 : index
        %get3A_211 = tpu.vector_load %arg19[%get3A_209, %get3A_210] {strides = array<i32>} : memref<400x16xf32, #tpu.memory_space<vmem>>, vector<1x16xf32>,
        %get3A_212 = vector.shape_cast %get3A_211 : vector<1x16xf32> to vector<16xf32>
        %slice3A_213 = vector.extract_strided_slice %get3A_104 {offsets = [6], sizes = [1], strides = [1]} : vector<16xf32> to vector<1xf32>
        %squeeze3A_214 = vector.extract %slice3A_213[0] : f32 from vector<1xf32>
        %mul3A_215 = vector.broadcast %squeeze3A_214 : f32 to vector<16xf32>
        %mul3A_216 = arith.mulf %get3A_212, %mul3A_215 : vector<16xf32>
        %swap3A_217 = arith.index_cast %add3A_208 : i32 to index
        %swap3A_218 = arith.constant 0 : index
        %swap3A_219 = tpu.vector_load %arg19[%swap3A_217, %swap3A_218] {strides = array<i32>} : memref<400x16xf32, #tpu.memory_space<vmem>>, vector<1x16xf32>,
        %swap3A_220 = vector.shape_cast %swap3A_219 : vector<1x16xf32> to vector<16xf32>
        %swap3A_221 = vector.shape_cast %mul3A_216 : vector<16xf32> to vector<1x16xf32>
        tpu.vector_store %arg19[%swap3A_217, %swap3A_218], %swap3A_221 {strides = array<i32>} : memref<400x16xf32, #tpu.memory_space<vmem>>, vector<1x16xf32>,
        %mul3A_222 = arith.constant 16 : i32
        %mul3A_223 = arith.muli %scan3A_98, %mul3A_222 : i32
        %add3A_224 = arith.constant 7 : i32
        %add3A_225 = arith.addi %mul3A_223, %add3A_224 : i32
        %get3A_226 = arith.index_cast %add3A_225 : i32 to index
        %get3A_227 = arith.constant 0 : index
        %get3A_228 = tpu.vector_load %arg19[%get3A_226, %get3A_227] {strides = array<i32>} : memref<400x16xf32, #tpu.memory_space<vmem>>, vector<1x16xf32>,
        %get3A_229 = vector.shape_cast %get3A_228 : vector<1x16xf32> to vector<16xf32>
        %slice3A_230 = vector.extract_strided_slice %get3A_104 {offsets = [7], sizes = [1], strides = [1]} : vector<16xf32> to vector<1xf32>
        %squeeze3A_231 = vector.extract %slice3A_230[0] : f32 from vector<1xf32>
        %mul3A_232 = vector.broadcast %squeeze3A_231 : f32 to vector<16xf32>
        %mul3A_233 = arith.mulf %get3A_229, %mul3A_232 : vector<16xf32>
        %swap3A_234 = arith.index_cast %add3A_225 : i32 to index
        %swap3A_235 = arith.constant 0 : index
        %swap3A_236 = tpu.vector_load %arg19[%swap3A_234, %swap3A_235] {strides = array<i32>} : memref<400x16xf32, #tpu.memory_space<vmem>>, vector<1x16xf32>,
        %swap3A_237 = vector.shape_cast %swap3A_236 : vector<1x16xf32> to vector<16xf32>
        %swap3A_238 = vector.shape_cast %mul3A_233 : vector<16xf32> to vector<1x16xf32>
        tpu.vector_store %arg19[%swap3A_234, %swap3A_235], %swap3A_238 {strides = array<i32>} : memref<400x16xf32, #tpu.memory_space<vmem>>, vector<1x16xf32>,
        %mul3A_239 = arith.constant 16 : i32
        %mul3A_240 = arith.muli %scan3A_98, %mul3A_239 : i32
        %add3A_241 = arith.constant 8 : i32
        %add3A_242 = arith.addi %mul3A_240, %add3A_241 : i32
        %get3A_243 = arith.index_cast %add3A_242 : i32 to index
        %get3A_244 = arith.constant 0 : index
        %get3A_245 = tpu.vector_load %arg19[%get3A_243, %get3A_244] {strides = array<i32>} : memref<400x16xf32, #tpu.memory_space<vmem>>, vector<1x16xf32>,
        %get3A_246 = vector.shape_cast %get3A_245 : vector<1x16xf32> to vector<16xf32>
        %slice3A_247 = vector.extract_strided_slice %get3A_104 {offsets = [8], sizes = [1], strides = [1]} : vector<16xf32> to vector<1xf32>
        %squeeze3A_248 = vector.extract %slice3A_247[0] : f32 from vector<1xf32>
        %mul3A_249 = vector.broadcast %squeeze3A_248 : f32 to vector<16xf32>
        %mul3A_250 = arith.mulf %get3A_246, %mul3A_249 : vector<16xf32>
        %swap3A_251 = arith.index_cast %add3A_242 : i32 to index
        %swap3A_252 = arith.constant 0 : index
        %swap3A_253 = tpu.vector_load %arg19[%swap3A_251, %swap3A_252] {strides = array<i32>} : memref<400x16xf32, #tpu.memory_space<vmem>>, vector<1x16xf32>,
        %swap3A_254 = vector.shape_cast %swap3A_253 : vector<1x16xf32> to vector<16xf32>
        %swap3A_255 = vector.shape_cast %mul3A_250 : vector<16xf32> to vector<1x16xf32>
        tpu.vector_store %arg19[%swap3A_251, %swap3A_252], %swap3A_255 {strides = array<i32>} : memref<400x16xf32, #tpu.memory_space<vmem>>, vector<1x16xf32>,
        %mul3A_256 = arith.constant 16 : i32
        %mul3A_257 = arith.muli %scan3A_98, %mul3A_256 : i32
        %add3A_258 = arith.constant 9 : i32
        %add3A_259 = arith.addi %mul3A_257, %add3A_258 : i32
        %get3A_260 = arith.index_cast %add3A_259 : i32 to index
        %get3A_261 = arith.constant 0 : index
        %get3A_262 = tpu.vector_load %arg19[%get3A_260, %get3A_261] {strides = array<i32>} : memref<400x16xf32, #tpu.memory_space<vmem>>, vector<1x16xf32>,
        %get3A_263 = vector.shape_cast %get3A_262 : vector<1x16xf32> to vector<16xf32>
        %slice3A_264 = vector.extract_strided_slice %get3A_104 {offsets = [9], sizes = [1], strides = [1]} : vector<16xf32> to vector<1xf32>
        %squeeze3A_265 = vector.extract %slice3A_264[0] : f32 from vector<1xf32>
        %mul3A_266 = vector.broadcast %squeeze3A_265 : f32 to vector<16xf32>
        %mul3A_267 = arith.mulf %get3A_263, %mul3A_266 : vector<16xf32>
        %swap3A_268 = arith.index_cast %add3A_259 : i32 to index
        %swap3A_269 = arith.constant 0 : index
        %swap3A_270 = tpu.vector_load %arg19[%swap3A_268, %swap3A_269] {strides = array<i32>} : memref<400x16xf32, #tpu.memory_space<vmem>>, vector<1x16xf32>,
        %swap3A_271 = vector.shape_cast %swap3A_270 : vector<1x16xf32> to vector<16xf32>
        %swap3A_272 = vector.shape_cast %mul3A_267 : vector<16xf32> to vector<1x16xf32>
        tpu.vector_store %arg19[%swap3A_268, %swap3A_269], %swap3A_272 {strides = array<i32>} : memref<400x16xf32, #tpu.memory_space<vmem>>, vector<1x16xf32>,
        %mul3A_273 = arith.constant 16 : i32
        %mul3A_274 = arith.muli %scan3A_98, %mul3A_273 : i32
        %add3A_275 = arith.constant 10 : i32
        %add3A_276 = arith.addi %mul3A_274, %add3A_275 : i32
        %get3A_277 = arith.index_cast %add3A_276 : i32 to index
        %get3A_278 = arith.constant 0 : index
        %get3A_279 = tpu.vector_load %arg19[%get3A_277, %get3A_278] {strides = array<i32>} : memref<400x16xf32, #tpu.memory_space<vmem>>, vector<1x16xf32>,
        %get3A_280 = vector.shape_cast %get3A_279 : vector<1x16xf32> to vector<16xf32>
        %slice3A_281 = vector.extract_strided_slice %get3A_104 {offsets = [10], sizes = [1], strides = [1]} : vector<16xf32> to vector<1xf32>
        %squeeze3A_282 = vector.extract %slice3A_281[0] : f32 from vector<1xf32>
        %mul3A_283 = vector.broadcast %squeeze3A_282 : f32 to vector<16xf32>
        %mul3A_284 = arith.mulf %get3A_280, %mul3A_283 : vector<16xf32>
        %swap3A_285 = arith.index_cast %add3A_276 : i32 to index
        %swap3A_286 = arith.constant 0 : index
        %swap3A_287 = tpu.vector_load %arg19[%swap3A_285, %swap3A_286] {strides = array<i32>} : memref<400x16xf32, #tpu.memory_space<vmem>>, vector<1x16xf32>,
        %swap3A_288 = vector.shape_cast %swap3A_287 : vector<1x16xf32> to vector<16xf32>
        %swap3A_289 = vector.shape_cast %mul3A_284 : vector<16xf32> to vector<1x16xf32>
        tpu.vector_store %arg19[%swap3A_285, %swap3A_286], %swap3A_289 {strides = array<i32>} : memref<400x16xf32, #tpu.memory_space<vmem>>, vector<1x16xf32>,
        %mul3A_290 = arith.constant 16 : i32
        %mul3A_291 = arith.muli %scan3A_98, %mul3A_290 : i32
        %add3A_292 = arith.constant 11 : i32
        %add3A_293 = arith.addi %mul3A_291, %add3A_292 : i32
        %get3A_294 = arith.index_cast %add3A_293 : i32 to index
        %get3A_295 = arith.constant 0 : index
        %get3A_296 = tpu.vector_load %arg19[%get3A_294, %get3A_295] {strides = array<i32>} : memref<400x16xf32, #tpu.memory_space<vmem>>, vector<1x16xf32>,
        %get3A_297 = vector.shape_cast %get3A_296 : vector<1x16xf32> to vector<16xf32>
        %slice3A_298 = vector.extract_strided_slice %get3A_104 {offsets = [11], sizes = [1], strides = [1]} : vector<16xf32> to vector<1xf32>
        %squeeze3A_299 = vector.extract %slice3A_298[0] : f32 from vector<1xf32>
        %mul3A_300 = vector.broadcast %squeeze3A_299 : f32 to vector<16xf32>
        %mul3A_301 = arith.mulf %get3A_297, %mul3A_300 : vector<16xf32>
        %swap3A_302 = arith.index_cast %add3A_293 : i32 to index
        %swap3A_303 = arith.constant 0 : index
        %swap3A_304 = tpu.vector_load %arg19[%swap3A_302, %swap3A_303] {strides = array<i32>} : memref<400x16xf32, #tpu.memory_space<vmem>>, vector<1x16xf32>,
        %swap3A_305 = vector.shape_cast %swap3A_304 : vector<1x16xf32> to vector<16xf32>
        %swap3A_306 = vector.shape_cast %mul3A_301 : vector<16xf32> to vector<1x16xf32>
        tpu.vector_store %arg19[%swap3A_302, %swap3A_303], %swap3A_306 {strides = array<i32>} : memref<400x16xf32, #tpu.memory_space<vmem>>, vector<1x16xf32>,
        %mul3A_307 = arith.constant 16 : i32
        %mul3A_308 = arith.muli %scan3A_98, %mul3A_307 : i32
        %add3A_309 = arith.constant 12 : i32
        %add3A_310 = arith.addi %mul3A_308, %add3A_309 : i32
        %get3A_311 = arith.index_cast %add3A_310 : i32 to index
        %get3A_312 = arith.constant 0 : index
        %get3A_313 = tpu.vector_load %arg19[%get3A_311, %get3A_312] {strides = array<i32>} : memref<400x16xf32, #tpu.memory_space<vmem>>, vector<1x16xf32>,
        %get3A_314 = vector.shape_cast %get3A_313 : vector<1x16xf32> to vector<16xf32>
        %slice3A_315 = vector.extract_strided_slice %get3A_104 {offsets = [12], sizes = [1], strides = [1]} : vector<16xf32> to vector<1xf32>
        %squeeze3A_316 = vector.extract %slice3A_315[0] : f32 from vector<1xf32>
        %mul3A_317 = vector.broadcast %squeeze3A_316 : f32 to vector<16xf32>
        %mul3A_318 = arith.mulf %get3A_314, %mul3A_317 : vector<16xf32>
        %swap3A_319 = arith.index_cast %add3A_310 : i32 to index
        %swap3A_320 = arith.constant 0 : index
        %swap3A_321 = tpu.vector_load %arg19[%swap3A_319, %swap3A_320] {strides = array<i32>} : memref<400x16xf32, #tpu.memory_space<vmem>>, vector<1x16xf32>,
        %swap3A_322 = vector.shape_cast %swap3A_321 : vector<1x16xf32> to vector<16xf32>
        %swap3A_323 = vector.shape_cast %mul3A_318 : vector<16xf32> to vector<1x16xf32>
        tpu.vector_store %arg19[%swap3A_319, %swap3A_320], %swap3A_323 {strides = array<i32>} : memref<400x16xf32, #tpu.memory_space<vmem>>, vector<1x16xf32>,
        %mul3A_324 = arith.constant 16 : i32
        %mul3A_325 = arith.muli %scan3A_98, %mul3A_324 : i32
        %add3A_326 = arith.constant 13 : i32
        %add3A_327 = arith.addi %mul3A_325, %add3A_326 : i32
        %get3A_328 = arith.index_cast %add3A_327 : i32 to index
        %get3A_329 = arith.constant 0 : index
        %get3A_330 = tpu.vector_load %arg19[%get3A_328, %get3A_329] {strides = array<i32>} : memref<400x16xf32, #tpu.memory_space<vmem>>, vector<1x16xf32>,
        %get3A_331 = vector.shape_cast %get3A_330 : vector<1x16xf32> to vector<16xf32>
        %slice3A_332 = vector.extract_strided_slice %get3A_104 {offsets = [13], sizes = [1], strides = [1]} : vector<16xf32> to vector<1xf32>
        %squeeze3A_333 = vector.extract %slice3A_332[0] : f32 from vector<1xf32>
        %mul3A_334 = vector.broadcast %squeeze3A_333 : f32 to vector<16xf32>
        %mul3A_335 = arith.mulf %get3A_331, %mul3A_334 : vector<16xf32>
        %swap3A_336 = arith.index_cast %add3A_327 : i32 to index
        %swap3A_337 = arith.constant 0 : index
        %swap3A_338 = tpu.vector_load %arg19[%swap3A_336, %swap3A_337] {strides = array<i32>} : memref<400x16xf32, #tpu.memory_space<vmem>>, vector<1x16xf32>,
        %swap3A_339 = vector.shape_cast %swap3A_338 : vector<1x16xf32> to vector<16xf32>
        %swap3A_340 = vector.shape_cast %mul3A_335 : vector<16xf32> to vector<1x16xf32>
        tpu.vector_store %arg19[%swap3A_336, %swap3A_337], %swap3A_340 {strides = array<i32>} : memref<400x16xf32, #tpu.memory_space<vmem>>, vector<1x16xf32>,
        %mul3A_341 = arith.constant 16 : i32
        %mul3A_342 = arith.muli %scan3A_98, %mul3A_341 : i32
        %add3A_343 = arith.constant 14 : i32
        %add3A_344 = arith.addi %mul3A_342, %add3A_343 : i32
        %get3A_345 = arith.index_cast %add3A_344 : i32 to index
        %get3A_346 = arith.constant 0 : index
        %get3A_347 = tpu.vector_load %arg19[%get3A_345, %get3A_346] {strides = array<i32>} : memref<400x16xf32, #tpu.memory_space<vmem>>, vector<1x16xf32>,
        %get3A_348 = vector.shape_cast %get3A_347 : vector<1x16xf32> to vector<16xf32>
        %slice3A_349 = vector.extract_strided_slice %get3A_104 {offsets = [14], sizes = [1], strides = [1]} : vector<16xf32> to vector<1xf32>
        %squeeze3A_350 = vector.extract %slice3A_349[0] : f32 from vector<1xf32>
        %mul3A_351 = vector.broadcast %squeeze3A_350 : f32 to vector<16xf32>
        %mul3A_352 = arith.mulf %get3A_348, %mul3A_351 : vector<16xf32>
        %swap3A_353 = arith.index_cast %add3A_344 : i32 to index
        %swap3A_354 = arith.constant 0 : index
        %swap3A_355 = tpu.vector_load %arg19[%swap3A_353, %swap3A_354] {strides = array<i32>} : memref<400x16xf32, #tpu.memory_space<vmem>>, vector<1x16xf32>,
        %swap3A_356 = vector.shape_cast %swap3A_355 : vector<1x16xf32> to vector<16xf32>
        %swap3A_357 = vector.shape_cast %mul3A_352 : vector<16xf32> to vector<1x16xf32>
        tpu.vector_store %arg19[%swap3A_353, %swap3A_354], %swap3A_357 {strides = array<i32>} : memref<400x16xf32, #tpu.memory_space<vmem>>, vector<1x16xf32>,
        %mul3A_358 = arith.constant 16 : i32
        %mul3A_359 = arith.muli %scan3A_98, %mul3A_358 : i32
        %add3A_360 = arith.constant 15 : i32
        %add3A_361 = arith.addi %mul3A_359, %add3A_360 : i32
        %get3A_362 = arith.index_cast %add3A_361 : i32 to index
        %get3A_363 = arith.constant 0 : index
        %get3A_364 = tpu.vector_load %arg19[%get3A_362, %get3A_363] {strides = array<i32>} : memref<400x16xf32, #tpu.memory_space<vmem>>, vector<1x16xf32>,
        %get3A_365 = vector.shape_cast %get3A_364 : vector<1x16xf32> to vector<16xf32>
        %slice3A_366 = vector.extract_strided_slice %get3A_104 {offsets = [15], sizes = [1], strides = [1]} : vector<16xf32> to vector<1xf32>
        %squeeze3A_367 = vector.extract %slice3A_366[0] : f32 from vector<1xf32>
        %mul3A_368 = vector.broadcast %squeeze3A_367 : f32 to vector<16xf32>
        %mul3A_369 = arith.mulf %get3A_365, %mul3A_368 : vector<16xf32>
        %swap3A_370 = arith.index_cast %add3A_361 : i32 to index
        %swap3A_371 = arith.constant 0 : index
        %swap3A_372 = tpu.vector_load %arg19[%swap3A_370, %swap3A_371] {strides = array<i32>} : memref<400x16xf32, #tpu.memory_space<vmem>>, vector<1x16xf32>,
        %swap3A_373 = vector.shape_cast %swap3A_372 : vector<1x16xf32> to vector<16xf32>
        %swap3A_374 = vector.shape_cast %mul3A_369 : vector<16xf32> to vector<1x16xf32>
        tpu.vector_store %arg19[%swap3A_370, %swap3A_371], %swap3A_374 {strides = array<i32>} : memref<400x16xf32, #tpu.memory_space<vmem>>, vector<1x16xf32>,
        %scan3A_375 = arith.constant 0 : i32
        scf.yield %scan3A_375 : i32
      }
      %scan3A_88 = arith.constant 25 : i32
      %dma_start3A_89 = arith.constant 0 : i32
      %dma_start3A_90 = arith.constant 0 : i32
      %dma_start3A_91 = tpu.memref_slice %arg24[%dma_start3A_89, %dma_start3A_90] : memref<100000x16xf32, #tpu.memory_space<vmem_shared>> -> memref<100000x16xf32, #tpu.memory_space<vmem_shared>>
      tpu.enqueue_indirect_dma source(%arg19 : memref<400x16xf32, #tpu.memory_space<vmem>>) target(%dma_start3A_91 : memref<100000x16xf32, #tpu.memory_space<vmem_shared>>) offsets(%arg14 : memref<400xi32, #tpu.memory_space<vmem>>) semaphore(%arg27 : memref<!tpu.dma_semaphore, #tpu.memory_space<semaphore_mem>>) {add = true}
      %dma_wait3A_92 = arith.constant 0 : i32
      %dma_wait3A_93 = tpu.memref_slice %arg23[%dma_wait3A_92] : memref<100000xf32, #tpu.memory_space<vmem_shared>> -> memref<100000xf32, #tpu.memory_space<vmem_shared>>
      tpu.wait_indirect_dma semaphore(%arg26 : memref<!tpu.dma_semaphore, #tpu.memory_space<semaphore_mem>>) src(%arg18 : memref<400xf32, #tpu.memory_space<vmem>>) dst(%dma_wait3A_93 : memref<100000xf32, #tpu.memory_space<vmem_shared>>)
      %dma_wait3A_94 = arith.constant 0 : i32
      %dma_wait3A_95 = arith.constant 0 : i32
      %dma_wait3A_96 = tpu.memref_slice %arg24[%dma_wait3A_94, %dma_wait3A_95] : memref<100000x16xf32, #tpu.memory_space<vmem_shared>> -> memref<100000x16xf32, #tpu.memory_space<vmem_shared>>
      tpu.wait_indirect_dma semaphore(%arg27 : memref<!tpu.dma_semaphore, #tpu.memory_space<semaphore_mem>>) src(%arg19 : memref<400x16xf32, #tpu.memory_space<vmem>>) dst(%dma_wait3A_96 : memref<100000x16xf32, #tpu.memory_space<vmem_shared>>)
      %scan3A_97 = arith.constant 0 : i32
      scf.yield %scan3A_97 : i32
    }
    %scan3A_12 = arith.constant 250 : i32
    %barrier3A_13 = arith.constant 0 : index
    tpu.barrier barrier_id(%barrier3A_13)
    %eq3A_14 = arith.constant 0 : i32
    %eq3A_15 = arith.cmpi eq, %arg1, %eq3A_14 : i32
    %convert_element_type3A_16 = arith.extui %eq3A_15 : i1 to i32
    %cond3A_17 = arith.constant 0 : i32
    %cond3A_18 = arith.cmpi ne, %convert_element_type3A_16, %cond3A_17 : i32
    scf.if %cond3A_18 {
      "tpu.region"() ({
        %run_scoped3A = tpu.sem_alloc : memref<!tpu.dma_semaphore, #tpu.memory_space<semaphore_mem>>
        %dma_start3A = arith.constant 0 : i32
        %dma_start3A_19 = tpu.memref_slice %arg12[%arg0, %dma_start3A] : memref<2x100000xf32, #tpu.memory_space<hbm>> -> memref<1x100000xf32, #tpu.memory_space<hbm>>
        %dma_start3A_20 = tpu.memref_squeeze %dma_start3A_19 : memref<1x100000xf32, #tpu.memory_space<hbm>> -> memref<100000xf32, #tpu.memory_space<hbm>>
        tpu.enqueue_dma source(%arg23 : memref<100000xf32, #tpu.memory_space<vmem_shared>>) target(%dma_start3A_20 : memref<100000xf32, #tpu.memory_space<hbm>>) target_semaphore(%run_scoped3A : memref<!tpu.dma_semaphore, #tpu.memory_space<semaphore_mem>>)
        %dma_wait3A = arith.constant 0 : i32
        %dma_wait3A_21 = tpu.memref_slice %arg12[%arg0, %dma_wait3A] : memref<2x100000xf32, #tpu.memory_space<hbm>> -> memref<1x100000xf32, #tpu.memory_space<hbm>>
        %dma_wait3A_22 = tpu.memref_squeeze %dma_wait3A_21 : memref<1x100000xf32, #tpu.memory_space<hbm>> -> memref<100000xf32, #tpu.memory_space<hbm>>
        tpu.wait_dma2 semaphore(%run_scoped3A : memref<!tpu.dma_semaphore, #tpu.memory_space<semaphore_mem>>) src(%arg23 : memref<100000xf32, #tpu.memory_space<vmem_shared>>) dst(%dma_wait3A_22 : memref<100000xf32, #tpu.memory_space<hbm>>)
        tpu.yield
      }) : () -> ()
      "tpu.region"() ({
        %run_scoped3A = tpu.sem_alloc : memref<!tpu.dma_semaphore, #tpu.memory_space<semaphore_mem>>
        %dma_start3A = arith.constant 0 : i32
        %dma_start3A_19 = arith.constant 0 : i32
        %dma_start3A_20 = tpu.memref_slice %arg11[%arg0, %dma_start3A, %dma_start3A_19] : memref<2x100000x16xf32, #tpu.memory_space<hbm>> -> memref<1x100000x16xf32, #tpu.memory_space<hbm>>
        %dma_start3A_21 = tpu.memref_squeeze %dma_start3A_20 : memref<1x100000x16xf32, #tpu.memory_space<hbm>> -> memref<100000x16xf32, #tpu.memory_space<hbm>>
        tpu.enqueue_dma source(%arg24 : memref<100000x16xf32, #tpu.memory_space<vmem_shared>>) target(%dma_start3A_21 : memref<100000x16xf32, #tpu.memory_space<hbm>>) target_semaphore(%run_scoped3A : memref<!tpu.dma_semaphore, #tpu.memory_space<semaphore_mem>>)
        %dma_wait3A = arith.constant 0 : i32
        %dma_wait3A_22 = arith.constant 0 : i32
        %dma_wait3A_23 = tpu.memref_slice %arg11[%arg0, %dma_wait3A, %dma_wait3A_22] : memref<2x100000x16xf32, #tpu.memory_space<hbm>> -> memref<1x100000x16xf32, #tpu.memory_space<hbm>>
        %dma_wait3A_24 = tpu.memref_squeeze %dma_wait3A_23 : memref<1x100000x16xf32, #tpu.memory_space<hbm>> -> memref<100000x16xf32, #tpu.memory_space<hbm>>
        tpu.wait_dma2 semaphore(%run_scoped3A : memref<!tpu.dma_semaphore, #tpu.memory_space<semaphore_mem>>) src(%arg24 : memref<100000x16xf32, #tpu.memory_space<vmem_shared>>) dst(%dma_wait3A_24 : memref<100000x16xf32, #tpu.memory_space<hbm>>)
        tpu.yield
      }) : () -> ()
    } else {
    }
    return
  }
}

#map = affine_map<(d0, d1) -> (0)>
#map1 = affine_map<(d0, d1) -> (0, 0)>
#map2 = affine_map<(d0, d1) -> (0, 0, 0)>
module attributes {stable_mosaic.version = 14 : i64} {
  func.func @_gat_layer_body(%arg0: i32, %arg1: i32, %arg2: memref<3200000xi32, #tpu.memory_space<hbm>>, %arg3: memref<3200000xi32, #tpu.memory_space<hbm>>, %arg4: memref<3200000xf32, #tpu.memory_space<hbm>>, %arg5: memref<100000xf32, #tpu.memory_space<hbm>>, %arg6: memref<100000xf32, #tpu.memory_space<hbm>>, %arg7: memref<100000x16xf32, #tpu.memory_space<hbm>>, %arg8: memref<16xf32, #tpu.memory_space<hbm>>, %arg9: memref<100000x16xf32, #tpu.memory_space<hbm>>, %arg10: memref<100000xf32, #tpu.memory_space<hbm>>, %arg11: memref<2x100000x16xf32, #tpu.memory_space<hbm>>, %arg12: memref<2x100000xf32, #tpu.memory_space<hbm>>, %arg13: memref<400xi32, #tpu.memory_space<vmem>>, %arg14: memref<400xi32, #tpu.memory_space<vmem>>, %arg15: memref<400xf32, #tpu.memory_space<vmem>>, %arg16: memref<400xf32, #tpu.memory_space<vmem>>, %arg17: memref<400xf32, #tpu.memory_space<vmem>>, %arg18: memref<400xf32, #tpu.memory_space<vmem>>, %arg19: memref<400x16xf32, #tpu.memory_space<vmem>>, %arg20: memref<16xf32, #tpu.memory_space<vmem>>, %arg21: memref<100000xf32, #tpu.memory_space<vmem_shared>>, %arg22: memref<100000xf32, #tpu.memory_space<vmem_shared>>, %arg23: memref<100000xf32, #tpu.memory_space<vmem_shared>>, %arg24: memref<100000x16xf32, #tpu.memory_space<vmem_shared>>, %arg25: memref<!tpu.dma_semaphore, #tpu.memory_space<semaphore_mem>>, %arg26: memref<!tpu.dma_semaphore, #tpu.memory_space<semaphore_mem>>, %arg27: memref<!tpu.dma_semaphore, #tpu.memory_space<semaphore_mem>>, %arg28: memref<!tpu.dma_semaphore, #tpu.memory_space<semaphore_mem>>, %arg29: memref<!tpu.dma_semaphore, #tpu.memory_space<semaphore_mem>>) attributes {dimension_semantics = [#tpu.dimension_semantics<core_parallel>, #tpu.dimension_semantics<subcore_parallel>], iteration_bounds = array<i64: 2, 16>, scalar_prefetch = 0 : i64, scratch_operands = 17 : i64, tpu.core_type = #tpu.core_type<sc_vector_subcore>, window_params = [{transform_indices = #map}, {transform_indices = #map}, {transform_indices = #map}, {transform_indices = #map}, {transform_indices = #map}, {transform_indices = #map1}, {transform_indices = #map}, {transform_indices = #map1}, {transform_indices = #map}, {transform_indices = #map2}, {transform_indices = #map1}]} {
    %eq3A = arith.constant 0 : i32
    %eq3A_0 = arith.cmpi eq, %arg1, %eq3A : i32
    %convert_element_type3A = arith.extui %eq3A_0 : i1 to i32
    %cond3A = arith.constant 0 : i32
    %cond3A_1 = arith.cmpi ne, %convert_element_type3A, %cond3A : i32
    scf.if %cond3A_1 {
      "tpu.region"() ({
        %run_scoped3A = tpu.sem_alloc : memref<!tpu.dma_semaphore, #tpu.memory_space<semaphore_mem>>
        tpu.enqueue_dma source(%arg5 : memref<100000xf32, #tpu.memory_space<hbm>>) target(%arg21 : memref<100000xf32, #tpu.memory_space<vmem_shared>>) target_semaphore(%run_scoped3A : memref<!tpu.dma_semaphore, #tpu.memory_space<semaphore_mem>>)
        tpu.wait_dma2 semaphore(%run_scoped3A : memref<!tpu.dma_semaphore, #tpu.memory_space<semaphore_mem>>) src(%arg5 : memref<100000xf32, #tpu.memory_space<hbm>>) dst(%arg21 : memref<100000xf32, #tpu.memory_space<vmem_shared>>)
        tpu.yield
      }) : () -> ()
      "tpu.region"() ({
        %run_scoped3A = tpu.sem_alloc : memref<!tpu.dma_semaphore, #tpu.memory_space<semaphore_mem>>
        tpu.enqueue_dma source(%arg6 : memref<100000xf32, #tpu.memory_space<hbm>>) target(%arg22 : memref<100000xf32, #tpu.memory_space<vmem_shared>>) target_semaphore(%run_scoped3A : memref<!tpu.dma_semaphore, #tpu.memory_space<semaphore_mem>>)
        tpu.wait_dma2 semaphore(%run_scoped3A : memref<!tpu.dma_semaphore, #tpu.memory_space<semaphore_mem>>) src(%arg6 : memref<100000xf32, #tpu.memory_space<hbm>>) dst(%arg22 : memref<100000xf32, #tpu.memory_space<vmem_shared>>)
        tpu.yield
      }) : () -> ()
      "tpu.region"() ({
        %run_scoped3A = tpu.sem_alloc : memref<!tpu.dma_semaphore, #tpu.memory_space<semaphore_mem>>
        tpu.enqueue_dma source(%arg10 : memref<100000xf32, #tpu.memory_space<hbm>>) target(%arg23 : memref<100000xf32, #tpu.memory_space<vmem_shared>>) target_semaphore(%run_scoped3A : memref<!tpu.dma_semaphore, #tpu.memory_space<semaphore_mem>>)
        tpu.wait_dma2 semaphore(%run_scoped3A : memref<!tpu.dma_semaphore, #tpu.memory_space<semaphore_mem>>) src(%arg10 : memref<100000xf32, #tpu.memory_space<hbm>>) dst(%arg23 : memref<100000xf32, #tpu.memory_space<vmem_shared>>)
        tpu.yield
      }) : () -> ()
      "tpu.region"() ({
        %run_scoped3A = tpu.sem_alloc : memref<!tpu.dma_semaphore, #tpu.memory_space<semaphore_mem>>
        tpu.enqueue_dma source(%arg9 : memref<100000x16xf32, #tpu.memory_space<hbm>>) target(%arg24 : memref<100000x16xf32, #tpu.memory_space<vmem_shared>>) target_semaphore(%run_scoped3A : memref<!tpu.dma_semaphore, #tpu.memory_space<semaphore_mem>>)
        tpu.wait_dma2 semaphore(%run_scoped3A : memref<!tpu.dma_semaphore, #tpu.memory_space<semaphore_mem>>) src(%arg9 : memref<100000x16xf32, #tpu.memory_space<hbm>>) dst(%arg24 : memref<100000x16xf32, #tpu.memory_space<vmem_shared>>)
        tpu.yield
      }) : () -> ()
    } else {
    }
    %barrier3A = arith.constant 0 : index
    tpu.barrier barrier_id(%barrier3A)
    "tpu.region"() ({
      %run_scoped3A = tpu.sem_alloc : memref<!tpu.dma_semaphore, #tpu.memory_space<semaphore_mem>>
      tpu.enqueue_dma source(%arg8 : memref<16xf32, #tpu.memory_space<hbm>>) target(%arg20 : memref<16xf32, #tpu.memory_space<vmem>>) target_semaphore(%run_scoped3A : memref<!tpu.dma_semaphore, #tpu.memory_space<semaphore_mem>>)
      tpu.wait_dma2 semaphore(%run_scoped3A : memref<!tpu.dma_semaphore, #tpu.memory_space<semaphore_mem>>) src(%arg8 : memref<16xf32, #tpu.memory_space<hbm>>) dst(%arg20 : memref<16xf32, #tpu.memory_space<vmem>>)
      tpu.yield
    }) : () -> ()
    %get3A = arith.constant 0 : index
    %get3A_2 = tpu.vector_load %arg20[%get3A] {strides = array<i32>} : memref<16xf32, #tpu.memory_space<vmem>>, vector<16xf32>,
    %get3A_3 = vector.shape_cast %get3A_2 : vector<16xf32> to vector<16xf32>
    %mul3A = arith.constant 16 : i32
    %mul3A_4 = arith.muli %arg0, %mul3A : i32
    %add3A = arith.addi %mul3A_4, %arg1 : i32
    %mul3A_5 = arith.constant 100000 : i32
    %mul3A_6 = arith.muli %add3A, %mul3A_5 : i32
    %scan3A = arith.constant 0 : i32
    %scan3A_7 = arith.constant 0 : i32
    %scan3A_8 = arith.constant 250 : i32
    %scan3A_9 = arith.addi %scan3A_7, %scan3A_8 : i32
    %scan3A_10 = arith.constant 1 : i32
    %scan3A_11 = scf.for %scan3A_19 = %scan3A_7 to %scan3A_9 step %scan3A_10 iter_args(%scan3A_20 = %scan3A) -> (i32)  : i32 {
      %mul3A_21 = arith.constant 400 : i32
      %mul3A_22 = arith.muli %scan3A_19, %mul3A_21 : i32
      %add3A_23 = arith.addi %mul3A_6, %mul3A_22 : i32
      %dma_start3A = tpu.memref_slice %arg2[%add3A_23] : memref<3200000xi32, #tpu.memory_space<hbm>> -> memref<400xi32, #tpu.memory_space<hbm>>
      %dma_start3A_24 = tpu.memref_slice %arg2[%add3A_23] : memref<3200000xi32, #tpu.memory_space<hbm>> -> memref<400xi32, #tpu.memory_space<hbm>>
      tpu.enqueue_dma source(%dma_start3A_24 : memref<400xi32, #tpu.memory_space<hbm>>) target(%arg13 : memref<400xi32, #tpu.memory_space<vmem>>) target_semaphore(%arg25 : memref<!tpu.dma_semaphore, #tpu.memory_space<semaphore_mem>>)
      %dma_start3A_25 = tpu.memref_slice %arg3[%add3A_23] : memref<3200000xi32, #tpu.memory_space<hbm>> -> memref<400xi32, #tpu.memory_space<hbm>>
      %dma_start3A_26 = tpu.memref_slice %arg3[%add3A_23] : memref<3200000xi32, #tpu.memory_space<hbm>> -> memref<400xi32, #tpu.memory_space<hbm>>
      tpu.enqueue_dma source(%dma_start3A_26 : memref<400xi32, #tpu.memory_space<hbm>>) target(%arg14 : memref<400xi32, #tpu.memory_space<vmem>>) target_semaphore(%arg26 : memref<!tpu.dma_semaphore, #tpu.memory_space<semaphore_mem>>)
      %dma_start3A_27 = tpu.memref_slice %arg4[%add3A_23] : memref<3200000xf32, #tpu.memory_space<hbm>> -> memref<400xf32, #tpu.memory_space<hbm>>
      %dma_start3A_28 = tpu.memref_slice %arg4[%add3A_23] : memref<3200000xf32, #tpu.memory_space<hbm>> -> memref<400xf32, #tpu.memory_space<hbm>>
      tpu.enqueue_dma source(%dma_start3A_28 : memref<400xf32, #tpu.memory_space<hbm>>) target(%arg15 : memref<400xf32, #tpu.memory_space<vmem>>) target_semaphore(%arg27 : memref<!tpu.dma_semaphore, #tpu.memory_space<semaphore_mem>>)
      %dma_wait3A = tpu.memref_slice %arg2[%add3A_23] : memref<3200000xi32, #tpu.memory_space<hbm>> -> memref<400xi32, #tpu.memory_space<hbm>>
      %dma_wait3A_29 = tpu.memref_slice %arg2[%add3A_23] : memref<3200000xi32, #tpu.memory_space<hbm>> -> memref<400xi32, #tpu.memory_space<hbm>>
      tpu.wait_dma2 semaphore(%arg25 : memref<!tpu.dma_semaphore, #tpu.memory_space<semaphore_mem>>) src(%dma_wait3A_29 : memref<400xi32, #tpu.memory_space<hbm>>) dst(%arg13 : memref<400xi32, #tpu.memory_space<vmem>>)
      %dma_start3A_30 = arith.constant 0 : i32
      %dma_start3A_31 = tpu.memref_slice %arg21[%dma_start3A_30] : memref<100000xf32, #tpu.memory_space<vmem_shared>> -> memref<100000xf32, #tpu.memory_space<vmem_shared>>
      tpu.enqueue_indirect_dma source(%dma_start3A_31 : memref<100000xf32, #tpu.memory_space<vmem_shared>>) target(%arg16 : memref<400xf32, #tpu.memory_space<vmem>>) offsets(%arg13 : memref<400xi32, #tpu.memory_space<vmem>>) semaphore(%arg28 : memref<!tpu.dma_semaphore, #tpu.memory_space<semaphore_mem>>)
      %dma_start3A_32 = arith.constant 0 : i32
      %dma_start3A_33 = arith.constant 0 : i32
      %dma_start3A_34 = tpu.memref_slice %arg7[%dma_start3A_32, %dma_start3A_33] : memref<100000x16xf32, #tpu.memory_space<hbm>> -> memref<100000x16xf32, #tpu.memory_space<hbm>>
      tpu.enqueue_indirect_dma source(%dma_start3A_34 : memref<100000x16xf32, #tpu.memory_space<hbm>>) target(%arg19 : memref<400x16xf32, #tpu.memory_space<vmem>>) offsets(%arg13 : memref<400xi32, #tpu.memory_space<vmem>>) semaphore(%arg25 : memref<!tpu.dma_semaphore, #tpu.memory_space<semaphore_mem>>)
      %dma_wait3A_35 = tpu.memref_slice %arg3[%add3A_23] : memref<3200000xi32, #tpu.memory_space<hbm>> -> memref<400xi32, #tpu.memory_space<hbm>>
      %dma_wait3A_36 = tpu.memref_slice %arg3[%add3A_23] : memref<3200000xi32, #tpu.memory_space<hbm>> -> memref<400xi32, #tpu.memory_space<hbm>>
      tpu.wait_dma2 semaphore(%arg26 : memref<!tpu.dma_semaphore, #tpu.memory_space<semaphore_mem>>) src(%dma_wait3A_36 : memref<400xi32, #tpu.memory_space<hbm>>) dst(%arg14 : memref<400xi32, #tpu.memory_space<vmem>>)
      %dma_start3A_37 = arith.constant 0 : i32
      %dma_start3A_38 = tpu.memref_slice %arg22[%dma_start3A_37] : memref<100000xf32, #tpu.memory_space<vmem_shared>> -> memref<100000xf32, #tpu.memory_space<vmem_shared>>
      tpu.enqueue_indirect_dma source(%dma_start3A_38 : memref<100000xf32, #tpu.memory_space<vmem_shared>>) target(%arg17 : memref<400xf32, #tpu.memory_space<vmem>>) offsets(%arg14 : memref<400xi32, #tpu.memory_space<vmem>>) semaphore(%arg29 : memref<!tpu.dma_semaphore, #tpu.memory_space<semaphore_mem>>)
      %dma_wait3A_39 = tpu.memref_slice %arg4[%add3A_23] : memref<3200000xf32, #tpu.memory_space<hbm>> -> memref<400xf32, #tpu.memory_space<hbm>>
      %dma_wait3A_40 = tpu.memref_slice %arg4[%add3A_23] : memref<3200000xf32, #tpu.memory_space<hbm>> -> memref<400xf32, #tpu.memory_space<hbm>>
      tpu.wait_dma2 semaphore(%arg27 : memref<!tpu.dma_semaphore, #tpu.memory_space<semaphore_mem>>) src(%dma_wait3A_40 : memref<400xf32, #tpu.memory_space<hbm>>) dst(%arg15 : memref<400xf32, #tpu.memory_space<vmem>>)
      %dma_wait3A_41 = arith.constant 0 : i32
      %dma_wait3A_42 = tpu.memref_slice %arg21[%dma_wait3A_41] : memref<100000xf32, #tpu.memory_space<vmem_shared>> -> memref<100000xf32, #tpu.memory_space<vmem_shared>>
      tpu.wait_indirect_dma semaphore(%arg28 : memref<!tpu.dma_semaphore, #tpu.memory_space<semaphore_mem>>) src(%dma_wait3A_42 : memref<100000xf32, #tpu.memory_space<vmem_shared>>) dst(%arg16 : memref<400xf32, #tpu.memory_space<vmem>>)
      %dma_wait3A_43 = arith.constant 0 : i32
      %dma_wait3A_44 = tpu.memref_slice %arg22[%dma_wait3A_43] : memref<100000xf32, #tpu.memory_space<vmem_shared>> -> memref<100000xf32, #tpu.memory_space<vmem_shared>>
      tpu.wait_indirect_dma semaphore(%arg29 : memref<!tpu.dma_semaphore, #tpu.memory_space<semaphore_mem>>) src(%dma_wait3A_44 : memref<100000xf32, #tpu.memory_space<vmem_shared>>) dst(%arg17 : memref<400xf32, #tpu.memory_space<vmem>>)
      %scan3A_45 = arith.constant 0 : i32
      %scan3A_46 = arith.constant 0 : i32
      %scan3A_47 = arith.constant 24 : i32
      %scan3A_48 = arith.addi %scan3A_46, %scan3A_47 : i32
      %scan3A_49 = arith.constant 4 : i32
      %scan3A_50 = scf.for %scan3A_98 = %scan3A_46 to %scan3A_48 step %scan3A_49 iter_args(%scan3A_99 = %scan3A_45) -> (i32)  : i32 {
        %mul3A_100 = arith.constant 16 : i32
        %mul3A_101 = arith.muli %scan3A_98, %mul3A_100 : i32
        %get3A_102 = arith.index_cast %mul3A_101 : i32 to index
        %get3A_103 = tpu.vector_load %arg16[%get3A_102] {strides = array<i32>} : memref<400xf32, #tpu.memory_space<vmem>>, vector<16xf32>,
        %get3A_104 = vector.shape_cast %get3A_103 : vector<16xf32> to vector<16xf32>
        %get3A_105 = arith.index_cast %mul3A_101 : i32 to index
        %get3A_106 = tpu.vector_load %arg17[%get3A_105] {strides = array<i32>} : memref<400xf32, #tpu.memory_space<vmem>>, vector<16xf32>,
        %get3A_107 = vector.shape_cast %get3A_106 : vector<16xf32> to vector<16xf32>
        %add3A_108 = arith.addf %get3A_104, %get3A_107 : vector<16xf32>
        %get3A_109 = arith.index_cast %mul3A_101 : i32 to index
        %get3A_110 = tpu.vector_load %arg15[%get3A_109] {strides = array<i32>} : memref<400xf32, #tpu.memory_space<vmem>>, vector<16xf32>,
        %get3A_111 = vector.shape_cast %get3A_110 : vector<16xf32> to vector<16xf32>
        %mul3A_112 = arith.mulf %get3A_111, %get3A_3 : vector<16xf32>
        %add3A_113 = arith.addf %add3A_108, %mul3A_112 : vector<16xf32>
        %ge3A_114 = arith.constant 0.000000e+00 : f32
        %ge3A_115 = vector.broadcast %ge3A_114 : f32 to vector<16xf32>
        %ge3A_116 = arith.cmpf oge, %add3A_113, %ge3A_115 : vector<16xf32>
        %mul3A_117 = arith.constant 2.000000e-01 : f32
        %mul3A_118 = vector.broadcast %mul3A_117 : f32 to vector<16xf32>
        %mul3A_119 = arith.mulf %add3A_113, %mul3A_118 : vector<16xf32>
        %select_n3A_120 = arith.select %ge3A_116, %add3A_113, %mul3A_119 : vector<16xi1>, vector<16xf32>
        %exp3A_121 = math.exp %select_n3A_120 : vector<16xf32>
        %swap3A_122 = arith.index_cast %mul3A_101 : i32 to index
        %swap3A_123 = tpu.vector_load %arg18[%swap3A_122] {strides = array<i32>} : memref<400xf32, #tpu.memory_space<vmem>>, vector<16xf32>,
        %swap3A_124 = vector.shape_cast %swap3A_123 : vector<16xf32> to vector<16xf32>
        %swap3A_125 = vector.shape_cast %exp3A_121 : vector<16xf32> to vector<16xf32>
        tpu.vector_store %arg18[%swap3A_122], %swap3A_125 {strides = array<i32>} : memref<400xf32, #tpu.memory_space<vmem>>, vector<16xf32>,
        %scan3A_126 = arith.constant 0 : i32
        %scan3A_127 = arith.constant 1 : i32
        %scan3A_128 = arith.addi %scan3A_98, %scan3A_127 : i32
        %mul3A_129 = arith.constant 16 : i32
        %mul3A_130 = arith.muli %scan3A_128, %mul3A_129 : i32
        %get3A_131 = arith.index_cast %mul3A_130 : i32 to index
        %get3A_132 = tpu.vector_load %arg16[%get3A_131] {strides = array<i32>} : memref<400xf32, #tpu.memory_space<vmem>>, vector<16xf32>,
        %get3A_133 = vector.shape_cast %get3A_132 : vector<16xf32> to vector<16xf32>
        %get3A_134 = arith.index_cast %mul3A_130 : i32 to index
        %get3A_135 = tpu.vector_load %arg17[%get3A_134] {strides = array<i32>} : memref<400xf32, #tpu.memory_space<vmem>>, vector<16xf32>,
        %get3A_136 = vector.shape_cast %get3A_135 : vector<16xf32> to vector<16xf32>
        %add3A_137 = arith.addf %get3A_133, %get3A_136 : vector<16xf32>
        %get3A_138 = arith.index_cast %mul3A_130 : i32 to index
        %get3A_139 = tpu.vector_load %arg15[%get3A_138] {strides = array<i32>} : memref<400xf32, #tpu.memory_space<vmem>>, vector<16xf32>,
        %get3A_140 = vector.shape_cast %get3A_139 : vector<16xf32> to vector<16xf32>
        %mul3A_141 = arith.mulf %get3A_140, %get3A_3 : vector<16xf32>
        %add3A_142 = arith.addf %add3A_137, %mul3A_141 : vector<16xf32>
        %ge3A_143 = arith.constant 0.000000e+00 : f32
        %ge3A_144 = vector.broadcast %ge3A_143 : f32 to vector<16xf32>
        %ge3A_145 = arith.cmpf oge, %add3A_142, %ge3A_144 : vector<16xf32>
        %mul3A_146 = arith.constant 2.000000e-01 : f32
        %mul3A_147 = vector.broadcast %mul3A_146 : f32 to vector<16xf32>
        %mul3A_148 = arith.mulf %add3A_142, %mul3A_147 : vector<16xf32>
        %select_n3A_149 = arith.select %ge3A_145, %add3A_142, %mul3A_148 : vector<16xi1>, vector<16xf32>
        %exp3A_150 = math.exp %select_n3A_149 : vector<16xf32>
        %swap3A_151 = arith.index_cast %mul3A_130 : i32 to index
        %swap3A_152 = tpu.vector_load %arg18[%swap3A_151] {strides = array<i32>} : memref<400xf32, #tpu.memory_space<vmem>>, vector<16xf32>,
        %swap3A_153 = vector.shape_cast %swap3A_152 : vector<16xf32> to vector<16xf32>
        %swap3A_154 = vector.shape_cast %exp3A_150 : vector<16xf32> to vector<16xf32>
        tpu.vector_store %arg18[%swap3A_151], %swap3A_154 {strides = array<i32>} : memref<400xf32, #tpu.memory_space<vmem>>, vector<16xf32>,
        %scan3A_155 = arith.constant 0 : i32
        %scan3A_156 = arith.constant 2 : i32
        %scan3A_157 = arith.addi %scan3A_98, %scan3A_156 : i32
        %mul3A_158 = arith.constant 16 : i32
        %mul3A_159 = arith.muli %scan3A_157, %mul3A_158 : i32
        %get3A_160 = arith.index_cast %mul3A_159 : i32 to index
        %get3A_161 = tpu.vector_load %arg16[%get3A_160] {strides = array<i32>} : memref<400xf32, #tpu.memory_space<vmem>>, vector<16xf32>,
        %get3A_162 = vector.shape_cast %get3A_161 : vector<16xf32> to vector<16xf32>
        %get3A_163 = arith.index_cast %mul3A_159 : i32 to index
        %get3A_164 = tpu.vector_load %arg17[%get3A_163] {strides = array<i32>} : memref<400xf32, #tpu.memory_space<vmem>>, vector<16xf32>,
        %get3A_165 = vector.shape_cast %get3A_164 : vector<16xf32> to vector<16xf32>
        %add3A_166 = arith.addf %get3A_162, %get3A_165 : vector<16xf32>
        %get3A_167 = arith.index_cast %mul3A_159 : i32 to index
        %get3A_168 = tpu.vector_load %arg15[%get3A_167] {strides = array<i32>} : memref<400xf32, #tpu.memory_space<vmem>>, vector<16xf32>,
        %get3A_169 = vector.shape_cast %get3A_168 : vector<16xf32> to vector<16xf32>
        %mul3A_170 = arith.mulf %get3A_169, %get3A_3 : vector<16xf32>
        %add3A_171 = arith.addf %add3A_166, %mul3A_170 : vector<16xf32>
        %ge3A_172 = arith.constant 0.000000e+00 : f32
        %ge3A_173 = vector.broadcast %ge3A_172 : f32 to vector<16xf32>
        %ge3A_174 = arith.cmpf oge, %add3A_171, %ge3A_173 : vector<16xf32>
        %mul3A_175 = arith.constant 2.000000e-01 : f32
        %mul3A_176 = vector.broadcast %mul3A_175 : f32 to vector<16xf32>
        %mul3A_177 = arith.mulf %add3A_171, %mul3A_176 : vector<16xf32>
        %select_n3A_178 = arith.select %ge3A_174, %add3A_171, %mul3A_177 : vector<16xi1>, vector<16xf32>
        %exp3A_179 = math.exp %select_n3A_178 : vector<16xf32>
        %swap3A_180 = arith.index_cast %mul3A_159 : i32 to index
        %swap3A_181 = tpu.vector_load %arg18[%swap3A_180] {strides = array<i32>} : memref<400xf32, #tpu.memory_space<vmem>>, vector<16xf32>,
        %swap3A_182 = vector.shape_cast %swap3A_181 : vector<16xf32> to vector<16xf32>
        %swap3A_183 = vector.shape_cast %exp3A_179 : vector<16xf32> to vector<16xf32>
        tpu.vector_store %arg18[%swap3A_180], %swap3A_183 {strides = array<i32>} : memref<400xf32, #tpu.memory_space<vmem>>, vector<16xf32>,
        %scan3A_184 = arith.constant 0 : i32
        %scan3A_185 = arith.constant 3 : i32
        %scan3A_186 = arith.addi %scan3A_98, %scan3A_185 : i32
        %mul3A_187 = arith.constant 16 : i32
        %mul3A_188 = arith.muli %scan3A_186, %mul3A_187 : i32
        %get3A_189 = arith.index_cast %mul3A_188 : i32 to index
        %get3A_190 = tpu.vector_load %arg16[%get3A_189] {strides = array<i32>} : memref<400xf32, #tpu.memory_space<vmem>>, vector<16xf32>,
        %get3A_191 = vector.shape_cast %get3A_190 : vector<16xf32> to vector<16xf32>
        %get3A_192 = arith.index_cast %mul3A_188 : i32 to index
        %get3A_193 = tpu.vector_load %arg17[%get3A_192] {strides = array<i32>} : memref<400xf32, #tpu.memory_space<vmem>>, vector<16xf32>,
        %get3A_194 = vector.shape_cast %get3A_193 : vector<16xf32> to vector<16xf32>
        %add3A_195 = arith.addf %get3A_191, %get3A_194 : vector<16xf32>
        %get3A_196 = arith.index_cast %mul3A_188 : i32 to index
        %get3A_197 = tpu.vector_load %arg15[%get3A_196] {strides = array<i32>} : memref<400xf32, #tpu.memory_space<vmem>>, vector<16xf32>,
        %get3A_198 = vector.shape_cast %get3A_197 : vector<16xf32> to vector<16xf32>
        %mul3A_199 = arith.mulf %get3A_198, %get3A_3 : vector<16xf32>
        %add3A_200 = arith.addf %add3A_195, %mul3A_199 : vector<16xf32>
        %ge3A_201 = arith.constant 0.000000e+00 : f32
        %ge3A_202 = vector.broadcast %ge3A_201 : f32 to vector<16xf32>
        %ge3A_203 = arith.cmpf oge, %add3A_200, %ge3A_202 : vector<16xf32>
        %mul3A_204 = arith.constant 2.000000e-01 : f32
        %mul3A_205 = vector.broadcast %mul3A_204 : f32 to vector<16xf32>
        %mul3A_206 = arith.mulf %add3A_200, %mul3A_205 : vector<16xf32>
        %select_n3A_207 = arith.select %ge3A_203, %add3A_200, %mul3A_206 : vector<16xi1>, vector<16xf32>
        %exp3A_208 = math.exp %select_n3A_207 : vector<16xf32>
        %swap3A_209 = arith.index_cast %mul3A_188 : i32 to index
        %swap3A_210 = tpu.vector_load %arg18[%swap3A_209] {strides = array<i32>} : memref<400xf32, #tpu.memory_space<vmem>>, vector<16xf32>,
        %swap3A_211 = vector.shape_cast %swap3A_210 : vector<16xf32> to vector<16xf32>
        %swap3A_212 = vector.shape_cast %exp3A_208 : vector<16xf32> to vector<16xf32>
        tpu.vector_store %arg18[%swap3A_209], %swap3A_212 {strides = array<i32>} : memref<400xf32, #tpu.memory_space<vmem>>, vector<16xf32>,
        %scan3A_213 = arith.constant 0 : i32
        scf.yield %scan3A_213 : i32
      }
      %scan3A_51 = arith.constant 24 : i32
      %scan3A_52 = arith.addi %scan3A_46, %scan3A_51 : i32
      %mul3A_53 = arith.constant 16 : i32
      %mul3A_54 = arith.muli %scan3A_52, %mul3A_53 : i32
      %get3A_55 = arith.index_cast %mul3A_54 : i32 to index
      %get3A_56 = tpu.vector_load %arg16[%get3A_55] {strides = array<i32>} : memref<400xf32, #tpu.memory_space<vmem>>, vector<16xf32>,
      %get3A_57 = vector.shape_cast %get3A_56 : vector<16xf32> to vector<16xf32>
      %get3A_58 = arith.index_cast %mul3A_54 : i32 to index
      %get3A_59 = tpu.vector_load %arg17[%get3A_58] {strides = array<i32>} : memref<400xf32, #tpu.memory_space<vmem>>, vector<16xf32>,
      %get3A_60 = vector.shape_cast %get3A_59 : vector<16xf32> to vector<16xf32>
      %add3A_61 = arith.addf %get3A_57, %get3A_60 : vector<16xf32>
      %get3A_62 = arith.index_cast %mul3A_54 : i32 to index
      %get3A_63 = tpu.vector_load %arg15[%get3A_62] {strides = array<i32>} : memref<400xf32, #tpu.memory_space<vmem>>, vector<16xf32>,
      %get3A_64 = vector.shape_cast %get3A_63 : vector<16xf32> to vector<16xf32>
      %mul3A_65 = arith.mulf %get3A_64, %get3A_3 : vector<16xf32>
      %add3A_66 = arith.addf %add3A_61, %mul3A_65 : vector<16xf32>
      %ge3A = arith.constant 0.000000e+00 : f32
      %ge3A_67 = vector.broadcast %ge3A : f32 to vector<16xf32>
      %ge3A_68 = arith.cmpf oge, %add3A_66, %ge3A_67 : vector<16xf32>
      %mul3A_69 = arith.constant 2.000000e-01 : f32
      %mul3A_70 = vector.broadcast %mul3A_69 : f32 to vector<16xf32>
      %mul3A_71 = arith.mulf %add3A_66, %mul3A_70 : vector<16xf32>
      %select_n3A = arith.select %ge3A_68, %add3A_66, %mul3A_71 : vector<16xi1>, vector<16xf32>
      %exp3A = math.exp %select_n3A : vector<16xf32>
      %swap3A = arith.index_cast %mul3A_54 : i32 to index
      %swap3A_72 = tpu.vector_load %arg18[%swap3A] {strides = array<i32>} : memref<400xf32, #tpu.memory_space<vmem>>, vector<16xf32>,
      %swap3A_73 = vector.shape_cast %swap3A_72 : vector<16xf32> to vector<16xf32>
      %swap3A_74 = vector.shape_cast %exp3A : vector<16xf32> to vector<16xf32>
      tpu.vector_store %arg18[%swap3A], %swap3A_74 {strides = array<i32>} : memref<400xf32, #tpu.memory_space<vmem>>, vector<16xf32>,
      %scan3A_75 = arith.constant 0 : i32
      %scan3A_76 = arith.constant 25 : i32
      %dma_start3A_77 = arith.constant 0 : i32
      %dma_start3A_78 = tpu.memref_slice %arg23[%dma_start3A_77] : memref<100000xf32, #tpu.memory_space<vmem_shared>> -> memref<100000xf32, #tpu.memory_space<vmem_shared>>
      tpu.enqueue_indirect_dma source(%arg18 : memref<400xf32, #tpu.memory_space<vmem>>) target(%dma_start3A_78 : memref<100000xf32, #tpu.memory_space<vmem_shared>>) offsets(%arg14 : memref<400xi32, #tpu.memory_space<vmem>>) semaphore(%arg26 : memref<!tpu.dma_semaphore, #tpu.memory_space<semaphore_mem>>) {add = true}
      %dma_wait3A_79 = arith.constant 0 : i32
      %dma_wait3A_80 = arith.constant 0 : i32
      %dma_wait3A_81 = tpu.memref_slice %arg7[%dma_wait3A_79, %dma_wait3A_80] : memref<100000x16xf32, #tpu.memory_space<hbm>> -> memref<100000x16xf32, #tpu.memory_space<hbm>>
      tpu.wait_indirect_dma semaphore(%arg25 : memref<!tpu.dma_semaphore, #tpu.memory_space<semaphore_mem>>) src(%dma_wait3A_81 : memref<100000x16xf32, #tpu.memory_space<hbm>>) dst(%arg19 : memref<400x16xf32, #tpu.memory_space<vmem>>)
      %scan3A_82 = arith.constant 0 : i32
      %scan3A_83 = arith.constant 0 : i32
      %scan3A_84 = arith.constant 25 : i32
      %scan3A_85 = arith.addi %scan3A_83, %scan3A_84 : i32
      %scan3A_86 = arith.constant 1 : i32
      %scan3A_87 = scf.for %scan3A_98 = %scan3A_83 to %scan3A_85 step %scan3A_86 iter_args(%scan3A_99 = %scan3A_82) -> (i32)  : i32 {
        %mul3A_100 = arith.constant 16 : i32
        %mul3A_101 = arith.muli %scan3A_98, %mul3A_100 : i32
        %get3A_102 = arith.index_cast %mul3A_101 : i32 to index
        %get3A_103 = tpu.vector_load %arg18[%get3A_102] {strides = array<i32>} : memref<400xf32, #tpu.memory_space<vmem>>, vector<16xf32>,
        %get3A_104 = vector.shape_cast %get3A_103 : vector<16xf32> to vector<16xf32>
        %mul3A_105 = arith.constant 16 : i32
        %mul3A_106 = arith.muli %scan3A_98, %mul3A_105 : i32
        %add3A_107 = arith.constant 0 : i32
        %add3A_108 = arith.addi %mul3A_106, %add3A_107 : i32
        %get3A_109 = arith.index_cast %add3A_108 : i32 to index
        %get3A_110 = arith.constant 0 : index
        %get3A_111 = tpu.vector_load %arg19[%get3A_109, %get3A_110] {strides = array<i32>} : memref<400x16xf32, #tpu.memory_space<vmem>>, vector<1x16xf32>,
        %get3A_112 = vector.shape_cast %get3A_111 : vector<1x16xf32> to vector<16xf32>
        %slice3A = vector.extract_strided_slice %get3A_104 {offsets = [0], sizes = [1], strides = [1]} : vector<16xf32> to vector<1xf32>
        %squeeze3A = vector.extract %slice3A[0] : f32 from vector<1xf32>
        %mul3A_113 = vector.broadcast %squeeze3A : f32 to vector<16xf32>
        %mul3A_114 = arith.mulf %get3A_112, %mul3A_113 : vector<16xf32>
        %swap3A_115 = arith.index_cast %add3A_108 : i32 to index
        %swap3A_116 = arith.constant 0 : index
        %swap3A_117 = tpu.vector_load %arg19[%swap3A_115, %swap3A_116] {strides = array<i32>} : memref<400x16xf32, #tpu.memory_space<vmem>>, vector<1x16xf32>,
        %swap3A_118 = vector.shape_cast %swap3A_117 : vector<1x16xf32> to vector<16xf32>
        %swap3A_119 = vector.shape_cast %mul3A_114 : vector<16xf32> to vector<1x16xf32>
        tpu.vector_store %arg19[%swap3A_115, %swap3A_116], %swap3A_119 {strides = array<i32>} : memref<400x16xf32, #tpu.memory_space<vmem>>, vector<1x16xf32>,
        %mul3A_120 = arith.constant 16 : i32
        %mul3A_121 = arith.muli %scan3A_98, %mul3A_120 : i32
        %add3A_122 = arith.constant 1 : i32
        %add3A_123 = arith.addi %mul3A_121, %add3A_122 : i32
        %get3A_124 = arith.index_cast %add3A_123 : i32 to index
        %get3A_125 = arith.constant 0 : index
        %get3A_126 = tpu.vector_load %arg19[%get3A_124, %get3A_125] {strides = array<i32>} : memref<400x16xf32, #tpu.memory_space<vmem>>, vector<1x16xf32>,
        %get3A_127 = vector.shape_cast %get3A_126 : vector<1x16xf32> to vector<16xf32>
        %slice3A_128 = vector.extract_strided_slice %get3A_104 {offsets = [1], sizes = [1], strides = [1]} : vector<16xf32> to vector<1xf32>
        %squeeze3A_129 = vector.extract %slice3A_128[0] : f32 from vector<1xf32>
        %mul3A_130 = vector.broadcast %squeeze3A_129 : f32 to vector<16xf32>
        %mul3A_131 = arith.mulf %get3A_127, %mul3A_130 : vector<16xf32>
        %swap3A_132 = arith.index_cast %add3A_123 : i32 to index
        %swap3A_133 = arith.constant 0 : index
        %swap3A_134 = tpu.vector_load %arg19[%swap3A_132, %swap3A_133] {strides = array<i32>} : memref<400x16xf32, #tpu.memory_space<vmem>>, vector<1x16xf32>,
        %swap3A_135 = vector.shape_cast %swap3A_134 : vector<1x16xf32> to vector<16xf32>
        %swap3A_136 = vector.shape_cast %mul3A_131 : vector<16xf32> to vector<1x16xf32>
        tpu.vector_store %arg19[%swap3A_132, %swap3A_133], %swap3A_136 {strides = array<i32>} : memref<400x16xf32, #tpu.memory_space<vmem>>, vector<1x16xf32>,
        %mul3A_137 = arith.constant 16 : i32
        %mul3A_138 = arith.muli %scan3A_98, %mul3A_137 : i32
        %add3A_139 = arith.constant 2 : i32
        %add3A_140 = arith.addi %mul3A_138, %add3A_139 : i32
        %get3A_141 = arith.index_cast %add3A_140 : i32 to index
        %get3A_142 = arith.constant 0 : index
        %get3A_143 = tpu.vector_load %arg19[%get3A_141, %get3A_142] {strides = array<i32>} : memref<400x16xf32, #tpu.memory_space<vmem>>, vector<1x16xf32>,
        %get3A_144 = vector.shape_cast %get3A_143 : vector<1x16xf32> to vector<16xf32>
        %slice3A_145 = vector.extract_strided_slice %get3A_104 {offsets = [2], sizes = [1], strides = [1]} : vector<16xf32> to vector<1xf32>
        %squeeze3A_146 = vector.extract %slice3A_145[0] : f32 from vector<1xf32>
        %mul3A_147 = vector.broadcast %squeeze3A_146 : f32 to vector<16xf32>
        %mul3A_148 = arith.mulf %get3A_144, %mul3A_147 : vector<16xf32>
        %swap3A_149 = arith.index_cast %add3A_140 : i32 to index
        %swap3A_150 = arith.constant 0 : index
        %swap3A_151 = tpu.vector_load %arg19[%swap3A_149, %swap3A_150] {strides = array<i32>} : memref<400x16xf32, #tpu.memory_space<vmem>>, vector<1x16xf32>,
        %swap3A_152 = vector.shape_cast %swap3A_151 : vector<1x16xf32> to vector<16xf32>
        %swap3A_153 = vector.shape_cast %mul3A_148 : vector<16xf32> to vector<1x16xf32>
        tpu.vector_store %arg19[%swap3A_149, %swap3A_150], %swap3A_153 {strides = array<i32>} : memref<400x16xf32, #tpu.memory_space<vmem>>, vector<1x16xf32>,
        %mul3A_154 = arith.constant 16 : i32
        %mul3A_155 = arith.muli %scan3A_98, %mul3A_154 : i32
        %add3A_156 = arith.constant 3 : i32
        %add3A_157 = arith.addi %mul3A_155, %add3A_156 : i32
        %get3A_158 = arith.index_cast %add3A_157 : i32 to index
        %get3A_159 = arith.constant 0 : index
        %get3A_160 = tpu.vector_load %arg19[%get3A_158, %get3A_159] {strides = array<i32>} : memref<400x16xf32, #tpu.memory_space<vmem>>, vector<1x16xf32>,
        %get3A_161 = vector.shape_cast %get3A_160 : vector<1x16xf32> to vector<16xf32>
        %slice3A_162 = vector.extract_strided_slice %get3A_104 {offsets = [3], sizes = [1], strides = [1]} : vector<16xf32> to vector<1xf32>
        %squeeze3A_163 = vector.extract %slice3A_162[0] : f32 from vector<1xf32>
        %mul3A_164 = vector.broadcast %squeeze3A_163 : f32 to vector<16xf32>
        %mul3A_165 = arith.mulf %get3A_161, %mul3A_164 : vector<16xf32>
        %swap3A_166 = arith.index_cast %add3A_157 : i32 to index
        %swap3A_167 = arith.constant 0 : index
        %swap3A_168 = tpu.vector_load %arg19[%swap3A_166, %swap3A_167] {strides = array<i32>} : memref<400x16xf32, #tpu.memory_space<vmem>>, vector<1x16xf32>,
        %swap3A_169 = vector.shape_cast %swap3A_168 : vector<1x16xf32> to vector<16xf32>
        %swap3A_170 = vector.shape_cast %mul3A_165 : vector<16xf32> to vector<1x16xf32>
        tpu.vector_store %arg19[%swap3A_166, %swap3A_167], %swap3A_170 {strides = array<i32>} : memref<400x16xf32, #tpu.memory_space<vmem>>, vector<1x16xf32>,
        %mul3A_171 = arith.constant 16 : i32
        %mul3A_172 = arith.muli %scan3A_98, %mul3A_171 : i32
        %add3A_173 = arith.constant 4 : i32
        %add3A_174 = arith.addi %mul3A_172, %add3A_173 : i32
        %get3A_175 = arith.index_cast %add3A_174 : i32 to index
        %get3A_176 = arith.constant 0 : index
        %get3A_177 = tpu.vector_load %arg19[%get3A_175, %get3A_176] {strides = array<i32>} : memref<400x16xf32, #tpu.memory_space<vmem>>, vector<1x16xf32>,
        %get3A_178 = vector.shape_cast %get3A_177 : vector<1x16xf32> to vector<16xf32>
        %slice3A_179 = vector.extract_strided_slice %get3A_104 {offsets = [4], sizes = [1], strides = [1]} : vector<16xf32> to vector<1xf32>
        %squeeze3A_180 = vector.extract %slice3A_179[0] : f32 from vector<1xf32>
        %mul3A_181 = vector.broadcast %squeeze3A_180 : f32 to vector<16xf32>
        %mul3A_182 = arith.mulf %get3A_178, %mul3A_181 : vector<16xf32>
        %swap3A_183 = arith.index_cast %add3A_174 : i32 to index
        %swap3A_184 = arith.constant 0 : index
        %swap3A_185 = tpu.vector_load %arg19[%swap3A_183, %swap3A_184] {strides = array<i32>} : memref<400x16xf32, #tpu.memory_space<vmem>>, vector<1x16xf32>,
        %swap3A_186 = vector.shape_cast %swap3A_185 : vector<1x16xf32> to vector<16xf32>
        %swap3A_187 = vector.shape_cast %mul3A_182 : vector<16xf32> to vector<1x16xf32>
        tpu.vector_store %arg19[%swap3A_183, %swap3A_184], %swap3A_187 {strides = array<i32>} : memref<400x16xf32, #tpu.memory_space<vmem>>, vector<1x16xf32>,
        %mul3A_188 = arith.constant 16 : i32
        %mul3A_189 = arith.muli %scan3A_98, %mul3A_188 : i32
        %add3A_190 = arith.constant 5 : i32
        %add3A_191 = arith.addi %mul3A_189, %add3A_190 : i32
        %get3A_192 = arith.index_cast %add3A_191 : i32 to index
        %get3A_193 = arith.constant 0 : index
        %get3A_194 = tpu.vector_load %arg19[%get3A_192, %get3A_193] {strides = array<i32>} : memref<400x16xf32, #tpu.memory_space<vmem>>, vector<1x16xf32>,
        %get3A_195 = vector.shape_cast %get3A_194 : vector<1x16xf32> to vector<16xf32>
        %slice3A_196 = vector.extract_strided_slice %get3A_104 {offsets = [5], sizes = [1], strides = [1]} : vector<16xf32> to vector<1xf32>
        %squeeze3A_197 = vector.extract %slice3A_196[0] : f32 from vector<1xf32>
        %mul3A_198 = vector.broadcast %squeeze3A_197 : f32 to vector<16xf32>
        %mul3A_199 = arith.mulf %get3A_195, %mul3A_198 : vector<16xf32>
        %swap3A_200 = arith.index_cast %add3A_191 : i32 to index
        %swap3A_201 = arith.constant 0 : index
        %swap3A_202 = tpu.vector_load %arg19[%swap3A_200, %swap3A_201] {strides = array<i32>} : memref<400x16xf32, #tpu.memory_space<vmem>>, vector<1x16xf32>,
        %swap3A_203 = vector.shape_cast %swap3A_202 : vector<1x16xf32> to vector<16xf32>
        %swap3A_204 = vector.shape_cast %mul3A_199 : vector<16xf32> to vector<1x16xf32>
        tpu.vector_store %arg19[%swap3A_200, %swap3A_201], %swap3A_204 {strides = array<i32>} : memref<400x16xf32, #tpu.memory_space<vmem>>, vector<1x16xf32>,
        %mul3A_205 = arith.constant 16 : i32
        %mul3A_206 = arith.muli %scan3A_98, %mul3A_205 : i32
        %add3A_207 = arith.constant 6 : i32
        %add3A_208 = arith.addi %mul3A_206, %add3A_207 : i32
        %get3A_209 = arith.index_cast %add3A_208 : i32 to index
        %get3A_210 = arith.constant 0 : index
        %get3A_211 = tpu.vector_load %arg19[%get3A_209, %get3A_210] {strides = array<i32>} : memref<400x16xf32, #tpu.memory_space<vmem>>, vector<1x16xf32>,
        %get3A_212 = vector.shape_cast %get3A_211 : vector<1x16xf32> to vector<16xf32>
        %slice3A_213 = vector.extract_strided_slice %get3A_104 {offsets = [6], sizes = [1], strides = [1]} : vector<16xf32> to vector<1xf32>
        %squeeze3A_214 = vector.extract %slice3A_213[0] : f32 from vector<1xf32>
        %mul3A_215 = vector.broadcast %squeeze3A_214 : f32 to vector<16xf32>
        %mul3A_216 = arith.mulf %get3A_212, %mul3A_215 : vector<16xf32>
        %swap3A_217 = arith.index_cast %add3A_208 : i32 to index
        %swap3A_218 = arith.constant 0 : index
        %swap3A_219 = tpu.vector_load %arg19[%swap3A_217, %swap3A_218] {strides = array<i32>} : memref<400x16xf32, #tpu.memory_space<vmem>>, vector<1x16xf32>,
        %swap3A_220 = vector.shape_cast %swap3A_219 : vector<1x16xf32> to vector<16xf32>
        %swap3A_221 = vector.shape_cast %mul3A_216 : vector<16xf32> to vector<1x16xf32>
        tpu.vector_store %arg19[%swap3A_217, %swap3A_218], %swap3A_221 {strides = array<i32>} : memref<400x16xf32, #tpu.memory_space<vmem>>, vector<1x16xf32>,
        %mul3A_222 = arith.constant 16 : i32
        %mul3A_223 = arith.muli %scan3A_98, %mul3A_222 : i32
        %add3A_224 = arith.constant 7 : i32
        %add3A_225 = arith.addi %mul3A_223, %add3A_224 : i32
        %get3A_226 = arith.index_cast %add3A_225 : i32 to index
        %get3A_227 = arith.constant 0 : index
        %get3A_228 = tpu.vector_load %arg19[%get3A_226, %get3A_227] {strides = array<i32>} : memref<400x16xf32, #tpu.memory_space<vmem>>, vector<1x16xf32>,
        %get3A_229 = vector.shape_cast %get3A_228 : vector<1x16xf32> to vector<16xf32>
        %slice3A_230 = vector.extract_strided_slice %get3A_104 {offsets = [7], sizes = [1], strides = [1]} : vector<16xf32> to vector<1xf32>
        %squeeze3A_231 = vector.extract %slice3A_230[0] : f32 from vector<1xf32>
        %mul3A_232 = vector.broadcast %squeeze3A_231 : f32 to vector<16xf32>
        %mul3A_233 = arith.mulf %get3A_229, %mul3A_232 : vector<16xf32>
        %swap3A_234 = arith.index_cast %add3A_225 : i32 to index
        %swap3A_235 = arith.constant 0 : index
        %swap3A_236 = tpu.vector_load %arg19[%swap3A_234, %swap3A_235] {strides = array<i32>} : memref<400x16xf32, #tpu.memory_space<vmem>>, vector<1x16xf32>,
        %swap3A_237 = vector.shape_cast %swap3A_236 : vector<1x16xf32> to vector<16xf32>
        %swap3A_238 = vector.shape_cast %mul3A_233 : vector<16xf32> to vector<1x16xf32>
        tpu.vector_store %arg19[%swap3A_234, %swap3A_235], %swap3A_238 {strides = array<i32>} : memref<400x16xf32, #tpu.memory_space<vmem>>, vector<1x16xf32>,
        %mul3A_239 = arith.constant 16 : i32
        %mul3A_240 = arith.muli %scan3A_98, %mul3A_239 : i32
        %add3A_241 = arith.constant 8 : i32
        %add3A_242 = arith.addi %mul3A_240, %add3A_241 : i32
        %get3A_243 = arith.index_cast %add3A_242 : i32 to index
        %get3A_244 = arith.constant 0 : index
        %get3A_245 = tpu.vector_load %arg19[%get3A_243, %get3A_244] {strides = array<i32>} : memref<400x16xf32, #tpu.memory_space<vmem>>, vector<1x16xf32>,
        %get3A_246 = vector.shape_cast %get3A_245 : vector<1x16xf32> to vector<16xf32>
        %slice3A_247 = vector.extract_strided_slice %get3A_104 {offsets = [8], sizes = [1], strides = [1]} : vector<16xf32> to vector<1xf32>
        %squeeze3A_248 = vector.extract %slice3A_247[0] : f32 from vector<1xf32>
        %mul3A_249 = vector.broadcast %squeeze3A_248 : f32 to vector<16xf32>
        %mul3A_250 = arith.mulf %get3A_246, %mul3A_249 : vector<16xf32>
        %swap3A_251 = arith.index_cast %add3A_242 : i32 to index
        %swap3A_252 = arith.constant 0 : index
        %swap3A_253 = tpu.vector_load %arg19[%swap3A_251, %swap3A_252] {strides = array<i32>} : memref<400x16xf32, #tpu.memory_space<vmem>>, vector<1x16xf32>,
        %swap3A_254 = vector.shape_cast %swap3A_253 : vector<1x16xf32> to vector<16xf32>
        %swap3A_255 = vector.shape_cast %mul3A_250 : vector<16xf32> to vector<1x16xf32>
        tpu.vector_store %arg19[%swap3A_251, %swap3A_252], %swap3A_255 {strides = array<i32>} : memref<400x16xf32, #tpu.memory_space<vmem>>, vector<1x16xf32>,
        %mul3A_256 = arith.constant 16 : i32
        %mul3A_257 = arith.muli %scan3A_98, %mul3A_256 : i32
        %add3A_258 = arith.constant 9 : i32
        %add3A_259 = arith.addi %mul3A_257, %add3A_258 : i32
        %get3A_260 = arith.index_cast %add3A_259 : i32 to index
        %get3A_261 = arith.constant 0 : index
        %get3A_262 = tpu.vector_load %arg19[%get3A_260, %get3A_261] {strides = array<i32>} : memref<400x16xf32, #tpu.memory_space<vmem>>, vector<1x16xf32>,
        %get3A_263 = vector.shape_cast %get3A_262 : vector<1x16xf32> to vector<16xf32>
        %slice3A_264 = vector.extract_strided_slice %get3A_104 {offsets = [9], sizes = [1], strides = [1]} : vector<16xf32> to vector<1xf32>
        %squeeze3A_265 = vector.extract %slice3A_264[0] : f32 from vector<1xf32>
        %mul3A_266 = vector.broadcast %squeeze3A_265 : f32 to vector<16xf32>
        %mul3A_267 = arith.mulf %get3A_263, %mul3A_266 : vector<16xf32>
        %swap3A_268 = arith.index_cast %add3A_259 : i32 to index
        %swap3A_269 = arith.constant 0 : index
        %swap3A_270 = tpu.vector_load %arg19[%swap3A_268, %swap3A_269] {strides = array<i32>} : memref<400x16xf32, #tpu.memory_space<vmem>>, vector<1x16xf32>,
        %swap3A_271 = vector.shape_cast %swap3A_270 : vector<1x16xf32> to vector<16xf32>
        %swap3A_272 = vector.shape_cast %mul3A_267 : vector<16xf32> to vector<1x16xf32>
        tpu.vector_store %arg19[%swap3A_268, %swap3A_269], %swap3A_272 {strides = array<i32>} : memref<400x16xf32, #tpu.memory_space<vmem>>, vector<1x16xf32>,
        %mul3A_273 = arith.constant 16 : i32
        %mul3A_274 = arith.muli %scan3A_98, %mul3A_273 : i32
        %add3A_275 = arith.constant 10 : i32
        %add3A_276 = arith.addi %mul3A_274, %add3A_275 : i32
        %get3A_277 = arith.index_cast %add3A_276 : i32 to index
        %get3A_278 = arith.constant 0 : index
        %get3A_279 = tpu.vector_load %arg19[%get3A_277, %get3A_278] {strides = array<i32>} : memref<400x16xf32, #tpu.memory_space<vmem>>, vector<1x16xf32>,
        %get3A_280 = vector.shape_cast %get3A_279 : vector<1x16xf32> to vector<16xf32>
        %slice3A_281 = vector.extract_strided_slice %get3A_104 {offsets = [10], sizes = [1], strides = [1]} : vector<16xf32> to vector<1xf32>
        %squeeze3A_282 = vector.extract %slice3A_281[0] : f32 from vector<1xf32>
        %mul3A_283 = vector.broadcast %squeeze3A_282 : f32 to vector<16xf32>
        %mul3A_284 = arith.mulf %get3A_280, %mul3A_283 : vector<16xf32>
        %swap3A_285 = arith.index_cast %add3A_276 : i32 to index
        %swap3A_286 = arith.constant 0 : index
        %swap3A_287 = tpu.vector_load %arg19[%swap3A_285, %swap3A_286] {strides = array<i32>} : memref<400x16xf32, #tpu.memory_space<vmem>>, vector<1x16xf32>,
        %swap3A_288 = vector.shape_cast %swap3A_287 : vector<1x16xf32> to vector<16xf32>
        %swap3A_289 = vector.shape_cast %mul3A_284 : vector<16xf32> to vector<1x16xf32>
        tpu.vector_store %arg19[%swap3A_285, %swap3A_286], %swap3A_289 {strides = array<i32>} : memref<400x16xf32, #tpu.memory_space<vmem>>, vector<1x16xf32>,
        %mul3A_290 = arith.constant 16 : i32
        %mul3A_291 = arith.muli %scan3A_98, %mul3A_290 : i32
        %add3A_292 = arith.constant 11 : i32
        %add3A_293 = arith.addi %mul3A_291, %add3A_292 : i32
        %get3A_294 = arith.index_cast %add3A_293 : i32 to index
        %get3A_295 = arith.constant 0 : index
        %get3A_296 = tpu.vector_load %arg19[%get3A_294, %get3A_295] {strides = array<i32>} : memref<400x16xf32, #tpu.memory_space<vmem>>, vector<1x16xf32>,
        %get3A_297 = vector.shape_cast %get3A_296 : vector<1x16xf32> to vector<16xf32>
        %slice3A_298 = vector.extract_strided_slice %get3A_104 {offsets = [11], sizes = [1], strides = [1]} : vector<16xf32> to vector<1xf32>
        %squeeze3A_299 = vector.extract %slice3A_298[0] : f32 from vector<1xf32>
        %mul3A_300 = vector.broadcast %squeeze3A_299 : f32 to vector<16xf32>
        %mul3A_301 = arith.mulf %get3A_297, %mul3A_300 : vector<16xf32>
        %swap3A_302 = arith.index_cast %add3A_293 : i32 to index
        %swap3A_303 = arith.constant 0 : index
        %swap3A_304 = tpu.vector_load %arg19[%swap3A_302, %swap3A_303] {strides = array<i32>} : memref<400x16xf32, #tpu.memory_space<vmem>>, vector<1x16xf32>,
        %swap3A_305 = vector.shape_cast %swap3A_304 : vector<1x16xf32> to vector<16xf32>
        %swap3A_306 = vector.shape_cast %mul3A_301 : vector<16xf32> to vector<1x16xf32>
        tpu.vector_store %arg19[%swap3A_302, %swap3A_303], %swap3A_306 {strides = array<i32>} : memref<400x16xf32, #tpu.memory_space<vmem>>, vector<1x16xf32>,
        %mul3A_307 = arith.constant 16 : i32
        %mul3A_308 = arith.muli %scan3A_98, %mul3A_307 : i32
        %add3A_309 = arith.constant 12 : i32
        %add3A_310 = arith.addi %mul3A_308, %add3A_309 : i32
        %get3A_311 = arith.index_cast %add3A_310 : i32 to index
        %get3A_312 = arith.constant 0 : index
        %get3A_313 = tpu.vector_load %arg19[%get3A_311, %get3A_312] {strides = array<i32>} : memref<400x16xf32, #tpu.memory_space<vmem>>, vector<1x16xf32>,
        %get3A_314 = vector.shape_cast %get3A_313 : vector<1x16xf32> to vector<16xf32>
        %slice3A_315 = vector.extract_strided_slice %get3A_104 {offsets = [12], sizes = [1], strides = [1]} : vector<16xf32> to vector<1xf32>
        %squeeze3A_316 = vector.extract %slice3A_315[0] : f32 from vector<1xf32>
        %mul3A_317 = vector.broadcast %squeeze3A_316 : f32 to vector<16xf32>
        %mul3A_318 = arith.mulf %get3A_314, %mul3A_317 : vector<16xf32>
        %swap3A_319 = arith.index_cast %add3A_310 : i32 to index
        %swap3A_320 = arith.constant 0 : index
        %swap3A_321 = tpu.vector_load %arg19[%swap3A_319, %swap3A_320] {strides = array<i32>} : memref<400x16xf32, #tpu.memory_space<vmem>>, vector<1x16xf32>,
        %swap3A_322 = vector.shape_cast %swap3A_321 : vector<1x16xf32> to vector<16xf32>
        %swap3A_323 = vector.shape_cast %mul3A_318 : vector<16xf32> to vector<1x16xf32>
        tpu.vector_store %arg19[%swap3A_319, %swap3A_320], %swap3A_323 {strides = array<i32>} : memref<400x16xf32, #tpu.memory_space<vmem>>, vector<1x16xf32>,
        %mul3A_324 = arith.constant 16 : i32
        %mul3A_325 = arith.muli %scan3A_98, %mul3A_324 : i32
        %add3A_326 = arith.constant 13 : i32
        %add3A_327 = arith.addi %mul3A_325, %add3A_326 : i32
        %get3A_328 = arith.index_cast %add3A_327 : i32 to index
        %get3A_329 = arith.constant 0 : index
        %get3A_330 = tpu.vector_load %arg19[%get3A_328, %get3A_329] {strides = array<i32>} : memref<400x16xf32, #tpu.memory_space<vmem>>, vector<1x16xf32>,
        %get3A_331 = vector.shape_cast %get3A_330 : vector<1x16xf32> to vector<16xf32>
        %slice3A_332 = vector.extract_strided_slice %get3A_104 {offsets = [13], sizes = [1], strides = [1]} : vector<16xf32> to vector<1xf32>
        %squeeze3A_333 = vector.extract %slice3A_332[0] : f32 from vector<1xf32>
        %mul3A_334 = vector.broadcast %squeeze3A_333 : f32 to vector<16xf32>
        %mul3A_335 = arith.mulf %get3A_331, %mul3A_334 : vector<16xf32>
        %swap3A_336 = arith.index_cast %add3A_327 : i32 to index
        %swap3A_337 = arith.constant 0 : index
        %swap3A_338 = tpu.vector_load %arg19[%swap3A_336, %swap3A_337] {strides = array<i32>} : memref<400x16xf32, #tpu.memory_space<vmem>>, vector<1x16xf32>,
        %swap3A_339 = vector.shape_cast %swap3A_338 : vector<1x16xf32> to vector<16xf32>
        %swap3A_340 = vector.shape_cast %mul3A_335 : vector<16xf32> to vector<1x16xf32>
        tpu.vector_store %arg19[%swap3A_336, %swap3A_337], %swap3A_340 {strides = array<i32>} : memref<400x16xf32, #tpu.memory_space<vmem>>, vector<1x16xf32>,
        %mul3A_341 = arith.constant 16 : i32
        %mul3A_342 = arith.muli %scan3A_98, %mul3A_341 : i32
        %add3A_343 = arith.constant 14 : i32
        %add3A_344 = arith.addi %mul3A_342, %add3A_343 : i32
        %get3A_345 = arith.index_cast %add3A_344 : i32 to index
        %get3A_346 = arith.constant 0 : index
        %get3A_347 = tpu.vector_load %arg19[%get3A_345, %get3A_346] {strides = array<i32>} : memref<400x16xf32, #tpu.memory_space<vmem>>, vector<1x16xf32>,
        %get3A_348 = vector.shape_cast %get3A_347 : vector<1x16xf32> to vector<16xf32>
        %slice3A_349 = vector.extract_strided_slice %get3A_104 {offsets = [14], sizes = [1], strides = [1]} : vector<16xf32> to vector<1xf32>
        %squeeze3A_350 = vector.extract %slice3A_349[0] : f32 from vector<1xf32>
        %mul3A_351 = vector.broadcast %squeeze3A_350 : f32 to vector<16xf32>
        %mul3A_352 = arith.mulf %get3A_348, %mul3A_351 : vector<16xf32>
        %swap3A_353 = arith.index_cast %add3A_344 : i32 to index
        %swap3A_354 = arith.constant 0 : index
        %swap3A_355 = tpu.vector_load %arg19[%swap3A_353, %swap3A_354] {strides = array<i32>} : memref<400x16xf32, #tpu.memory_space<vmem>>, vector<1x16xf32>,
        %swap3A_356 = vector.shape_cast %swap3A_355 : vector<1x16xf32> to vector<16xf32>
        %swap3A_357 = vector.shape_cast %mul3A_352 : vector<16xf32> to vector<1x16xf32>
        tpu.vector_store %arg19[%swap3A_353, %swap3A_354], %swap3A_357 {strides = array<i32>} : memref<400x16xf32, #tpu.memory_space<vmem>>, vector<1x16xf32>,
        %mul3A_358 = arith.constant 16 : i32
        %mul3A_359 = arith.muli %scan3A_98, %mul3A_358 : i32
        %add3A_360 = arith.constant 15 : i32
        %add3A_361 = arith.addi %mul3A_359, %add3A_360 : i32
        %get3A_362 = arith.index_cast %add3A_361 : i32 to index
        %get3A_363 = arith.constant 0 : index
        %get3A_364 = tpu.vector_load %arg19[%get3A_362, %get3A_363] {strides = array<i32>} : memref<400x16xf32, #tpu.memory_space<vmem>>, vector<1x16xf32>,
        %get3A_365 = vector.shape_cast %get3A_364 : vector<1x16xf32> to vector<16xf32>
        %slice3A_366 = vector.extract_strided_slice %get3A_104 {offsets = [15], sizes = [1], strides = [1]} : vector<16xf32> to vector<1xf32>
        %squeeze3A_367 = vector.extract %slice3A_366[0] : f32 from vector<1xf32>
        %mul3A_368 = vector.broadcast %squeeze3A_367 : f32 to vector<16xf32>
        %mul3A_369 = arith.mulf %get3A_365, %mul3A_368 : vector<16xf32>
        %swap3A_370 = arith.index_cast %add3A_361 : i32 to index
        %swap3A_371 = arith.constant 0 : index
        %swap3A_372 = tpu.vector_load %arg19[%swap3A_370, %swap3A_371] {strides = array<i32>} : memref<400x16xf32, #tpu.memory_space<vmem>>, vector<1x16xf32>,
        %swap3A_373 = vector.shape_cast %swap3A_372 : vector<1x16xf32> to vector<16xf32>
        %swap3A_374 = vector.shape_cast %mul3A_369 : vector<16xf32> to vector<1x16xf32>
        tpu.vector_store %arg19[%swap3A_370, %swap3A_371], %swap3A_374 {strides = array<i32>} : memref<400x16xf32, #tpu.memory_space<vmem>>, vector<1x16xf32>,
        %scan3A_375 = arith.constant 0 : i32
        scf.yield %scan3A_375 : i32
      }
      %scan3A_88 = arith.constant 25 : i32
      %dma_start3A_89 = arith.constant 0 : i32
      %dma_start3A_90 = arith.constant 0 : i32
      %dma_start3A_91 = tpu.memref_slice %arg24[%dma_start3A_89, %dma_start3A_90] : memref<100000x16xf32, #tpu.memory_space<vmem_shared>> -> memref<100000x16xf32, #tpu.memory_space<vmem_shared>>
      tpu.enqueue_indirect_dma source(%arg19 : memref<400x16xf32, #tpu.memory_space<vmem>>) target(%dma_start3A_91 : memref<100000x16xf32, #tpu.memory_space<vmem_shared>>) offsets(%arg14 : memref<400xi32, #tpu.memory_space<vmem>>) semaphore(%arg27 : memref<!tpu.dma_semaphore, #tpu.memory_space<semaphore_mem>>) {add = true}
      %dma_wait3A_92 = arith.constant 0 : i32
      %dma_wait3A_93 = tpu.memref_slice %arg23[%dma_wait3A_92] : memref<100000xf32, #tpu.memory_space<vmem_shared>> -> memref<100000xf32, #tpu.memory_space<vmem_shared>>
      tpu.wait_indirect_dma semaphore(%arg26 : memref<!tpu.dma_semaphore, #tpu.memory_space<semaphore_mem>>) src(%arg18 : memref<400xf32, #tpu.memory_space<vmem>>) dst(%dma_wait3A_93 : memref<100000xf32, #tpu.memory_space<vmem_shared>>)
      %dma_wait3A_94 = arith.constant 0 : i32
      %dma_wait3A_95 = arith.constant 0 : i32
      %dma_wait3A_96 = tpu.memref_slice %arg24[%dma_wait3A_94, %dma_wait3A_95] : memref<100000x16xf32, #tpu.memory_space<vmem_shared>> -> memref<100000x16xf32, #tpu.memory_space<vmem_shared>>
      tpu.wait_indirect_dma semaphore(%arg27 : memref<!tpu.dma_semaphore, #tpu.memory_space<semaphore_mem>>) src(%arg19 : memref<400x16xf32, #tpu.memory_space<vmem>>) dst(%dma_wait3A_96 : memref<100000x16xf32, #tpu.memory_space<vmem_shared>>)
      %scan3A_97 = arith.constant 0 : i32
      scf.yield %scan3A_97 : i32
    }
    %scan3A_12 = arith.constant 250 : i32
    %barrier3A_13 = arith.constant 0 : index
    tpu.barrier barrier_id(%barrier3A_13)
    %eq3A_14 = arith.constant 0 : i32
    %eq3A_15 = arith.cmpi eq, %arg1, %eq3A_14 : i32
    %convert_element_type3A_16 = arith.extui %eq3A_15 : i1 to i32
    %cond3A_17 = arith.constant 0 : i32
    %cond3A_18 = arith.cmpi ne, %convert_element_type3A_16, %cond3A_17 : i32
    scf.if %cond3A_18 {
      "tpu.region"() ({
        %run_scoped3A = tpu.sem_alloc : memref<!tpu.dma_semaphore, #tpu.memory_space<semaphore_mem>>
        %dma_start3A = arith.constant 0 : i32
        %dma_start3A_19 = tpu.memref_slice %arg12[%arg0, %dma_start3A] : memref<2x100000xf32, #tpu.memory_space<hbm>> -> memref<1x100000xf32, #tpu.memory_space<hbm>>
        %dma_start3A_20 = tpu.memref_squeeze %dma_start3A_19 : memref<1x100000xf32, #tpu.memory_space<hbm>> -> memref<100000xf32, #tpu.memory_space<hbm>>
        tpu.enqueue_dma source(%arg23 : memref<100000xf32, #tpu.memory_space<vmem_shared>>) target(%dma_start3A_20 : memref<100000xf32, #tpu.memory_space<hbm>>) target_semaphore(%run_scoped3A : memref<!tpu.dma_semaphore, #tpu.memory_space<semaphore_mem>>)
        %dma_wait3A = arith.constant 0 : i32
        %dma_wait3A_21 = tpu.memref_slice %arg12[%arg0, %dma_wait3A] : memref<2x100000xf32, #tpu.memory_space<hbm>> -> memref<1x100000xf32, #tpu.memory_space<hbm>>
        %dma_wait3A_22 = tpu.memref_squeeze %dma_wait3A_21 : memref<1x100000xf32, #tpu.memory_space<hbm>> -> memref<100000xf32, #tpu.memory_space<hbm>>
        tpu.wait_dma2 semaphore(%run_scoped3A : memref<!tpu.dma_semaphore, #tpu.memory_space<semaphore_mem>>) src(%arg23 : memref<100000xf32, #tpu.memory_space<vmem_shared>>) dst(%dma_wait3A_22 : memref<100000xf32, #tpu.memory_space<hbm>>)
        tpu.yield
      }) : () -> ()
      "tpu.region"() ({
        %run_scoped3A = tpu.sem_alloc : memref<!tpu.dma_semaphore, #tpu.memory_space<semaphore_mem>>
        %dma_start3A = arith.constant 0 : i32
        %dma_start3A_19 = arith.constant 0 : i32
        %dma_start3A_20 = tpu.memref_slice %arg11[%arg0, %dma_start3A, %dma_start3A_19] : memref<2x100000x16xf32, #tpu.memory_space<hbm>> -> memref<1x100000x16xf32, #tpu.memory_space<hbm>>
        %dma_start3A_21 = tpu.memref_squeeze %dma_start3A_20 : memref<1x100000x16xf32, #tpu.memory_space<hbm>> -> memref<100000x16xf32, #tpu.memory_space<hbm>>
        tpu.enqueue_dma source(%arg24 : memref<100000x16xf32, #tpu.memory_space<vmem_shared>>) target(%dma_start3A_21 : memref<100000x16xf32, #tpu.memory_space<hbm>>) target_semaphore(%run_scoped3A : memref<!tpu.dma_semaphore, #tpu.memory_space<semaphore_mem>>)
        %dma_wait3A = arith.constant 0 : i32
        %dma_wait3A_22 = arith.constant 0 : i32
        %dma_wait3A_23 = tpu.memref_slice %arg11[%arg0, %dma_wait3A, %dma_wait3A_22] : memref<2x100000x16xf32, #tpu.memory_space<hbm>> -> memref<1x100000x16xf32, #tpu.memory_space<hbm>>
        %dma_wait3A_24 = tpu.memref_squeeze %dma_wait3A_23 : memref<1x100000x16xf32, #tpu.memory_space<hbm>> -> memref<100000x16xf32, #tpu.memory_space<hbm>>
        tpu.wait_dma2 semaphore(%run_scoped3A : memref<!tpu.dma_semaphore, #tpu.memory_space<semaphore_mem>>) src(%arg24 : memref<100000x16xf32, #tpu.memory_space<vmem_shared>>) dst(%dma_wait3A_24 : memref<100000x16xf32, #tpu.memory_space<hbm>>)
        tpu.yield
      }) : () -> ()
    } else {
    }
    return
  }
}

module attributes {stable_mosaic.version = 14 : i64} {
  func.func @_mlp33_body(%arg0: i32, %arg1: memref<6400x16xf32, #tpu.memory_space<vmem>>, %arg2: memref<6400x16xf32, #tpu.memory_space<vmem>>, %arg3: memref<6400x1xf32, #tpu.memory_space<vmem>>, %arg4: memref<33x16xf32, #tpu.memory_space<vmem>>, %arg5: memref<1x16xf32, #tpu.memory_space<vmem>>, %arg6: memref<16x1xf32, #tpu.memory_space<vmem>>, %arg7: memref<1x1xf32, #tpu.memory_space<vmem>>, %arg8: memref<6400x1xf32, #tpu.memory_space<vmem>>) attributes {dimension_semantics = [#tpu.dimension_semantics<arbitrary>], iteration_bounds = array<i64: 500>, scalar_prefetch = 0 : i64, scratch_operands = 0 : i64, tpu.core_type = #tpu.core_type<tc>, window_params = [{transform_indices = @transform_0, window_bounds = array<i64: 6400, 16>}, {transform_indices = @transform_1, window_bounds = array<i64: 6400, 16>}, {transform_indices = @transform_2, window_bounds = array<i64: 6400, 1>}, {pipeline_mode = #tpu.pipeline_mode<synchronous>, transform_indices = @transform_3, window_bounds = array<i64: 33, 16>}, {pipeline_mode = #tpu.pipeline_mode<synchronous>, transform_indices = @transform_4, window_bounds = array<i64: 1, 16>}, {pipeline_mode = #tpu.pipeline_mode<synchronous>, transform_indices = @transform_5, window_bounds = array<i64: 16, 1>}, {pipeline_mode = #tpu.pipeline_mode<synchronous>, transform_indices = @transform_6, window_bounds = array<i64: 1, 1>}, {transform_indices = @transform_7, window_bounds = array<i64: 6400, 1>}]} {
    %get3A = arith.constant 0 : index
    %get3A_0 = arith.constant 0 : index
    %get3A_1 = vector.load %arg1[%get3A, %get3A_0] : memref<6400x16xf32, #tpu.memory_space<vmem>>, vector<6400x16xf32>
    %get3A_2 = arith.constant 0 : index
    %get3A_3 = arith.constant 0 : index
    %get3A_4 = vector.load %arg2[%get3A_2, %get3A_3] : memref<6400x16xf32, #tpu.memory_space<vmem>>, vector<6400x16xf32>
    %get3A_5 = arith.constant 0 : index
    %get3A_6 = arith.constant 0 : index
    %get3A_7 = vector.load %arg3[%get3A_5, %get3A_6] : memref<6400x1xf32, #tpu.memory_space<vmem>>, vector<6400x1xf32>
    %concatenate3A = tpu.concatenate %get3A_1, %get3A_4, %get3A_7 in 1 : vector<6400x16xf32>, vector<6400x16xf32>, vector<6400x1xf32> -> vector<6400x33xf32>
    %get3A_8 = arith.constant 0 : index
    %get3A_9 = arith.constant 0 : index
    %get3A_10 = vector.load %arg4[%get3A_8, %get3A_9] : memref<33x16xf32, #tpu.memory_space<vmem>>, vector<33x16xf32>
    %dot_general3A = arith.constant dense<0.000000e+00> : vector<6400x16xf32>
    %dot_general3A_11 = tpu.matmul %concatenate3A, %get3A_10, %dot_general3A {dimension_numbers = #tpu.dot_dimension_numbers<[1], [0], [0], [1], [0, 0, 1, 1], [], []>, transpose_lhs_hint = false} : vector<6400x33xf32>, vector<33x16xf32>, vector<6400x16xf32> -> vector<6400x16xf32>
    %get3A_12 = arith.constant 0 : index
    %get3A_13 = arith.constant 0 : index
    %get3A_14 = vector.load %arg5[%get3A_12, %get3A_13] : memref<1x16xf32, #tpu.memory_space<vmem>>, vector<1x16xf32>
    %add3A = vector.broadcast %get3A_14 : vector<1x16xf32> to vector<6400x16xf32>
    %add3A_15 = arith.addf %dot_general3A_11, %add3A : vector<6400x16xf32>
    %max3A = arith.constant 0.000000e+00 : f32
    %max3A_16 = vector.broadcast %max3A : f32 to vector<6400x16xf32>
    %max3A_17 = arith.maximumf %add3A_15, %max3A_16 : vector<6400x16xf32>
    %get3A_18 = arith.constant 0 : index
    %get3A_19 = arith.constant 0 : index
    %get3A_20 = vector.load %arg6[%get3A_18, %get3A_19] : memref<16x1xf32, #tpu.memory_space<vmem>>, vector<16x1xf32>
    %dot_general3A_21 = arith.constant dense<0.000000e+00> : vector<6400x1xf32>
    %dot_general3A_22 = tpu.matmul %max3A_17, %get3A_20, %dot_general3A_21 {dimension_numbers = #tpu.dot_dimension_numbers<[1], [0], [0], [1], [0, 0, 1, 1], [], []>, transpose_lhs_hint = false} : vector<6400x16xf32>, vector<16x1xf32>, vector<6400x1xf32> -> vector<6400x1xf32>
    %get3A_23 = arith.constant 0 : index
    %get3A_24 = arith.constant 0 : index
    %get3A_25 = vector.load %arg7[%get3A_23, %get3A_24] : memref<1x1xf32, #tpu.memory_space<vmem>>, vector<1x1xf32>
    %add3A_26 = vector.broadcast %get3A_25 : vector<1x1xf32> to vector<6400x1xf32>
    %add3A_27 = arith.addf %dot_general3A_22, %add3A_26 : vector<6400x1xf32>
    %max3A_28 = arith.constant 0.000000e+00 : f32
    %max3A_29 = vector.broadcast %max3A_28 : f32 to vector<6400x1xf32>
    %max3A_30 = arith.maximumf %add3A_27, %max3A_29 : vector<6400x1xf32>
    %swap3A = arith.constant 0 : index
    %swap3A_31 = arith.constant 0 : index
    %swap3A_32 = vector.load %arg8[%swap3A, %swap3A_31] : memref<6400x1xf32, #tpu.memory_space<vmem>>, vector<6400x1xf32>
    tpu.vector_store %arg8[%swap3A, %swap3A_31], %max3A_30 {strides = array<i32>} : memref<6400x1xf32, #tpu.memory_space<vmem>>, vector<6400x1xf32>,
    return
  }
  func.func @transform_0(%arg0: i32) -> (i32, i32) {
    %c0_i32 = arith.constant 0 : i32
    %c0_i32_0 = arith.constant 0 : i32
    return %arg0, %c0_i32 : i32, i32
  }
  func.func @transform_1(%arg0: i32) -> (i32, i32) {
    %c0_i32 = arith.constant 0 : i32
    %c0_i32_0 = arith.constant 0 : i32
    return %arg0, %c0_i32 : i32, i32
  }
  func.func @transform_2(%arg0: i32) -> (i32, i32) {
    %c0_i32 = arith.constant 0 : i32
    %c0_i32_0 = arith.constant 0 : i32
    return %arg0, %c0_i32 : i32, i32
  }
  func.func @transform_3(%arg0: i32) -> (i32, i32) {
    %c0_i32 = arith.constant 0 : i32
    %c0_i32_0 = arith.constant 0 : i32
    %c0_i32_1 = arith.constant 0 : i32
    return %c0_i32, %c0_i32_0 : i32, i32
  }
  func.func @transform_4(%arg0: i32) -> (i32, i32) {
    %c0_i32 = arith.constant 0 : i32
    %c0_i32_0 = arith.constant 0 : i32
    %c0_i32_1 = arith.constant 0 : i32
    return %c0_i32, %c0_i32_0 : i32, i32
  }
  func.func @transform_5(%arg0: i32) -> (i32, i32) {
    %c0_i32 = arith.constant 0 : i32
    %c0_i32_0 = arith.constant 0 : i32
    %c0_i32_1 = arith.constant 0 : i32
    return %c0_i32, %c0_i32_0 : i32, i32
  }
  func.func @transform_6(%arg0: i32) -> (i32, i32) {
    %c0_i32 = arith.constant 0 : i32
    %c0_i32_0 = arith.constant 0 : i32
    %c0_i32_1 = arith.constant 0 : i32
    return %c0_i32, %c0_i32_0 : i32, i32
  }
  func.func @transform_7(%arg0: i32) -> (i32, i32) {
    %c0_i32 = arith.constant 0 : i32
    %c0_i32_0 = arith.constant 0 : i32
    return %arg0, %c0_i32 : i32, i32
  }
}

</mosaic_0001>

<sc_bundles>
// kernel: kernel.12.cloned.1.call-start
scs
__scs_entry_jumppad:
0x0: {  	(pc) =	sbr.rel $0x88, $3  }
0x1: {  	(tag) =	ssettag $0x0;
	lr =	simm.s32 $0x1  }
0x2: {  	[smem:$0x3F8E] =	sst lr;
	_ =	strace $0xD0000000  }
0x3: {  	_ = 	snop  }
0x4: {  	_ = 	snop  }
0x5: {  	_ = 	snop  }
0x6: {  	_ = 	snop  }
0x7: {  	_ = 	snop  }
__scs_overlays_trampoline_lowered:
0x8: {  	[smem:$0x3F9D] =	sst s0  }
0x9: {  	[smem:$0x3F9E] =	sst s1  }
0xa: {  	[smem:$0x3F9F] =	sst s2  }
0xb: {  	[smem:$0x3FA0] =	sst s3  }
0xc: {  	[smem:$0x3FA1] =	sst s4  }
0xd: {  	[smem:$0x3FA2] =	sst s5  }
0xe: {  	[smem:$0x3FA3] =	sst s6  }
0xf: {  	[smem:$0x3FA4] =	sst s7  }
0x10: {  	[smem:$0x3FA5] =	sst s8  }
0x11: {  	[smem:$0x3FA6] =	sst s9;
	s0 =	simm.s32 @!p0 $0x0  }
0x12: {  	s1 =	sld [smem:$0x3F8C];
	s0 =	simm.s32 @p0 $0x1  }
0x13: {  	[smem:$0x3FA7] =	sst s0;
	s0 =	simm.s32 @!p1 $0x0  }
0x14: {  	s2 =	sld [smem:$0x3F8B];
	s0 =	simm.s32 @p1 $0x1  }
0x15: {  	[smem:$0x3FA8] =	sst s0;
	s0 =	simm.s32 @!p2 $0x0  }
0x16: {  	s3 =	sld [smem:$0x3FDB];
	s0 =	simm.s32 @p2 $0x1  }
0x17: {  	s4 =	simm.s32 $0x1BF5;
	[smem:$0x3FAA] =	sst s0  }
0x18: {  	s0 =	sld [smem:$0x3F8D];
	_ =	swait.ge [sflag:s4], $0x0  }
0x19: {  	s7 =	sld [smem:$0x3F8E]  }
0x1a: {  	s8 =	sadd.s32 $0xFFFFE003, lr  }
0x1b: {  	s9 =	sadd.s32 $0xFFFFFEF7, lr;
	s5 =	simm.s32 $0xFFFFFFFF;
	p2 =	slt.u32 s8, $0xFFFFF086  }
0x1c: {  	p1 =	slt.u32 s9, $0xF7A;
	s5 =	simm.s32 @!p2 $0x0  }
0x1d: {  	s5 =	simm.s32 @p1 $0x1;
	p0 =	seq.s32 s7, s2  }
0x1e: {  	s7 =	smul.u32 @!p0 $0xF7A, s2;
	p2 =	seq.s32 @!p0 s5, $0x0  }
0x1f: {  	s9 =	smul.u32 $0xF7A, s1;
	s8 =	simm.s32 @!p0 $0x1BF5;
	p2 =	por !p2, p0  }
0x20: {  	[sflag:s8] =	ssyncset.s32 @!p0 $0xFFFFF086;
	s6 =	sadd.s32 @!p0 s3, s7;
	s7 =	simm.s32 @!p0 $0x108  }
0x21: {  	s3 =	sadd.s32 s3, s9;
	s6 =	sadd.s32 @!p0 $0x88, s6;
	s7 =	simm.s32 @p2 $0x1082  }
0x22: {  	[simem:s7], [sflag:s8] =	dma.local @!p0 [hbm:s6], $0xF7A  }
0x23: {  	s9 =	sor.u32 $0xD0000000, s2;
	s6 =	simm.s32 $0x108;
	_ =	swait.ge @!p0 [sflag:s8], $0x0  }
0x24: {  	s3 =	sadd.s32 $0x88, s3;
	s6 =	simm.s32 @!p1 $0x1082;
	[sflag:s4] =	ssyncset.s32 $0xFFFFF086  }
0x25: {  	[simem:s6], [sflag:s4] =	dma.local [hbm:s3], $0xF7A  }
0x26: {  	[smem:$0x3F8E] =	sst s1;
	(tag) =	ssettag s2;
	_ =	strace s9  }
0x27: {  	s1 =	sld [smem:$0x3F9E]  }
0x28: {  	s2 =	sld [smem:$0x3F9F]  }
0x29: {  	s4 =	sld [smem:$0x3FA1]  }
0x2a: {  	p0 =	seq.s32 s5, $0x0;
	s5 =	sld [smem:$0x3FA2]  }
0x2b: {  	s6 =	sld [smem:$0x3FA3]  }
0x2c: {  	s7 =	sld [smem:$0x3FA4]  }
0x2d: {  	s3 =	simm.s32 $0x108;
	s8 =	sld [smem:$0x3FA5]  }
0x2e: {  	s3 =	simm.s32 @!p0 $0x1082;
	s9 =	sld [smem:$0x3FA6]  }
0x2f: {  	lr =	sadd.s32 s0, s3;
	s0 =	sld [smem:$0x3F9D]  }
0x30: {  	s3 =	sld [smem:$0x3FA0]  }
0x31: {  	[smem:$0x3FA9] =	sst s10  }
0x32: {  	s10 =	sld [smem:$0x3FA7];
	_ =	sdelay $0x3  }
0x33: {  	p0 =	seq.s32 s10, $0x1;
	s10 =	sld [smem:$0x3FA9];
	_ =	sdelay $0x3  }
0x34: {  	[smem:$0x3FA9] =	sst s10  }
0x35: {  	s10 =	sld [smem:$0x3FA8];
	_ =	sdelay $0x3  }
0x36: {  	p1 =	seq.s32 s10, $0x1;
	s10 =	sld [smem:$0x3FA9];
	_ =	sdelay $0x3  }
0x37: {  	[smem:$0x3FA9] =	sst s10  }
0x38: {  	s10 =	sld [smem:$0x3FAA]  }
0x39: {  	_ = 	snop;
	(pc) =	sbr.ind lr, $3  }
0x3a: {  	_ = 	snop  }
0x3b: {  	_ = 	snop  }
0x3c: {  	p2 =	seq.s32 s10, $0x1;
	s10 =	sld [smem:$0x3FA9]  }
0x3d: {  	_ =	shalt  }
0x3e: {  	_ =	shalt  }
0x3f: {  	_ =	shalt  }
0x40: {  	_ =	shalt  }
0x41: {  	_ =	shalt  }
0x42: {  	_ =	shalt  }
0x43: {  	_ =	shalt  }
0x44: {  	_ =	shalt  }
0x45: {  	_ =	shalt  }
0x46: {  	_ =	shalt  }
0x47: {  	_ =	shalt  }
0x48: {  	_ =	shalt  }
0x49: {  	_ =	shalt  }
0x4a: {  	_ =	shalt  }
0x4b: {  	_ =	shalt  }
0x4c: {  	_ =	shalt  }
0x4d: {  	_ =	shalt  }
0x4e: {  	_ =	shalt  }
0x4f: {  	_ =	shalt  }
0x50: {  	_ =	shalt  }
0x51: {  	_ =	shalt  }
0x52: {  	_ =	shalt  }
0x53: {  	_ =	shalt  }
0x54: {  	_ =	shalt  }
0x55: {  	_ =	shalt  }
0x56: {  	_ =	shalt  }
0x57: {  	_ =	shalt  }
0x58: {  	_ =	shalt  }
0x59: {  	_ =	shalt  }
0x5a: {  	_ =	shalt  }
0x5b: {  	_ =	shalt  }
0x5c: {  	_ =	shalt  }
0x5d: {  	_ =	shalt  }
0x5e: {  	_ =	shalt  }
0x5f: {  	_ =	shalt  }
0x60: {  	_ =	shalt  }
0x61: {  	_ =	shalt  }
0x62: {  	_ =	shalt  }
0x63: {  	_ =	shalt  }
0x64: {  	_ =	shalt  }
0x65: {  	_ =	shalt  }
0x66: {  	_ =	shalt  }
0x67: {  	_ =	shalt  }
0x68: {  	_ =	shalt  }
0x69: {  	_ =	shalt  }
0x6a: {  	_ =	shalt  }
0x6b: {  	_ =	shalt  }
0x6c: {  	_ =	shalt  }
0x6d: {  	_ =	shalt  }
0x6e: {  	_ =	shalt  }
0x6f: {  	_ =	shalt  }
0x70: {  	_ =	shalt  }
0x71: {  	_ =	shalt  }
0x72: {  	_ =	shalt  }
0x73: {  	_ =	shalt  }
0x74: {  	_ =	shalt  }
0x75: {  	_ =	shalt  }
0x76: {  	_ =	shalt  }
0x77: {  	_ =	shalt  }
0x78: {  	_ =	shalt  }
0x79: {  	_ =	shalt  }
0x7a: {  	_ =	shalt  }
0x7b: {  	_ =	shalt  }
0x7c: {  	_ =	shalt  }
0x7d: {  	_ =	shalt  }
0x7e: {  	_ =	shalt  }
0x7f: {  	_ =	shalt  }
0x80: {  	_ =	shalt  }
0x81: {  	_ =	shalt  }
0x82: {  	_ =	shalt  }
0x83: {  	_ =	shalt  }
0x84: {  	_ =	shalt  }
0x85: {  	_ =	shalt  }
0x86: {  	_ =	shalt  }
0x87: {  	_ =	shalt  }
.Lfunc_end0:
.L_simem_size_0:
called_computation.2_lowered:
.L_overlay_start_0:
0x88: {  	s2 =	sld [smem:$0x3FD9]  }
0x89: {  	s3 =	sld [smem:$0x3FFE];
	_ =	sdelay $0x1  }
0x8a: {  	s1 =	srdreg.scid  }
0x8b: {  	s0 =	sand.u32 $0x1, s1  }
0x8c: {  	s17 =	sshll.u32 s0, $0xA;
	s2 =	sadd.s32 s3, s2  }
0x8d: {  	s2 =	sadd.s32 s2, s17  }
0x8e: {  	[smem:$0x3FB5] =	sst s2  }
0x8f: {  	_ = 	snop  }
0x90: {  	s2 =	sld [smem:$0x3FD0];
	(tm) =	ssettm $0x1  }
0x91: {  	s18 =	sld [smem:$0x3FFB];
	_ =	sdelay $0x3  }
0x92: {  	_ =	strace s18  }
0x93: {  	s3 =	sld [smem:$0x3FFC];
	_ =	sdelay $0x3  }
0x94: {  	_ =	strace s3  }
0x95: {  	s3 =	sld [smem:$0x3FFD];
	_ =	sdelay $0x3  }
0x96: {  	_ =	strace s3  }
0x97: {  	_ =	strace $0x8FFFFFFF  }
0x98: {  	s19 =	sld [smem:$0x3FDB];
	_ =	sdelay $0x1  }
0x99: {  	s4 =	simm.s32 $_scs_section_size  }
0x9a: {  	s5 =	simm.s32 $_size__tile_overlayer_lowered;
	s6 =	simm.s32 $_tile_overlayer_lowered  }
0x9b: {  	s22 =	simm.s32 $0x1BFF;
	s21 =	sshll.u32 s6, $0x1;
	s3 =	sadd.s32 s4, s19  }
0x9c: {  	s7 =	simm.s32 $0x0;
	s20 =	sshll.u32 s5, $0x1;
	s5 =	sadd.s32 s21, s3  }
0x9d: {  	[timem:s7], [sflag:s22] =	dma.local [hbm:s5], s20  }
0x9e: {  	_ =	swait.ge [sflag:s22], s20  }
0x9f: {  	s4 =	ssub.s32 $0x0, s20;
	[sflag:s22] =	ssyncset.done $0x0  }
0xa0: {  	[sflag:s22] =	ssyncadd.s32 s4;
	_ =	sdelay $0x1  }
0xa1: {  	s23 =	simm.s32 $0x1B8B  }
0xa2: {  	_ =	swait.ge [sflag:s23], $0x1  }
0xa3: {  	[sflag:s23] =	ssyncset.done $0x0  }
0xa4: {  	s25 =	simm.s32 $0x1B8E;
	s24 =	sld [smem:$0x3FFE];
	[sflag:s23] =	ssyncadd.s32 $0xFFFFFFFF  }
0xa5: {  	s26 =	simm.s32 $execute0_lowered;
	[smem:$0x3FD2] =	sst s25  }
0xa6: {  	s5 =	sshll.u32 s26, $0x1;
	_ =	strace $0x8000004C;
	[dreg:$0x1] =	wrdreg $0xFFFFFFFF  }
0xa7: {  	s28 =	simm.s32 $_size_execute0_lowered;
	s3 =	sadd.s32 s3, s5;
	[dreg:$0x0] =	wrdreg $0x0  }
0xa8: {  	s5 =	sshll.u32 s28, $0x1;
	[dreg:$0x2] =	wrdreg s3  }
0xa9: {  	[dreg:$0x3] =	wrdreg s5  }
0xaa: {  	[dreg:$0x4] =	wrdreg $0xC0  }
0xab: {  	_ =	task [dreg:s7], $0x5FFFF  }
0xac: {  	[dreg:$0x1] =	wrdreg $0xFFFFFFFF  }
0xad: {  	[dreg:$0x0] =	wrdreg $0x60  }
0xae: {  	[dreg:$0x2] =	wrdreg s24  }
0xaf: {  	[dreg:$0x3] =	wrdreg s2  }
0xb0: {  	[dreg:$0x4] =	wrdreg $0x9  }
0xb1: {  	_ =	task.clear_ibuf [dreg:s7], $0x5FFFF;
	_ =	strace $0x9000004C  }
0xb2: {  	s29 =	simm.s32 $0x9;
	_ =	strace $0x8000004E  }
0xb3: {  	_ =	swait.ge [sflag:s29], $0x1  }
0xb4: {  	[sflag:s29] =	ssyncadd.s32 $0xFFFFFFFF  }
0xb5: {  	_ =	strace $0x9000004E  }
0xb6: {  	_ =	sfence  }
0xb7: {  	s30 =	sld [smem:$0x0];
	_ =	sdelay $0x2  }
0xb8: {  	s31 =	sshll.u32 s1, $0xD;
	s1 =	sshrl.u32 s1, $0x2  }
0xb9: {  	s3 =	sand.u32 $0x4000, s31;
	s1 =	sadd.s32 s1, s30  }
0xba: {  	s0 =	sor.u32 s3, s0;
	s1 =	sshll.u32 s1, $0x11  }
0xbb: {  	s0 =	sor.u32 s1, s0  }
0xbc: {  	s0 =	sadd.s32 $0x8F2B, s0  }
0xbd: {  	[sflag:s0] =	ssyncadd.remote.s32 $0x1  }
0xbe: {  	_ =	sfence.sel $0xFFFF  }
0xbf: {  	[dreg:$0x0] =	wrdreg $0xFFFFFFFF;
	(pc) =	sbr.abs _section_cstart, $3  }
0xc0: {  	[dreg:$0x1] =	wrdreg $0xFFFFFFFF  }
0xc1: {  	_ =	task.clear_ibuf [dreg:s7], $0x2FFFF;
	_ =	strace $0x9FFFFFFF  }
0xc2: {  	(tm) =	ssettm $0x7FFFFFFF  }
0xc3: {  	_ =	shalt  }
tec
execute0_lowered:
.L_overlay_start_1:
0x0: {  	(tag) =	ssettag $0x1  }
0x1: {  	s3 =	rddreg [dreg:$0x0]  }
0x2: {  	s7 =	rddreg [dreg:$0x1]  }
0x3: {  	s1 =	srdreg.scid;
	s0 =	rddreg [dreg:$0x2];
	s2 =	simm.s32 $0x0  }
0x4: {  	s11 =	simm.s32 $0xFA0;
	s12 =	simm.s32 $0x2;
	s4 =	sand.u32 $0x1, s1  }
0x5: {  	s13 =	simm.s32 $0x8CA0;
	s1 =	stileid.u32;
	s5 =	smul.u32 $0x186A00, s4  }
0x6: {  	s14 =	simm.s32 $0x3;
	s15 =	simm.s32 $0x4;
	s6 =	smul.u32 $0x186A0, s1  }
0x7: {  	[smem:$0x7FF] =	sst s2;
	s30 =	smul.u32 $0x30D400, s4;
	s4 =	ssub.s32 $0x2, s4  }
0x8: {  	s16 =	simm.s32 $0x0;
	_ =	strace $0x8000004D;
	s31 =	sshrl.u32 s4, $0x1  }
0x9: {  	s9 =	smul.u32 $0x30D40, s1;
	s5 =	sadd.s32 s6, s5;
	s4 =	ssub.s32 s4, s31  }
0xa: {  	s6 =	sadd.s32 s30, s3;
	s8 =	sshrl.u32 s5, $0x3;
	s4 =	smax.u32 s4, $0x1  }
0xb: {  	s6 =	sadd.s32 s9, s6;
	s9 =	simm.s32 $0x7D0;
	s10 =	sadd.s32 s8, s3  }
0xc: {  	s3 =	sadd.s32 $0x64200, s3;
	s5 =	sadd.s32 $0x95000, s6;
	s6 =	sadd.s32 $0x6AF800, s6  }
0xd: {  	s7 =	sadd.s32 s8, s7;
	s8 =	sadd.s32 $0x2600, s10;
	s10 =	simm.s32 $0x1  }
.LBB2_1:
0xe: {  	s17 =	sadd.s32 $0x0, s8  }
0xf: {  	[tilespmem:s2], [sflag:$0x1] =	stream.linear.gather [hbm4b:s17+s2], $0x7D0, $0x38;
	[tilespmem:$0x109A0] =	vst v63  }
0x10: {  	s31 =	sadd.s32 $0x0, s7  }
0x11: {  	[tilespmem:s9], [sflag:$0x2] =	stream.linear.gather [hbm4b:s31+s2], $0x7D0, $0x38;
	[tilespmem:$0x109A0] =	vst v63  }
0x12: {  	_ =	swait.ge [sflag:s10], $0x7D0  }
0x13: {  	[sflag:s10] =	ssyncset.done $0x0  }
0x14: {  	[sflag:s10] =	ssyncadd.s32 $0xFFFFF830  }
0x15: {  	[tilespmem:s11], [sflag:$0x3] =	stream.indirect.gather [hbm4b:s3+s9], $0x10, s2, s9, $0xb8;
	[tilespmem:$0x109A0] =	vst v63  }
0x16: {  	_ =	swait.ge [sflag:s12], $0x7D0  }
0x17: {  	[sflag:s12] =	ssyncset.done $0x0  }
0x18: {  	[sflag:s12] =	ssyncadd.s32 $0xFFFFF830  }
0x19: {  	[tilespmem:s13], [sflag:$0x4] =	stream.indirect.gather [hbm4b:s3+s9], $0x10, s9, s9, $0xb8;
	[tilespmem:$0x109A0] =	vst v63  }
0x1a: {  	_ =	swait.ge [sflag:s14], $0x7D00  }
0x1b: {  	[sflag:s14] =	ssyncset.done $0x0  }
0x1c: {  	[sflag:s14] =	ssyncadd.s32 $0xFFFF8300  }
0x1d: {  	[hbm4b:s6+s2] =	stream.linear.scatter [tilespmem:s11], [sflag:$0x1], $0x7D00, $0x38;
	[tilespmem:$0x109A0] =	vst v63  }
0x1e: {  	_ =	swait.ge [sflag:s15], $0x7D00  }
0x1f: {  	[sflag:s15] =	ssyncset.done $0x0  }
0x20: {  	[sflag:s15] =	ssyncadd.s32 $0xFFFF8300  }
0x21: {  	[hbm4b:s5+s2] =	stream.linear.scatter [tilespmem:s13], [sflag:$0x2], $0x7D00, $0x38;
	[tilespmem:$0x109A0] =	vst v63  }
0x22: {  	_ =	swait.ge [sflag:s10], $0x7D00  }
0x23: {  	[sflag:s10] =	ssyncset.done $0x0  }
0x24: {  	[sflag:s10] =	ssyncadd.s32 $0xFFFF8300  }
0x25: {  	s19 =	simm.s32 $0xFA;
	s20 =	simm.s32 $0x1F4;
	_ =	swait.ge [sflag:s12], $0x7D00  }
0x26: {  	s18 =	sadd.s32 $0xFA0, s6;
	s17 =	sadd.s32 $0xFA0, s5;
	[sflag:s12] =	ssyncset.done $0x0  }
.LBB2_2:
0x27: {  	s21 =	sadd.s32 s19, s8  }
0x28: {  	[sflag:s12] =	ssyncadd.s32 $0xFFFF8300;
	s22 =	smov.u32 s20;
	s23 =	sadd.s32 $0xFA, s20  }
0x29: {  	[tilespmem:s2], [sflag:$0x1] =	stream.linear.gather [hbm4b:s21+s2], $0x7D0, $0x38;
	[tilespmem:$0x109A0] =	vst v63  }
0x2a: {  	p0 =	sne.s32 s20, $0x2FDA;
	s20 =	sadd.s32 s19, s7;
	s19 =	smov.u32 s22  }
0x2b: {  	[tilespmem:s9], [sflag:$0x2] =	stream.linear.gather [hbm4b:s20+s2], $0x7D0, $0x38;
	[tilespmem:$0x109A0] =	vst v63  }
0x2c: {  	_ =	swait.ge [sflag:s10], $0x7D0  }
0x2d: {  	[sflag:s10] =	ssyncset.done $0x0  }
0x2e: {  	[sflag:s10] =	ssyncadd.s32 $0xFFFFF830  }
0x2f: {  	[tilespmem:s11], [sflag:$0x3] =	stream.indirect.gather [hbm4b:s3+s9], $0x10, s2, s9, $0xb8;
	[tilespmem:$0x109A0] =	vst v63  }
0x30: {  	_ =	swait.ge [sflag:s12], $0x7D0  }
0x31: {  	[sflag:s12] =	ssyncset.done $0x0  }
0x32: {  	[sflag:s12] =	ssyncadd.s32 $0xFFFFF830  }
0x33: {  	[tilespmem:s13], [sflag:$0x4] =	stream.indirect.gather [hbm4b:s3+s9], $0x10, s9, s9, $0xb8;
	[tilespmem:$0x109A0] =	vst v63  }
0x34: {  	_ =	swait.ge [sflag:s14], $0x7D00  }
0x35: {  	[sflag:s14] =	ssyncset.done $0x0  }
0x36: {  	[sflag:s14] =	ssyncadd.s32 $0xFFFF8300  }
0x37: {  	[hbm4b:s18+s2] =	stream.linear.scatter [tilespmem:s11], [sflag:$0x1], $0x7D00, $0x38;
	[tilespmem:$0x109A0] =	vst v63  }
0x38: {  	_ =	swait.ge [sflag:s15], $0x7D00  }
0x39: {  	[sflag:s15] =	ssyncset.done $0x0  }
0x3a: {  	[sflag:s15] =	ssyncadd.s32 $0xFFFF8300  }
0x3b: {  	[hbm4b:s17+s2] =	stream.linear.scatter [tilespmem:s13], [sflag:$0x2], $0x7D00, $0x38;
	[tilespmem:$0x109A0] =	vst v63  }
.Ltmp0:
0x3c: {  	_ =	swait.ge [sflag:s10], $0x7D00;
	(pc) =	sbr.rel @p0 .LBB2_2-.Ltmp0, $4  }
0x3d: {  	[sflag:s10] =	ssyncset.done $0x0  }
0x3e: {  	[sflag:s10] =	ssyncadd.s32 $0xFFFF8300  }
0x3f: {  	s20 =	smov.u32 s23;
	_ =	swait.ge [sflag:s12], $0x7D00  }
0x40: {  	s18 =	sadd.s32 $0xFA0, s18;
	s17 =	sadd.s32 $0xFA0, s17;
	[sflag:s12] =	ssyncset.done $0x0  }
0x41: {  	s20 =	sadd.s32 s19, s8;
	[sflag:s12] =	ssyncadd.s32 $0xFFFF8300  }
0x42: {  	[tilespmem:s2], [sflag:$0x1] =	stream.linear.gather [hbm4b:s20+s2], $0x7D0, $0x38;
	[tilespmem:$0x109A0] =	vst v63  }
0x43: {  	s31 =	sadd.s32 s19, s7  }
0x44: {  	[tilespmem:s9], [sflag:$0x2] =	stream.linear.gather [hbm4b:s31+s2], $0x7D0, $0x38;
	[tilespmem:$0x109A0] =	vst v63  }
0x45: {  	_ =	swait.ge [sflag:s10], $0x7D0  }
0x46: {  	[sflag:s10] =	ssyncset.done $0x0  }
0x47: {  	[sflag:s10] =	ssyncadd.s32 $0xFFFFF830  }
0x48: {  	[tilespmem:s11], [sflag:$0x3] =	stream.indirect.gather [hbm4b:s3+s9], $0x10, s2, s9, $0xb8;
	[tilespmem:$0x109A0] =	vst v63  }
0x49: {  	_ =	swait.ge [sflag:s12], $0x7D0  }
0x4a: {  	[sflag:s12] =	ssyncset.done $0x0  }
0x4b: {  	[sflag:s12] =	ssyncadd.s32 $0xFFFFF830  }
0x4c: {  	[tilespmem:s13], [sflag:$0x4] =	stream.indirect.gather [hbm4b:s3+s9], $0x10, s9, s9, $0xb8;
	[tilespmem:$0x109A0] =	vst v63  }
0x4d: {  	_ =	swait.ge [sflag:s14], $0x7D00  }
0x4e: {  	[sflag:s14] =	ssyncset.done $0x0  }
0x4f: {  	[sflag:s14] =	ssyncadd.s32 $0xFFFF8300  }
0x50: {  	[hbm4b:s18+s2] =	stream.linear.scatter [tilespmem:s11], [sflag:$0x1], $0x7D00, $0x38;
	[tilespmem:$0x109A0] =	vst v63  }
0x51: {  	_ =	swait.ge [sflag:s15], $0x7D00  }
0x52: {  	[sflag:s15] =	ssyncset.done $0x0  }
0x53: {  	s16 =	sadd.s32 $0x1, s16;
	[sflag:s15] =	ssyncadd.s32 $0xFFFF8300  }
0x54: {  	[hbm4b:s17+s2] =	stream.linear.scatter [tilespmem:s13], [sflag:$0x2], $0x7D00, $0x38;
	[tilespmem:$0x109A0] =	vst v63  }
0x55: {  	p0 =	sne.s32 s16, s4;
	_ =	swait.ge [sflag:s10], $0x7D00  }
.Ltmp1:
0x56: {  	[sflag:s10] =	ssyncset.done $0x0;
	(pc) =	sbr.rel @p0 .LBB2_1-.Ltmp1, $4  }
0x57: {  	[sflag:s10] =	ssyncadd.s32 $0xFFFF8300  }
0x58: {  	_ =	swait.ge [sflag:s12], $0x7D00  }
0x59: {  	[sflag:s12] =	ssyncset.done $0x0  }
0x5a: {  	[sflag:s12] =	ssyncadd.s32 $0xFFFF8300  }
0x5b: {  	_ =	sfence.sel $0x180000  }
0x5c: {  	[bflag:$0x0] =	sbarrier.arrive $0xFFFF  }
0x5d: {  	p0 =	sne.s32 s1, $0x0;
	_ =	strace $0x9000004D  }
0x5e: {  	s0 =	sadd.s32 @!p0 $0x100000, s0;
	[bflag:$0x2] =	sbarrier.arrive $0xFFFF  }
0x5f: {  	[sflag:s0] =	ssyncadd.tile.s32 @!p0 $0x1;
	_ =	shalt  }
.Lfunc_end2:
_tile_overlayer_lowered:
.L_overlay_start_2:
0x60: {  	(tag) =	ssettag $0x2  }
0x61: {  	s0 =	rddreg [dreg:$0x0];
	s2 =	stileid.u32  }
0x62: {  	s1 =	rddreg [dreg:$0x1];
	p0 =	sne.s32 s2, $0x0  }
0x63: {  	s3 =	rddreg [dreg:$0x2];
	[bflag:$0x3] =	sbarrier.arrive $0xFFFF;
	s2 =	simm.s32 @!p0 $0x1C05  }
0x64: {  	[timem:s3], [sflag:s2] =	dma.local @!p0 [hbm:s0], s1  }
0x65: {  	s0 =	simm.s32 @!p0 $0x5  }
0x66: {  	_ =	swait.ge @!p0 [sflag:s0], s1  }
0x67: {  	s1 =	ssub.s32 @!p0 $0x0, s1;
	[sflag:s0] =	ssyncset.done @!p0 $0x0  }
0x68: {  	[sflag:s0] =	ssyncadd.s32 @!p0 s1  }
0x69: {  	[bflag:$0x3] =	sbarrier.arrive $0xFFFF  }
0x6a: {  	_ =	shalt  }

// kernel: kernel.6.cloned.1.call-start
scs
__scs_entry_jumppad:
0x0: {  	(pc) =	sbr.rel $0x88, $3  }
0x1: {  	(tag) =	ssettag $0x0;
	lr =	simm.s32 $0x1  }
0x2: {  	[smem:$0x3F8E] =	sst lr;
	_ =	strace $0xD0000000  }
0x3: {  	_ = 	snop  }
0x4: {  	_ = 	snop  }
0x5: {  	_ = 	snop  }
0x6: {  	_ = 	snop  }
0x7: {  	_ = 	snop  }
__scs_overlays_trampoline_lowered:
0x8: {  	[smem:$0x3F9D] =	sst s0  }
0x9: {  	[smem:$0x3F9E] =	sst s1  }
0xa: {  	[smem:$0x3F9F] =	sst s2  }
0xb: {  	[smem:$0x3FA0] =	sst s3  }
0xc: {  	[smem:$0x3FA1] =	sst s4  }
0xd: {  	[smem:$0x3FA2] =	sst s5  }
0xe: {  	[smem:$0x3FA3] =	sst s6  }
0xf: {  	[smem:$0x3FA4] =	sst s7  }
0x10: {  	[smem:$0x3FA5] =	sst s8  }
0x11: {  	[smem:$0x3FA6] =	sst s9;
	s0 =	simm.s32 @!p0 $0x0  }
0x12: {  	s1 =	sld [smem:$0x3F8C];
	s0 =	simm.s32 @p0 $0x1  }
0x13: {  	[smem:$0x3FA7] =	sst s0;
	s0 =	simm.s32 @!p1 $0x0  }
0x14: {  	s2 =	sld [smem:$0x3F8B];
	s0 =	simm.s32 @p1 $0x1  }
0x15: {  	[smem:$0x3FA8] =	sst s0;
	s0 =	simm.s32 @!p2 $0x0  }
0x16: {  	s3 =	sld [smem:$0x3FDB];
	s0 =	simm.s32 @p2 $0x1  }
0x17: {  	s4 =	simm.s32 $0x1BF5;
	[smem:$0x3FAA] =	sst s0  }
0x18: {  	s0 =	sld [smem:$0x3F8D];
	_ =	swait.ge [sflag:s4], $0x0  }
0x19: {  	s7 =	sld [smem:$0x3F8E]  }
0x1a: {  	s8 =	sadd.s32 $0xFFFFE003, lr  }
0x1b: {  	s9 =	sadd.s32 $0xFFFFFEF7, lr;
	s5 =	simm.s32 $0xFFFFFFFF;
	p2 =	slt.u32 s8, $0xFFFFF086  }
0x1c: {  	p1 =	slt.u32 s9, $0xF7A;
	s5 =	simm.s32 @!p2 $0x0  }
0x1d: {  	s5 =	simm.s32 @p1 $0x1;
	p0 =	seq.s32 s7, s2  }
0x1e: {  	s7 =	smul.u32 @!p0 $0xF7A, s2;
	p2 =	seq.s32 @!p0 s5, $0x0  }
0x1f: {  	s9 =	smul.u32 $0xF7A, s1;
	s8 =	simm.s32 @!p0 $0x1BF5;
	p2 =	por !p2, p0  }
0x20: {  	[sflag:s8] =	ssyncset.s32 @!p0 $0xFFFFF086;
	s6 =	sadd.s32 @!p0 s3, s7;
	s7 =	simm.s32 @!p0 $0x108  }
0x21: {  	s3 =	sadd.s32 s3, s9;
	s6 =	sadd.s32 @!p0 $0x88, s6;
	s7 =	simm.s32 @p2 $0x1082  }
0x22: {  	[simem:s7], [sflag:s8] =	dma.local @!p0 [hbm:s6], $0xF7A  }
0x23: {  	s9 =	sor.u32 $0xD0000000, s2;
	s6 =	simm.s32 $0x108;
	_ =	swait.ge @!p0 [sflag:s8], $0x0  }
0x24: {  	s3 =	sadd.s32 $0x88, s3;
	s6 =	simm.s32 @!p1 $0x1082;
	[sflag:s4] =	ssyncset.s32 $0xFFFFF086  }
0x25: {  	[simem:s6], [sflag:s4] =	dma.local [hbm:s3], $0xF7A  }
0x26: {  	[smem:$0x3F8E] =	sst s1;
	(tag) =	ssettag s2;
	_ =	strace s9  }
0x27: {  	s1 =	sld [smem:$0x3F9E]  }
0x28: {  	s2 =	sld [smem:$0x3F9F]  }
0x29: {  	s4 =	sld [smem:$0x3FA1]  }
0x2a: {  	p0 =	seq.s32 s5, $0x0;
	s5 =	sld [smem:$0x3FA2]  }
0x2b: {  	s6 =	sld [smem:$0x3FA3]  }
0x2c: {  	s7 =	sld [smem:$0x3FA4]  }
0x2d: {  	s3 =	simm.s32 $0x108;
	s8 =	sld [smem:$0x3FA5]  }
0x2e: {  	s3 =	simm.s32 @!p0 $0x1082;
	s9 =	sld [smem:$0x3FA6]  }
0x2f: {  	lr =	sadd.s32 s0, s3;
	s0 =	sld [smem:$0x3F9D]  }
0x30: {  	s3 =	sld [smem:$0x3FA0]  }
0x31: {  	[smem:$0x3FA9] =	sst s10  }
0x32: {  	s10 =	sld [smem:$0x3FA7];
	_ =	sdelay $0x3  }
0x33: {  	p0 =	seq.s32 s10, $0x1;
	s10 =	sld [smem:$0x3FA9];
	_ =	sdelay $0x3  }
0x34: {  	[smem:$0x3FA9] =	sst s10  }
0x35: {  	s10 =	sld [smem:$0x3FA8];
	_ =	sdelay $0x3  }
0x36: {  	p1 =	seq.s32 s10, $0x1;
	s10 =	sld [smem:$0x3FA9];
	_ =	sdelay $0x3  }
0x37: {  	[smem:$0x3FA9] =	sst s10  }
0x38: {  	s10 =	sld [smem:$0x3FAA]  }
0x39: {  	_ = 	snop;
	(pc) =	sbr.ind lr, $3  }
0x3a: {  	_ = 	snop  }
0x3b: {  	_ = 	snop  }
0x3c: {  	p2 =	seq.s32 s10, $0x1;
	s10 =	sld [smem:$0x3FA9]  }
0x3d: {  	_ =	shalt  }
0x3e: {  	_ =	shalt  }
0x3f: {  	_ =	shalt  }
0x40: {  	_ =	shalt  }
0x41: {  	_ =	shalt  }
0x42: {  	_ =	shalt  }
0x43: {  	_ =	shalt  }
0x44: {  	_ =	shalt  }
0x45: {  	_ =	shalt  }
0x46: {  	_ =	shalt  }
0x47: {  	_ =	shalt  }
0x48: {  	_ =	shalt  }
0x49: {  	_ =	shalt  }
0x4a: {  	_ =	shalt  }
0x4b: {  	_ =	shalt  }
0x4c: {  	_ =	shalt  }
0x4d: {  	_ =	shalt  }
0x4e: {  	_ =	shalt  }
0x4f: {  	_ =	shalt  }
0x50: {  	_ =	shalt  }
0x51: {  	_ =	shalt  }
0x52: {  	_ =	shalt  }
0x53: {  	_ =	shalt  }
0x54: {  	_ =	shalt  }
0x55: {  	_ =	shalt  }
0x56: {  	_ =	shalt  }
0x57: {  	_ =	shalt  }
0x58: {  	_ =	shalt  }
0x59: {  	_ =	shalt  }
0x5a: {  	_ =	shalt  }
0x5b: {  	_ =	shalt  }
0x5c: {  	_ =	shalt  }
0x5d: {  	_ =	shalt  }
0x5e: {  	_ =	shalt  }
0x5f: {  	_ =	shalt  }
0x60: {  	_ =	shalt  }
0x61: {  	_ =	shalt  }
0x62: {  	_ =	shalt  }
0x63: {  	_ =	shalt  }
0x64: {  	_ =	shalt  }
0x65: {  	_ =	shalt  }
0x66: {  	_ =	shalt  }
0x67: {  	_ =	shalt  }
0x68: {  	_ =	shalt  }
0x69: {  	_ =	shalt  }
0x6a: {  	_ =	shalt  }
0x6b: {  	_ =	shalt  }
0x6c: {  	_ =	shalt  }
0x6d: {  	_ =	shalt  }
0x6e: {  	_ =	shalt  }
0x6f: {  	_ =	shalt  }
0x70: {  	_ =	shalt  }
0x71: {  	_ =	shalt  }
0x72: {  	_ =	shalt  }
0x73: {  	_ =	shalt  }
0x74: {  	_ =	shalt  }
0x75: {  	_ =	shalt  }
0x76: {  	_ =	shalt  }
0x77: {  	_ =	shalt  }
0x78: {  	_ =	shalt  }
0x79: {  	_ =	shalt  }
0x7a: {  	_ =	shalt  }
0x7b: {  	_ =	shalt  }
0x7c: {  	_ =	shalt  }
0x7d: {  	_ =	shalt  }
0x7e: {  	_ =	shalt  }
0x7f: {  	_ =	shalt  }
0x80: {  	_ =	shalt  }
0x81: {  	_ =	shalt  }
0x82: {  	_ =	shalt  }
0x83: {  	_ =	shalt  }
0x84: {  	_ =	shalt  }
0x85: {  	_ =	shalt  }
0x86: {  	_ =	shalt  }
0x87: {  	_ =	shalt  }
.Lfunc_end0:
.L_simem_size_0:
called_computation_lowered:
.L_overlay_start_0:
0x88: {  	s2 =	sld [smem:$0x3FD9]  }
0x89: {  	s3 =	sld [smem:$0x3FFE];
	_ =	sdelay $0x1  }
0x8a: {  	s1 =	srdreg.scid  }
0x8b: {  	s0 =	sand.u32 $0x1, s1  }
0x8c: {  	s17 =	sshll.u32 s0, $0xA;
	s2 =	sadd.s32 s3, s2  }
0x8d: {  	s2 =	sadd.s32 s2, s17  }
0x8e: {  	[smem:$0x3FB5] =	sst s2  }
0x8f: {  	_ = 	snop  }
0x90: {  	s2 =	sld [smem:$0x3FC7]  }
0x91: {  	s18 =	sld [smem:$0x3FD0];
	(tm) =	ssettm $0x1  }
0x92: {  	s4 =	sld [smem:$0x3FFB];
	_ =	sdelay $0x3  }
0x93: {  	_ =	strace s4  }
0x94: {  	s4 =	sld [smem:$0x3FFC];
	_ =	sdelay $0x3  }
0x95: {  	_ =	strace s4  }
0x96: {  	s4 =	sld [smem:$0x3FFD];
	_ =	sdelay $0x3  }
0x97: {  	_ =	strace s4  }
0x98: {  	_ =	strace $0x8FFFFFFF  }
0x99: {  	s19 =	sld [smem:$0x3FDB];
	_ =	sdelay $0x1  }
0x9a: {  	s5 =	simm.s32 $_scs_section_size  }
0x9b: {  	s6 =	simm.s32 $_size__tile_overlayer_lowered;
	s7 =	simm.s32 $_tile_overlayer_lowered  }
0x9c: {  	s22 =	simm.s32 $0x1BFF;
	s21 =	sshll.u32 s7, $0x1;
	s4 =	sadd.s32 s5, s19  }
0x9d: {  	s8 =	simm.s32 $0x0;
	s20 =	sshll.u32 s6, $0x1;
	s6 =	sadd.s32 s21, s4  }
0x9e: {  	[timem:s8], [sflag:s22] =	dma.local [hbm:s6], s20  }
0x9f: {  	_ =	swait.ge [sflag:s22], s20  }
0xa0: {  	s5 =	ssub.s32 $0x0, s20;
	[sflag:s22] =	ssyncset.done $0x0  }
0xa1: {  	[sflag:s22] =	ssyncadd.s32 s5;
	_ =	sdelay $0x1  }
0xa2: {  	s23 =	simm.s32 $0x1B8B  }
0xa3: {  	_ =	swait.ge [sflag:s23], $0x1  }
0xa4: {  	[sflag:s23] =	ssyncset.done $0x0  }
0xa5: {  	s25 =	simm.s32 $0x1B8E;
	s24 =	sld [smem:$0x3FFE];
	[sflag:s23] =	ssyncadd.s32 $0xFFFFFFFF  }
0xa6: {  	s26 =	simm.s32 $execute0_lowered;
	[smem:$0x3FD2] =	sst s25  }
0xa7: {  	s6 =	sshll.u32 s26, $0x1;
	_ =	strace $0x80000046;
	[dreg:$0x1] =	wrdreg $0xFFFFFFFF  }
0xa8: {  	s28 =	simm.s32 $_size_execute0_lowered;
	s4 =	sadd.s32 s4, s6;
	[dreg:$0x0] =	wrdreg $0x0  }
0xa9: {  	s6 =	sshll.u32 s28, $0x1;
	[dreg:$0x2] =	wrdreg s4  }
0xaa: {  	[dreg:$0x3] =	wrdreg s6  }
0xab: {  	[dreg:$0x4] =	wrdreg $0xC0  }
0xac: {  	_ =	task [dreg:s8], $0x5FFFF  }
0xad: {  	[dreg:$0x1] =	wrdreg $0xFFFFFFFF  }
0xae: {  	[dreg:$0x0] =	wrdreg $0x60  }
0xaf: {  	[dreg:$0x2] =	wrdreg s24  }
0xb0: {  	[dreg:$0x3] =	wrdreg s18  }
0xb1: {  	[dreg:$0x4] =	wrdreg s2  }
0xb2: {  	[dreg:$0x5] =	wrdreg $0x22700  }
0xb3: {  	[dreg:$0x6] =	wrdreg $0x3AE00  }
0xb4: {  	[dreg:$0x7] =	wrdreg $0x53500  }
0xb5: {  	[dreg:$0x8] =	wrdreg $0x6BC00  }
0xb6: {  	[dreg:$0x9] =	wrdreg $0x9  }
0xb7: {  	_ =	task.clear_ibuf [dreg:s8], $0xAFFFF;
	_ =	strace $0x90000046  }
0xb8: {  	s29 =	simm.s32 $0x9;
	_ =	strace $0x80000048  }
0xb9: {  	_ =	swait.ge [sflag:s29], $0x1  }
0xba: {  	[sflag:s29] =	ssyncadd.s32 $0xFFFFFFFF  }
0xbb: {  	_ =	strace $0x90000048  }
0xbc: {  	_ =	sfence  }
0xbd: {  	s30 =	sld [smem:$0x0];
	_ =	sdelay $0x2  }
0xbe: {  	s31 =	sshll.u32 s1, $0xD;
	s1 =	sshrl.u32 s1, $0x2  }
0xbf: {  	s3 =	sand.u32 $0x4000, s31;
	s1 =	sadd.s32 s1, s30  }
0xc0: {  	s0 =	sor.u32 s3, s0;
	s1 =	sshll.u32 s1, $0x11  }
0xc1: {  	s0 =	sor.u32 s1, s0  }
0xc2: {  	s0 =	sadd.s32 $0x8F2B, s0  }
0xc3: {  	[sflag:s0] =	ssyncadd.remote.s32 $0x1  }
0xc4: {  	_ =	sfence.sel $0xFFFF  }
0xc5: {  	[dreg:$0x0] =	wrdreg $0xFFFFFFFF;
	(pc) =	sbr.abs _section_cstart, $3  }
0xc6: {  	[dreg:$0x1] =	wrdreg $0xFFFFFFFF  }
0xc7: {  	_ =	task.clear_ibuf [dreg:s8], $0x2FFFF;
	_ =	strace $0x9FFFFFFF  }
0xc8: {  	(tm) =	ssettm $0x7FFFFFFF  }
0xc9: {  	_ =	shalt  }
tec
execute0_lowered:
.L_overlay_start_1:
0x0: {  	(tag) =	ssettag $0x1  }
0x1: {  	s1 =	rddreg [dreg:$0x0]  }
0x2: {  	s0 =	rddreg [dreg:$0x1]  }
0x3: {  	s2 =	rddreg [dreg:$0x2]  }
0x4: {  	s3 =	rddreg [dreg:$0x3]  }
0x5: {  	s4 =	rddreg [dreg:$0x4]  }
0x6: {  	s5 =	rddreg [dreg:$0x5]  }
0x7: {  	s6 =	rddreg [dreg:$0x6];
	s7 =	simm.s32 $0x0;
	s9 =	srdreg.scid  }
0x8: {  	s13 =	stileid.u32;
	s28 =	simm.s32 $0x1;
	s29 =	simm.s32 $0x4B0  }
0x9: {  	s30 =	simm.s32 $0x960;
	s31 =	simm.s32 $0x2;
	[smem:$0x7FF] =	sst s7  }
0xa: {  	s8 =	sadd.s32 $0x2600, s1;
	s9 =	sand.u32 $0x1, s9;
	s10 =	sadd.s32 $0x67400, s1  }
0xb: {  	s19 =	sadd.s32 $0x64200, s1;
	_ =	strace $0x80000047;
	[dreg:$0x8] =	wrdreg s10  }
0xc: {  	s11 =	sadd.s32 $0x1F1000, s1;
	s12 =	sadd.s32 $0x6A800, s1;
	[dreg:$0x9] =	wrdreg s19  }
0xd: {  	s21 =	sadd.s32 $0x6DC00, s1;
	s22 =	sadd.s32 $0x6AA00, s1;
	[dreg:$0xa] =	wrdreg s12  }
0xe: {  	p0 =	sne.s32 s13, $0x0;
	s20 =	smul.u32 $0x30D40, s9;
	[dreg:$0xb] =	wrdreg s21  }
0xf: {  	[dreg:$0xc] =	wrdreg s22;
	s23 =	smul.u32 $0x30D4, s9;
	s14 =	ssub.s32 $0x2, s9  }
0x10: {  	s9 =	sshll.u32 s9, $0x4;
	s21 =	sshrl.u32 @!p0 s5, $0x3;
	s22 =	sshrl.u32 @!p0 s6, $0x3  }
0x11: {  	s24 =	sshrl.u32 s14, $0x1;
	s9 =	sor.u32 s13, s9;
	s13 =	simm.s32 $0x0  }
0x12: {  	s10 =	sadd.s32 s20, s1;
	s1 =	sadd.s32 s23, s1;
	s12 =	ssub.s32 s14, s24  }
0x13: {  	s15 =	smul.u32 $0x186A0, s9;
	s23 =	simm.s32 $0x3;
	s1 =	sadd.s32 $0x9EA00, s1  }
0x14: {  	s9 =	simm.s32 $0x4;
	s25 =	sadd.s32 $0xA4C00, s10;
	[dreg:$0xd] =	wrdreg s1  }
0x15: {  	s26 =	smax.u32 s12, $0x1;
	s10 =	simm.s32 $0x5;
	[dreg:$0xe] =	wrdreg s25  }
0x16: {  	s12 =	simm.s32 $0x7D0;
	[dreg:$0xf] =	wrdreg s26;
	s1 =	sshrl.u32 @!p0 s3, $0x3  }
0x17: {  	s25 =	simm.s32 $0x190;
	[dreg:$0x10] =	wrdreg s1;
	s1 =	sshrl.u32 @!p0 s4, $0x3  }
0x18: {  	s26 =	simm.s32 $0x320;
	[dreg:$0x11] =	wrdreg s1;
	s1 =	simm.s32 $0x640  }
.LBB2_1:
0x19: {  	s16 =	rddreg [dreg:$0x8]  }
0x1a: {  	s14 =	simm.s32 @!p0 $0x1C06;
	s17 =	rddreg [dreg:$0x10]  }
0x1b: {  	[spmem:s17], [sflag:s14] =	dma.local @!p0 [hbm:s16], $0x30D4  }
0x1c: {  	s16 =	simm.s32 @!p0 $0x6  }
0x1d: {  	_ =	swait.ge @!p0 [sflag:s16], $0x30D4  }
0x1e: {  	[sflag:s16] =	ssyncset.done @!p0 $0x0;
	s17 =	rddreg [dreg:$0x9]  }
0x1f: {  	s18 =	rddreg [dreg:$0x11];
	[sflag:s16] =	ssyncadd.s32 @!p0 $0xFFFFCF2C  }
0x20: {  	[spmem:s18], [sflag:s14] =	dma.local @!p0 [hbm:s17], $0x30D4  }
0x21: {  	_ =	swait.ge @!p0 [sflag:s16], $0x30D4  }
0x22: {  	[sflag:s16] =	ssyncset.done @!p0 $0x0  }
0x23: {  	s17 =	rddreg [dreg:$0xc];
	[sflag:s16] =	ssyncadd.s32 @!p0 $0xFFFFCF2C  }
0x24: {  	[spmem:s21], [sflag:s14] =	dma.local @!p0 [hbm:s17], $0x30D4  }
0x25: {  	_ =	swait.ge @!p0 [sflag:s16], $0x30D4  }
0x26: {  	[sflag:s16] =	ssyncset.done @!p0 $0x0  }
0x27: {  	s17 =	rddreg [dreg:$0xb];
	[sflag:s16] =	ssyncadd.s32 @!p0 $0xFFFFCF2C  }
0x28: {  	[spmem:s22], [sflag:s14] =	dma.local @!p0 [hbm:s17], $0x30D40  }
0x29: {  	_ =	swait.ge @!p0 [sflag:s16], $0x30D40  }
0x2a: {  	[sflag:s16] =	ssyncset.done @!p0 $0x0  }
0x2b: {  	[sflag:s16] =	ssyncadd.s32 @!p0 $0xFFFCF2C0  }
0x2c: {  	[bflag:$0x0] =	sbarrier.arrive $0xFFFF  }
0x2d: {  	s20 =	simm.s32 $0x2260;
	s24 =	simm.s32 $0x6;
	s19 =	rddreg [dreg:$0xa]  }
0x2e: {  	[tilespmem:s20], [sflag:$0x6] =	stream.linear.gather [hbm4b:s19+s7], $0x10, $0x38;
	[tilespmem:$0x1F260] =	vst v63  }
0x2f: {  	_ =	swait.ge [sflag:s24], $0x10  }
0x30: {  	[sflag:s24] =	ssyncset.done $0x0  }
0x31: {  	[sflag:s24] =	ssyncadd.s32 $0xFFFFFFF0  }
0x32: {  	s14 =	simm.s32 $0x0;
	v0 =	vld [tilespmem:$0x2260]  }
.LBB2_2:
0x33: {  	s16 =	smul.u32 $0x190, s14;
	_ =	sdelay $0x1  }
0x34: {  	s16 =	sadd.s32 s15, s16  }
0x35: {  	s16 =	sshrl.u32 s16, $0x3  }
0x36: {  	s17 =	sadd.s32 s8, s16  }
0x37: {  	[tilespmem:s7], [sflag:$0x1] =	stream.linear.gather [hbm4b:s17+s7], $0x190, $0x38;
	[tilespmem:$0x1F260] =	vst v63  }
0x38: {  	s24 =	sadd.s32 s0, s16  }
0x39: {  	[tilespmem:s25], [sflag:$0x2] =	stream.linear.gather [hbm4b:s24+s7], $0x190, $0x38;
	[tilespmem:$0x1F260] =	vst v63  }
0x3a: {  	s16 =	sadd.s32 s2, s16  }
0x3b: {  	[tilespmem:s26], [sflag:$0x3] =	stream.linear.gather [hbm4b:s16+s7], $0x190, $0x38;
	[tilespmem:$0x1F260] =	vst v63  }
0x3c: {  	_ =	swait.ge [sflag:s28], $0x190  }
0x3d: {  	[sflag:s28] =	ssyncset.done $0x0  }
0x3e: {  	[sflag:s28] =	ssyncadd.s32 $0xFFFFFE70  }
0x3f: {  	[tilespmem:s29], [sflag:$0x4] =	stream.indirect.gather [spmem:s3], $0x1, s7, s25, $0xb8;
	[tilespmem:$0x1F260] =	vst v63  }
0x40: {  	_ = 	snop  }
0x41: {  	[tilespmem:s30], [sflag:$0x1] =	stream.indirect.gather [hbm4b:s11+s25], $0x10, s7, s25, $0xb8;
	[tilespmem:$0x1F260] =	vst v63  }
0x42: {  	_ =	swait.ge [sflag:s31], $0x190  }
0x43: {  	[sflag:s31] =	ssyncset.done $0x0  }
0x44: {  	[sflag:s31] =	ssyncadd.s32 $0xFFFFFE70  }
0x45: {  	[tilespmem:s1], [sflag:$0x5] =	stream.indirect.gather [spmem:s4], $0x1, s25, s25, $0xb8;
	[tilespmem:$0x1F260] =	vst v63  }
0x46: {  	_ =	swait.ge [sflag:s23], $0x190  }
0x47: {  	[sflag:s23] =	ssyncset.done $0x0  }
0x48: {  	[sflag:s23] =	ssyncadd.s32 $0xFFFFFE70  }
0x49: {  	_ =	swait.ge [sflag:s9], $0x190  }
0x4a: {  	[sflag:s9] =	ssyncset.done $0x0  }
0x4b: {  	[sflag:s9] =	ssyncadd.s32 $0xFFFFFE70  }
0x4c: {  	_ =	swait.ge [sflag:s10], $0x190  }
0x4d: {  	[sflag:s10] =	ssyncset.done $0x0  }
0x4e: {  	s16 =	simm.s32 $0x4D0;
	[sflag:s10] =	ssyncadd.s32 $0xFFFFFE70  }
0x4f: {  	s19 =	simm.s32 $0x340;
	v1 =	vld [tilespmem:s16+$0xFFFFFFE0]  }
0x50: {  	s17 =	simm.s32 $0x660;
	v2 =	vld [tilespmem:s19+$0xFFFFFFE0]  }
0x51: {  	v3 =	vld [tilespmem:s17+$0xFFFFFFE0];
	_ =	sdelay $0x4  }
0x52: {  	v1 =	vadd.f32 v3, v1;
	v2 =	vmul.f32 v2, v0;
	_ =	sdelay $0x1  }
0x53: {  	v1 =	vadd.f32 v2, v1;
	_ =	sdelay $0x1  }
0x54: {  	v2 =	vmul.f32 $2.000000030e-01, v1  }
0x55: {  	vm0 =	vge.f32 v1, $0.0e+00  }
0x56: {  	v1 =	vsel vm0, v1, v2  }
0x57: {  	v1 =	vmul.f32 $1.442695020e+00, v1;
	_ =	sdelay $0x1  }
0x58: {  	(erf) = vpow2.f32 v1;
	_ =	sdelay $0x8  }
0x59: {  	s18 =	simm.s32 $0x7F0;
	v1 =	vpop (erf)  }
0x5a: {  	[tilespmem:s18+$0xFFFFFFE0] =	vst v1  }
0x5b: {  	v1 =	vld [tilespmem:s19+$0xFFFFFFF0]  }
0x5c: {  	v2 =	vld [tilespmem:s16+$0xFFFFFFF0]  }
0x5d: {  	v3 =	vld [tilespmem:s17+$0xFFFFFFF0];
	_ =	sdelay $0x4  }
0x5e: {  	v1 =	vmul.f32 v1, v0;
	v2 =	vadd.f32 v3, v2;
	_ =	sdelay $0x1  }
0x5f: {  	v1 =	vadd.f32 v1, v2;
	_ =	sdelay $0x1  }
0x60: {  	v2 =	vmul.f32 $2.000000030e-01, v1  }
0x61: {  	vm13 =	vge.f32 v1, $0.0e+00  }
0x62: {  	v1 =	vsel vm13, v1, v2  }
0x63: {  	v1 =	vmul.f32 $1.442695020e+00, v1;
	_ =	sdelay $0x1  }
0x64: {  	(erf) = vpow2.f32 v1;
	_ =	sdelay $0x8  }
0x65: {  	v1 =	vpop (erf)  }
0x66: {  	[tilespmem:s18+$0xFFFFFFF0] =	vst v1  }
0x67: {  	v1 =	vld [tilespmem:s16+$0x0]  }
0x68: {  	v2 =	vld [tilespmem:s17+$0x0]  }
0x69: {  	v3 =	vld [tilespmem:s19+$0x0];
	_ =	sdelay $0x4  }
0x6a: {  	v1 =	vadd.f32 v2, v1;
	v2 =	vmul.f32 v3, v0;
	_ =	sdelay $0x1  }
0x6b: {  	v1 =	vadd.f32 v2, v1;
	_ =	sdelay $0x1  }
0x6c: {  	v2 =	vmul.f32 $2.000000030e-01, v1  }
0x6d: {  	vm14 =	vge.f32 v1, $0.0e+00  }
0x6e: {  	v1 =	vsel vm14, v1, v2  }
0x6f: {  	v1 =	vmul.f32 $1.442695020e+00, v1;
	_ =	sdelay $0x1  }
0x70: {  	(erf) = vpow2.f32 v1;
	_ =	sdelay $0x8  }
0x71: {  	v1 =	vpop (erf)  }
0x72: {  	[tilespmem:s18+$0x0] =	vst v1  }
0x73: {  	v1 =	vld [tilespmem:s16+$0x10]  }
0x74: {  	v2 =	vld [tilespmem:s19+$0x10]  }
0x75: {  	v3 =	vld [tilespmem:s17+$0x10];
	_ =	sdelay $0x4  }
0x76: {  	v2 =	vmul.f32 v2, v0;
	v1 =	vadd.f32 v3, v1;
	_ =	sdelay $0x1  }
0x77: {  	v1 =	vadd.f32 v2, v1;
	_ =	sdelay $0x1  }
0x78: {  	v2 =	vmul.f32 $2.000000030e-01, v1  }
0x79: {  	vm15 =	vge.f32 v1, $0.0e+00  }
0x7a: {  	v1 =	vsel vm15, v1, v2  }
0x7b: {  	v1 =	vmul.f32 $1.442695020e+00, v1;
	_ =	sdelay $0x1  }
0x7c: {  	(erf) = vpow2.f32 v1;
	_ =	sdelay $0x2  }
0x7d: {  	s20 =	simm.s32 $0x380;
	s24 =	simm.s32 $0x830;
	s19 =	simm.s32 $0x0  }
.LBB2_3:
0x7e: {  	s19 =	sadd.s32 $0x4, s19;
	s16 =	sadd.s32 $0x40, s16;
	s17 =	sadd.s32 $0x40, s17  }
0x7f: {  	p1 =	slt.u32 s19, $0x14;
	_ =	sdelay $0x3  }
0x80: {  	v1 =	vpop (erf)  }
0x81: {  	[tilespmem:s18+$0x10] =	vst v1;
	s18 =	smov.u32 s24  }
0x82: {  	v1 =	vld [tilespmem:s16+$0xFFFFFFE0]  }
0x83: {  	v2 =	vld [tilespmem:s20+$0xFFFFFFE0]  }
0x84: {  	v3 =	vld [tilespmem:s17+$0xFFFFFFE0];
	_ =	sdelay $0x4  }
0x85: {  	v2 =	vmul.f32 v2, v0;
	v1 =	vadd.f32 v3, v1;
	_ =	sdelay $0x1  }
0x86: {  	v1 =	vadd.f32 v2, v1;
	_ =	sdelay $0x1  }
0x87: {  	v2 =	vmul.f32 $2.000000030e-01, v1  }
0x88: {  	vm0 =	vge.f32 v1, $0.0e+00  }
0x89: {  	v1 =	vsel vm0, v1, v2  }
0x8a: {  	v1 =	vmul.f32 $1.442695020e+00, v1;
	_ =	sdelay $0x1  }
0x8b: {  	(erf) = vpow2.f32 v1;
	_ =	sdelay $0x8  }
0x8c: {  	v1 =	vpop (erf)  }
0x8d: {  	[tilespmem:s24+$0xFFFFFFE0] =	vst v1  }
0x8e: {  	v1 =	vld [tilespmem:s20+$0xFFFFFFF0]  }
0x8f: {  	v2 =	vld [tilespmem:s16+$0xFFFFFFF0]  }
0x90: {  	v3 =	vld [tilespmem:s17+$0xFFFFFFF0];
	_ =	sdelay $0x2  }
0x91: {  	v1 =	vmul.f32 v1, v0;
	_ =	sdelay $0x1  }
0x92: {  	v2 =	vadd.f32 v3, v2;
	_ =	sdelay $0x1  }
0x93: {  	v1 =	vadd.f32 v1, v2;
	_ =	sdelay $0x1  }
0x94: {  	v2 =	vmul.f32 $2.000000030e-01, v1  }
0x95: {  	vm0 =	vge.f32 v1, $0.0e+00  }
0x96: {  	v1 =	vsel vm0, v1, v2  }
0x97: {  	v1 =	vmul.f32 $1.442695020e+00, v1;
	_ =	sdelay $0x1  }
0x98: {  	(erf) = vpow2.f32 v1;
	_ =	sdelay $0x8  }
0x99: {  	v1 =	vpop (erf)  }
0x9a: {  	[tilespmem:s24+$0xFFFFFFF0] =	vst v1  }
0x9b: {  	v1 =	vld [tilespmem:s16+$0x0]  }
0x9c: {  	v2 =	vld [tilespmem:s17+$0x0]  }
0x9d: {  	v3 =	vld [tilespmem:s20+$0x0];
	_ =	sdelay $0x3  }
0x9e: {  	v1 =	vadd.f32 v2, v1  }
0x9f: {  	v2 =	vmul.f32 v3, v0;
	_ =	sdelay $0x1  }
0xa0: {  	v1 =	vadd.f32 v2, v1;
	_ =	sdelay $0x1  }
0xa1: {  	v2 =	vmul.f32 $2.000000030e-01, v1  }
0xa2: {  	vm0 =	vge.f32 v1, $0.0e+00  }
0xa3: {  	v1 =	vsel vm0, v1, v2  }
0xa4: {  	v1 =	vmul.f32 $1.442695020e+00, v1;
	_ =	sdelay $0x1  }
0xa5: {  	(erf) = vpow2.f32 v1;
	_ =	sdelay $0x8  }
0xa6: {  	v1 =	vpop (erf)  }
0xa7: {  	[tilespmem:s24+$0x0] =	vst v1  }
0xa8: {  	v1 =	vld [tilespmem:s16+$0x10]  }
0xa9: {  	v2 =	vld [tilespmem:s20+$0x10]  }
0xaa: {  	v3 =	vld [tilespmem:s17+$0x10];
	_ =	sdelay $0x3  }
0xab: {  	v2 =	vmul.f32 v2, v0  }
0xac: {  	v1 =	vadd.f32 v3, v1;
	_ =	sdelay $0x1  }
0xad: {  	v1 =	vadd.f32 v2, v1;
	_ =	sdelay $0x1  }
0xae: {  	vm0 =	vge.f32 v1, $0.0e+00;
	v2 =	vmul.f32 $2.000000030e-01, v1;
	_ =	sdelay $0x1  }
0xaf: {  	v1 =	vsel vm0, v1, v2  }
0xb0: {  	v1 =	vmul.f32 $1.442695020e+00, v1  }
.Ltmp0:
0xb1: {  	(pc) =	sbr.rel @p1 .LBB2_3-.Ltmp0, $2  }
0xb2: {  	(erf) = vpow2.f32 v1;
	_ =	sdelay $0x2  }
0xb3: {  	s24 =	sadd.s32 $0x40, s24;
	s20 =	sadd.s32 $0x40, s20  }
0xb4: {  	_ =	sdelay $0x4  }
0xb5: {  	v1 =	vpop (erf)  }
0xb6: {  	[tilespmem:s18+$0x10] =	vst v1  }
0xb7: {  	v1 =	vld [tilespmem:$0x630]  }
0xb8: {  	v2 =	vld [tilespmem:$0x7C0]  }
0xb9: {  	v3 =	vld [tilespmem:$0x4A0];
	_ =	sdelay $0x4  }
0xba: {  	v1 =	vadd.f32 v2, v1;
	v2 =	vmul.f32 v3, v0;
	_ =	sdelay $0x1  }
0xbb: {  	v1 =	vadd.f32 v2, v1;
	_ =	sdelay $0x1  }
0xbc: {  	v2 =	vmul.f32 $2.000000030e-01, v1  }
0xbd: {  	vm0 =	vge.f32 v1, $0.0e+00  }
0xbe: {  	v1 =	vsel vm0, v1, v2  }
0xbf: {  	v1 =	vmul.f32 $1.442695020e+00, v1;
	_ =	sdelay $0x1  }
0xc0: {  	(erf) = vpow2.f32 v1;
	_ =	sdelay $0x8  }
0xc1: {  	v1 =	vpop (erf)  }
0xc2: {  	[tilespmem:$0x950] =	vst v1  }
0xc3: {  	[spmem:s5] =	stream.indirect.scatter.add.f32 [tilespmem:s12], [sflag:$0x2], $0x1, s25, s25, $0xb8;
	[tilespmem:$0x1F260] =	vst v63  }
0xc4: {  	_ =	swait.ge [sflag:s28], $0x1900  }
0xc5: {  	[sflag:s28] =	ssyncset.done $0x0  }
0xc6: {  	s16 =	simm.s32 $0x9E0;
	[sflag:s28] =	ssyncadd.s32 $0xFFFFE700  }
0xc7: {  	s19 =	simm.s32 $0x0;
	s17 =	simm.s32 $0x9E0;
	s18 =	simm.s32 $0x40;
	v1 =	vld [tilespmem:s16+$0xFFFFFFB0]  }
.LBB2_5:
0xc8: {  	p1 =	sne.s32 s18, $0x600;
	v2 =	vld [tilespmem:s19+$0x7D0]  }
0xc9: {  	v3 =	vld [tilespmem:s16+$0xFFFFFF90]  }
0xca: {  	v4 =	vld [tilespmem:s16+$0xFFFFFF80]  }
0xcb: {  	v5 =	vld [tilespmem:s16+$0xFFFFFFA0]  }
0xcc: {  	v6 =	vld [tilespmem:s16+$0xFFFFFFF0]  }
0xcd: {  	v7 =	vbroadcast v2, $0x0;
	v8 =	vbroadcast v2, $0x1;
	v9 =	vld [tilespmem:s16+$0xFFFFFFD0]  }
0xce: {  	v10 =	vbroadcast v2, $0x2;
	v11 =	vbroadcast v2, $0x3;
	v12 =	vld [tilespmem:s16+$0xFFFFFFC0]  }
0xcf: {  	v4 =	vmul.f32 v7, v4;
	v3 =	vmul.f32 v3, v8;
	v7 =	vld [tilespmem:s16+$0xFFFFFFE0]  }
0xd0: {  	v1 =	vmul.f32 v1, v11;
	v5 =	vmul.f32 v5, v10;
	v8 =	vld [tilespmem:s16+$0x30]  }
0xd1: {  	v10 =	vbroadcast v2, $0x5;
	[tilespmem:s16+$0xFFFFFF80] =	vst v4;
	v4 =	vbroadcast v2, $0x4;
	v11 =	vld [tilespmem:s16+$0x10]  }
0xd2: {  	v13 =	vbroadcast v2, $0x7;
	[tilespmem:s16+$0xFFFFFF90] =	vst v3;
	v3 =	vbroadcast v2, $0x6;
	v14 =	vld [tilespmem:s16+$0x0]  }
0xd3: {  	[tilespmem:s16+$0xFFFFFFA0] =	vst v5;
	v4 =	vmul.f32 v12, v4;
	v5 =	vmul.f32 v9, v10;
	v9 =	vld [tilespmem:s16+$0x20]  }
0xd4: {  	[tilespmem:s16+$0xFFFFFFB0] =	vst v1;
	v1 =	vmul.f32 v7, v3;
	v3 =	vmul.f32 v6, v13;
	v6 =	vld [tilespmem:s16+$0x70]  }
0xd5: {  	v7 =	vbroadcast v2, $0x9;
	[tilespmem:s16+$0xFFFFFFC0] =	vst v4;
	v4 =	vbroadcast v2, $0x8;
	v10 =	vld [tilespmem:s16+$0x50]  }
0xd6: {  	v12 =	vbroadcast v2, $0xB;
	[tilespmem:s16+$0xFFFFFFD0] =	vst v5;
	v5 =	vbroadcast v2, $0xA;
	v13 =	vld [tilespmem:s16+$0x40]  }
0xd7: {  	[tilespmem:s16+$0xFFFFFFE0] =	vst v1;
	v1 =	vmul.f32 v14, v4;
	v4 =	vmul.f32 v11, v7;
	v7 =	vld [tilespmem:s16+$0x60]  }
0xd8: {  	[tilespmem:s16+$0xFFFFFFF0] =	vst v3;
	v3 =	vmul.f32 v9, v5;
	v5 =	vmul.f32 v8, v12  }
0xd9: {  	v8 =	vbroadcast v2, $0xD;
	[tilespmem:s16+$0x0] =	vst v1;
	v1 =	vbroadcast v2, $0xC  }
0xda: {  	[tilespmem:s16+$0x10] =	vst v4;
	v4 =	vbroadcast v2, $0xE;
	v2 =	vbroadcast v2, $0xF  }
0xdb: {  	[tilespmem:s16+$0x20] =	vst v3;
	v1 =	vmul.f32 v13, v1;
	v3 =	vmul.f32 v10, v8  }
.Ltmp1:
0xdc: {  	[tilespmem:s16+$0x30] =	vst v5;
	v4 =	vmul.f32 v7, v4;
	v2 =	vmul.f32 v6, v2;
	(pc) =	sbr.rel @p1 .LBB2_5-.Ltmp1, $4  }
0xdd: {  	[tilespmem:s16+$0x40] =	vst v1  }
0xde: {  	[tilespmem:s16+$0x50] =	vst v3  }
0xdf: {  	s16 =	sadd.s32 $0x100, s16;
	[tilespmem:s17+$0x60] =	vst v4  }
0xe0: {  	s19 =	sshra.s32 s18, $0x2;
	s18 =	sadd.s32 $0x40, s18;
	v1 =	vld [tilespmem:s16+$0xFFFFFFB0];
	[tilespmem:s17+$0x70] =	vst v2;
	s17 =	smov.u32 s16  }
0xe1: {  	v2 =	vld [tilespmem:s19+$0x7D0];
	_ =	sdelay $0x1  }
0xe2: {  	v3 =	vld [tilespmem:s16+$0xFFFFFF80]  }
0xe3: {  	v4 =	vld [tilespmem:s16+$0xFFFFFF90]  }
0xe4: {  	v5 =	vld [tilespmem:s16+$0xFFFFFFA0]  }
0xe5: {  	v6 =	vbroadcast v2, $0x0  }
0xe6: {  	v9 =	vld [tilespmem:s16+$0xFFFFFFD0];
	v7 =	vbroadcast v2, $0x1  }
0xe7: {  	v8 =	vld [tilespmem:s16+$0xFFFFFFC0];
	v10 =	vbroadcast v2, $0x2;
	v3 =	vmul.f32 v6, v3  }
0xe8: {  	v48 =	vld [tilespmem:s16+$0xFFFFFFE0];
	v47 =	vbroadcast v2, $0x3;
	v4 =	vmul.f32 v4, v7  }
0xe9: {  	v51 =	vld [tilespmem:s16+$0x10];
	v49 =	vbroadcast v2, $0x5;
	v5 =	vmul.f32 v5, v10;
	[tilespmem:s16+$0xFFFFFF80] =	vst v3  }
0xea: {  	v11 =	vld [tilespmem:s16+$0xFFFFFFF0];
	v1 =	vmul.f32 v1, v47;
	v3 =	vbroadcast v2, $0x4;
	[tilespmem:s16+$0xFFFFFF90] =	vst v4  }
0xeb: {  	v50 =	vld [tilespmem:s16+$0x0];
	v12 =	vbroadcast v2, $0x6;
	v6 =	vmul.f32 v9, v49;
	[tilespmem:s16+$0xFFFFFFA0] =	vst v5  }
0xec: {  	v56 =	vld [tilespmem:s16+$0x50];
	v54 =	vbroadcast v2, $0x9;
	[tilespmem:s16+$0xFFFFFFB0] =	vst v1;
	v3 =	vmul.f32 v8, v3  }
0xed: {  	v53 =	vld [tilespmem:s16+$0x20];
	v52 =	vbroadcast v2, $0x7;
	v7 =	vmul.f32 v48, v12;
	[tilespmem:s16+$0xFFFFFFD0] =	vst v6  }
0xee: {  	v59 =	vmul.f32 v51, v54;
	v1 =	vld [tilespmem:s16+$0x30];
	[tilespmem:s16+$0xFFFFFFC0] =	vst v3;
	v3 =	vbroadcast v2, $0x8  }
0xef: {  	v55 =	vld [tilespmem:s16+$0x40];
	v62 =	vbroadcast v2, $0xD;
	v5 =	vmul.f32 v11, v52;
	[tilespmem:s16+$0xFFFFFFE0] =	vst v7  }
0xf0: {  	v60 =	vld [tilespmem:s16+$0x60];
	v57 =	vbroadcast v2, $0xA;
	[tilespmem:s16+$0x10] =	vst v59;
	v3 =	vmul.f32 v50, v3  }
0xf1: {  	v61 =	vld [tilespmem:s16+$0x70];
	v58 =	vbroadcast v2, $0xB;
	v4 =	vmul.f32 v56, v62;
	[tilespmem:s16+$0xFFFFFFF0] =	vst v5  }
0xf2: {  	v8 =	vmul.f32 v53, v57;
	[tilespmem:s16+$0x0] =	vst v3;
	v3 =	vbroadcast v2, $0xC  }
0xf3: {  	v63 =	vbroadcast v2, $0xE;
	[tilespmem:s16+$0x50] =	vst v4;
	v1 =	vmul.f32 v1, v58  }
0xf4: {  	[tilespmem:s16+$0x20] =	vst v8;
	v2 =	vbroadcast v2, $0xF;
	v3 =	vmul.f32 v55, v3  }
0xf5: {  	[tilespmem:s16+$0x30] =	vst v1;
	v1 =	vmul.f32 v60, v63  }
0xf6: {  	v2 =	vmul.f32 v61, v2;
	[tilespmem:s16+$0x40] =	vst v3  }
0xf7: {  	[tilespmem:s17+$0x60] =	vst v1  }
0xf8: {  	s14 =	sadd.s32 $0x1, s14;
	[tilespmem:s17+$0x70] =	vst v2  }
0xf9: {  	[spmem:s6] =	stream.indirect.scatter.add.f32 [tilespmem:s30], [sflag:$0x3], $0x10, s25, s25, $0xb8;
	[tilespmem:$0x1F260] =	vst v63  }
0xfa: {  	p1 =	sne.s32 s14, $0xFA;
	_ =	swait.ge [sflag:s31], $0x190  }
.Ltmp2:
0xfb: {  	[sflag:s31] =	ssyncset.done $0x0;
	(pc) =	sbr.rel @p1 .LBB2_2-.Ltmp2, $4  }
0xfc: {  	[sflag:s31] =	ssyncadd.s32 $0xFFFFFE70  }
0xfd: {  	_ =	swait.ge [sflag:s23], $0x1900  }
0xfe: {  	[sflag:s23] =	ssyncset.done $0x0  }
0xff: {  	[sflag:s23] =	ssyncadd.s32 $0xFFFFE700  }
0x100: {  	[bflag:$0x0] =	sbarrier.arrive $0xFFFF  }
0x101: {  	s14 =	simm.s32 @!p0 $0x1C06;
	s16 =	rddreg [dreg:$0xd]  }
0x102: {  	[hbm:s16], [sflag:s14] =	dma.local @!p0 [spmem:s21], $0x30D4  }
0x103: {  	s16 =	simm.s32 @!p0 $0x6  }
0x104: {  	_ =	swait.ge @!p0 [sflag:s16], $0x30D4  }
0x105: {  	[sflag:s16] =	ssyncset.done @!p0 $0x0  }
0x106: {  	s17 =	rddreg [dreg:$0xe];
	[sflag:s16] =	ssyncadd.s32 @!p0 $0xFFFFCF2C  }
0x107: {  	[hbm:s17], [sflag:s14] =	dma.local @!p0 [spmem:s22], $0x30D40  }
0x108: {  	_ =	swait.ge @!p0 [sflag:s16], $0x30D40  }
0x109: {  	s13 =	sadd.s32 $0x1, s13;
	s24 =	rddreg [dreg:$0xf]  }
0x10a: {  	p1 =	sne.s32 s13, s24  }
.Ltmp3:
0x10b: {  	_ = 	snop;
	(pc) =	sbr.rel @p1 .LBB2_1-.Ltmp3, $3  }
0x10c: {  	_ =	sdelay $0x1  }
0x10d: {  	[sflag:s16] =	ssyncset.done @!p0 $0x0  }
0x10e: {  	[sflag:s16] =	ssyncadd.s32 @!p0 $0xFFFCF2C0  }
0x10f: {  	_ =	sfence.sel $0x180000  }
0x110: {  	[bflag:$0x0] =	sbarrier.arrive $0xFFFF  }
0x111: {  	_ =	strace $0x90000047  }
0x112: {  	[bflag:$0x2] =	sbarrier.arrive $0xFFFF  }
0x113: {  	s0 =	rddreg [dreg:$0x7]  }
0x114: {  	s0 =	sadd.s32 @!p0 $0x100000, s0  }
0x115: {  	[sflag:s0] =	ssyncadd.tile.s32 @!p0 $0x1;
	_ =	shalt  }
.Lfunc_end2:
_tile_overlayer_lowered:
.L_overlay_start_2:
0x116: {  	(tag) =	ssettag $0x2  }
0x117: {  	s0 =	rddreg [dreg:$0x0];
	s2 =	stileid.u32  }
0x118: {  	s1 =	rddreg [dreg:$0x1];
	p0 =	sne.s32 s2, $0x0  }
0x119: {  	s3 =	rddreg [dreg:$0x2];
	[bflag:$0x3] =	sbarrier.arrive $0xFFFF;
	s2 =	simm.s32 @!p0 $0x1C06  }
0x11a: {  	[timem:s3], [sflag:s2] =	dma.local @!p0 [hbm:s0], s1  }
0x11b: {  	s0 =	simm.s32 @!p0 $0x6  }
0x11c: {  	_ =	swait.ge @!p0 [sflag:s0], s1  }
0x11d: {  	s1 =	ssub.s32 @!p0 $0x0, s1;
	[sflag:s0] =	ssyncset.done @!p0 $0x0  }
0x11e: {  	[sflag:s0] =	ssyncadd.s32 @!p0 s1  }
0x11f: {  	[bflag:$0x3] =	sbarrier.arrive $0xFFFF  }
0x120: {  	_ =	shalt  }

// kernel: kernel.9.cloned.1.call-start
scs
__scs_entry_jumppad:
0x0: {  	(pc) =	sbr.rel $0x88, $3  }
0x1: {  	(tag) =	ssettag $0x0;
	lr =	simm.s32 $0x1  }
0x2: {  	[smem:$0x3F8E] =	sst lr;
	_ =	strace $0xD0000000  }
0x3: {  	_ = 	snop  }
0x4: {  	_ = 	snop  }
0x5: {  	_ = 	snop  }
0x6: {  	_ = 	snop  }
0x7: {  	_ = 	snop  }
__scs_overlays_trampoline_lowered:
0x8: {  	[smem:$0x3F9D] =	sst s0  }
0x9: {  	[smem:$0x3F9E] =	sst s1  }
0xa: {  	[smem:$0x3F9F] =	sst s2  }
0xb: {  	[smem:$0x3FA0] =	sst s3  }
0xc: {  	[smem:$0x3FA1] =	sst s4  }
0xd: {  	[smem:$0x3FA2] =	sst s5  }
0xe: {  	[smem:$0x3FA3] =	sst s6  }
0xf: {  	[smem:$0x3FA4] =	sst s7  }
0x10: {  	[smem:$0x3FA5] =	sst s8  }
0x11: {  	[smem:$0x3FA6] =	sst s9;
	s0 =	simm.s32 @!p0 $0x0  }
0x12: {  	s1 =	sld [smem:$0x3F8C];
	s0 =	simm.s32 @p0 $0x1  }
0x13: {  	[smem:$0x3FA7] =	sst s0;
	s0 =	simm.s32 @!p1 $0x0  }
0x14: {  	s2 =	sld [smem:$0x3F8B];
	s0 =	simm.s32 @p1 $0x1  }
0x15: {  	[smem:$0x3FA8] =	sst s0;
	s0 =	simm.s32 @!p2 $0x0  }
0x16: {  	s3 =	sld [smem:$0x3FDB];
	s0 =	simm.s32 @p2 $0x1  }
0x17: {  	s4 =	simm.s32 $0x1BF5;
	[smem:$0x3FAA] =	sst s0  }
0x18: {  	s0 =	sld [smem:$0x3F8D];
	_ =	swait.ge [sflag:s4], $0x0  }
0x19: {  	s7 =	sld [smem:$0x3F8E]  }
0x1a: {  	s8 =	sadd.s32 $0xFFFFE003, lr  }
0x1b: {  	s9 =	sadd.s32 $0xFFFFFEF7, lr;
	s5 =	simm.s32 $0xFFFFFFFF;
	p2 =	slt.u32 s8, $0xFFFFF086  }
0x1c: {  	p1 =	slt.u32 s9, $0xF7A;
	s5 =	simm.s32 @!p2 $0x0  }
0x1d: {  	s5 =	simm.s32 @p1 $0x1;
	p0 =	seq.s32 s7, s2  }
0x1e: {  	s7 =	smul.u32 @!p0 $0xF7A, s2;
	p2 =	seq.s32 @!p0 s5, $0x0  }
0x1f: {  	s9 =	smul.u32 $0xF7A, s1;
	s8 =	simm.s32 @!p0 $0x1BF5;
	p2 =	por !p2, p0  }
0x20: {  	[sflag:s8] =	ssyncset.s32 @!p0 $0xFFFFF086;
	s6 =	sadd.s32 @!p0 s3, s7;
	s7 =	simm.s32 @!p0 $0x108  }
0x21: {  	s3 =	sadd.s32 s3, s9;
	s6 =	sadd.s32 @!p0 $0x88, s6;
	s7 =	simm.s32 @p2 $0x1082  }
0x22: {  	[simem:s7], [sflag:s8] =	dma.local @!p0 [hbm:s6], $0xF7A  }
0x23: {  	s9 =	sor.u32 $0xD0000000, s2;
	s6 =	simm.s32 $0x108;
	_ =	swait.ge @!p0 [sflag:s8], $0x0  }
0x24: {  	s3 =	sadd.s32 $0x88, s3;
	s6 =	simm.s32 @!p1 $0x1082;
	[sflag:s4] =	ssyncset.s32 $0xFFFFF086  }
0x25: {  	[simem:s6], [sflag:s4] =	dma.local [hbm:s3], $0xF7A  }
0x26: {  	[smem:$0x3F8E] =	sst s1;
	(tag) =	ssettag s2;
	_ =	strace s9  }
0x27: {  	s1 =	sld [smem:$0x3F9E]  }
0x28: {  	s2 =	sld [smem:$0x3F9F]  }
0x29: {  	s4 =	sld [smem:$0x3FA1]  }
0x2a: {  	p0 =	seq.s32 s5, $0x0;
	s5 =	sld [smem:$0x3FA2]  }
0x2b: {  	s6 =	sld [smem:$0x3FA3]  }
0x2c: {  	s7 =	sld [smem:$0x3FA4]  }
0x2d: {  	s3 =	simm.s32 $0x108;
	s8 =	sld [smem:$0x3FA5]  }
0x2e: {  	s3 =	simm.s32 @!p0 $0x1082;
	s9 =	sld [smem:$0x3FA6]  }
0x2f: {  	lr =	sadd.s32 s0, s3;
	s0 =	sld [smem:$0x3F9D]  }
0x30: {  	s3 =	sld [smem:$0x3FA0]  }
0x31: {  	[smem:$0x3FA9] =	sst s10  }
0x32: {  	s10 =	sld [smem:$0x3FA7];
	_ =	sdelay $0x3  }
0x33: {  	p0 =	seq.s32 s10, $0x1;
	s10 =	sld [smem:$0x3FA9];
	_ =	sdelay $0x3  }
0x34: {  	[smem:$0x3FA9] =	sst s10  }
0x35: {  	s10 =	sld [smem:$0x3FA8];
	_ =	sdelay $0x3  }
0x36: {  	p1 =	seq.s32 s10, $0x1;
	s10 =	sld [smem:$0x3FA9];
	_ =	sdelay $0x3  }
0x37: {  	[smem:$0x3FA9] =	sst s10  }
0x38: {  	s10 =	sld [smem:$0x3FAA]  }
0x39: {  	_ = 	snop;
	(pc) =	sbr.ind lr, $3  }
0x3a: {  	_ = 	snop  }
0x3b: {  	_ = 	snop  }
0x3c: {  	p2 =	seq.s32 s10, $0x1;
	s10 =	sld [smem:$0x3FA9]  }
0x3d: {  	_ =	shalt  }
0x3e: {  	_ =	shalt  }
0x3f: {  	_ =	shalt  }
0x40: {  	_ =	shalt  }
0x41: {  	_ =	shalt  }
0x42: {  	_ =	shalt  }
0x43: {  	_ =	shalt  }
0x44: {  	_ =	shalt  }
0x45: {  	_ =	shalt  }
0x46: {  	_ =	shalt  }
0x47: {  	_ =	shalt  }
0x48: {  	_ =	shalt  }
0x49: {  	_ =	shalt  }
0x4a: {  	_ =	shalt  }
0x4b: {  	_ =	shalt  }
0x4c: {  	_ =	shalt  }
0x4d: {  	_ =	shalt  }
0x4e: {  	_ =	shalt  }
0x4f: {  	_ =	shalt  }
0x50: {  	_ =	shalt  }
0x51: {  	_ =	shalt  }
0x52: {  	_ =	shalt  }
0x53: {  	_ =	shalt  }
0x54: {  	_ =	shalt  }
0x55: {  	_ =	shalt  }
0x56: {  	_ =	shalt  }
0x57: {  	_ =	shalt  }
0x58: {  	_ =	shalt  }
0x59: {  	_ =	shalt  }
0x5a: {  	_ =	shalt  }
0x5b: {  	_ =	shalt  }
0x5c: {  	_ =	shalt  }
0x5d: {  	_ =	shalt  }
0x5e: {  	_ =	shalt  }
0x5f: {  	_ =	shalt  }
0x60: {  	_ =	shalt  }
0x61: {  	_ =	shalt  }
0x62: {  	_ =	shalt  }
0x63: {  	_ =	shalt  }
0x64: {  	_ =	shalt  }
0x65: {  	_ =	shalt  }
0x66: {  	_ =	shalt  }
0x67: {  	_ =	shalt  }
0x68: {  	_ =	shalt  }
0x69: {  	_ =	shalt  }
0x6a: {  	_ =	shalt  }
0x6b: {  	_ =	shalt  }
0x6c: {  	_ =	shalt  }
0x6d: {  	_ =	shalt  }
0x6e: {  	_ =	shalt  }
0x6f: {  	_ =	shalt  }
0x70: {  	_ =	shalt  }
0x71: {  	_ =	shalt  }
0x72: {  	_ =	shalt  }
0x73: {  	_ =	shalt  }
0x74: {  	_ =	shalt  }
0x75: {  	_ =	shalt  }
0x76: {  	_ =	shalt  }
0x77: {  	_ =	shalt  }
0x78: {  	_ =	shalt  }
0x79: {  	_ =	shalt  }
0x7a: {  	_ =	shalt  }
0x7b: {  	_ =	shalt  }
0x7c: {  	_ =	shalt  }
0x7d: {  	_ =	shalt  }
0x7e: {  	_ =	shalt  }
0x7f: {  	_ =	shalt  }
0x80: {  	_ =	shalt  }
0x81: {  	_ =	shalt  }
0x82: {  	_ =	shalt  }
0x83: {  	_ =	shalt  }
0x84: {  	_ =	shalt  }
0x85: {  	_ =	shalt  }
0x86: {  	_ =	shalt  }
0x87: {  	_ =	shalt  }
.Lfunc_end0:
.L_simem_size_0:
called_computation.1_lowered:
.L_overlay_start_0:
0x88: {  	s2 =	sld [smem:$0x3FD9]  }
0x89: {  	s3 =	sld [smem:$0x3FFE];
	_ =	sdelay $0x1  }
0x8a: {  	s1 =	srdreg.scid  }
0x8b: {  	s0 =	sand.u32 $0x1, s1  }
0x8c: {  	s17 =	sshll.u32 s0, $0xA;
	s2 =	sadd.s32 s3, s2  }
0x8d: {  	s2 =	sadd.s32 s2, s17  }
0x8e: {  	[smem:$0x3FB5] =	sst s2  }
0x8f: {  	_ = 	snop  }
0x90: {  	s2 =	sld [smem:$0x3FC7]  }
0x91: {  	s18 =	sld [smem:$0x3FD0];
	(tm) =	ssettm $0x1  }
0x92: {  	s4 =	sld [smem:$0x3FFB];
	_ =	sdelay $0x3  }
0x93: {  	_ =	strace s4  }
0x94: {  	s4 =	sld [smem:$0x3FFC];
	_ =	sdelay $0x3  }
0x95: {  	_ =	strace s4  }
0x96: {  	s4 =	sld [smem:$0x3FFD];
	_ =	sdelay $0x3  }
0x97: {  	_ =	strace s4  }
0x98: {  	_ =	strace $0x8FFFFFFF  }
0x99: {  	s19 =	sld [smem:$0x3FDB];
	_ =	sdelay $0x1  }
0x9a: {  	s5 =	simm.s32 $_scs_section_size  }
0x9b: {  	s6 =	simm.s32 $_size__tile_overlayer_lowered;
	s7 =	simm.s32 $_tile_overlayer_lowered  }
0x9c: {  	s22 =	simm.s32 $0x1BFF;
	s21 =	sshll.u32 s7, $0x1;
	s4 =	sadd.s32 s5, s19  }
0x9d: {  	s8 =	simm.s32 $0x0;
	s20 =	sshll.u32 s6, $0x1;
	s6 =	sadd.s32 s21, s4  }
0x9e: {  	[timem:s8], [sflag:s22] =	dma.local [hbm:s6], s20  }
0x9f: {  	_ =	swait.ge [sflag:s22], s20  }
0xa0: {  	s5 =	ssub.s32 $0x0, s20;
	[sflag:s22] =	ssyncset.done $0x0  }
0xa1: {  	[sflag:s22] =	ssyncadd.s32 s5;
	_ =	sdelay $0x1  }
0xa2: {  	s23 =	simm.s32 $0x1B8B  }
0xa3: {  	_ =	swait.ge [sflag:s23], $0x1  }
0xa4: {  	[sflag:s23] =	ssyncset.done $0x0  }
0xa5: {  	s25 =	simm.s32 $0x1B8E;
	s24 =	sld [smem:$0x3FFE];
	[sflag:s23] =	ssyncadd.s32 $0xFFFFFFFF  }
0xa6: {  	s26 =	simm.s32 $execute0_lowered;
	[smem:$0x3FD2] =	sst s25  }
0xa7: {  	s6 =	sshll.u32 s26, $0x1;
	_ =	strace $0x80000049;
	[dreg:$0x1] =	wrdreg $0xFFFFFFFF  }
0xa8: {  	s28 =	simm.s32 $_size_execute0_lowered;
	s4 =	sadd.s32 s4, s6;
	[dreg:$0x0] =	wrdreg $0x0  }
0xa9: {  	s6 =	sshll.u32 s28, $0x1;
	[dreg:$0x2] =	wrdreg s4  }
0xaa: {  	[dreg:$0x3] =	wrdreg s6  }
0xab: {  	[dreg:$0x4] =	wrdreg $0xC0  }
0xac: {  	_ =	task [dreg:s8], $0x5FFFF  }
0xad: {  	[dreg:$0x1] =	wrdreg $0xFFFFFFFF  }
0xae: {  	[dreg:$0x0] =	wrdreg $0x60  }
0xaf: {  	[dreg:$0x2] =	wrdreg s24  }
0xb0: {  	[dreg:$0x3] =	wrdreg s18  }
0xb1: {  	[dreg:$0x4] =	wrdreg s2  }
0xb2: {  	[dreg:$0x5] =	wrdreg $0x22700  }
0xb3: {  	[dreg:$0x6] =	wrdreg $0x3AE00  }
0xb4: {  	[dreg:$0x7] =	wrdreg $0x53500  }
0xb5: {  	[dreg:$0x8] =	wrdreg $0x6BC00  }
0xb6: {  	[dreg:$0x9] =	wrdreg $0x9  }
0xb7: {  	_ =	task.clear_ibuf [dreg:s8], $0xAFFFF;
	_ =	strace $0x90000049  }
0xb8: {  	s29 =	simm.s32 $0x9;
	_ =	strace $0x8000004B  }
0xb9: {  	_ =	swait.ge [sflag:s29], $0x1  }
0xba: {  	[sflag:s29] =	ssyncadd.s32 $0xFFFFFFFF  }
0xbb: {  	_ =	strace $0x9000004B  }
0xbc: {  	_ =	sfence  }
0xbd: {  	s30 =	sld [smem:$0x0];
	_ =	sdelay $0x2  }
0xbe: {  	s31 =	sshll.u32 s1, $0xD;
	s1 =	sshrl.u32 s1, $0x2  }
0xbf: {  	s3 =	sand.u32 $0x4000, s31;
	s1 =	sadd.s32 s1, s30  }
0xc0: {  	s0 =	sor.u32 s3, s0;
	s1 =	sshll.u32 s1, $0x11  }
0xc1: {  	s0 =	sor.u32 s1, s0  }
0xc2: {  	s0 =	sadd.s32 $0x8F2B, s0  }
0xc3: {  	[sflag:s0] =	ssyncadd.remote.s32 $0x1  }
0xc4: {  	_ =	sfence.sel $0xFFFF  }
0xc5: {  	[dreg:$0x0] =	wrdreg $0xFFFFFFFF;
	(pc) =	sbr.abs _section_cstart, $3  }
0xc6: {  	[dreg:$0x1] =	wrdreg $0xFFFFFFFF  }
0xc7: {  	_ =	task.clear_ibuf [dreg:s8], $0x2FFFF;
	_ =	strace $0x9FFFFFFF  }
0xc8: {  	(tm) =	ssettm $0x7FFFFFFF  }
0xc9: {  	_ =	shalt  }
tec
execute0_lowered:
.L_overlay_start_1:
0x0: {  	(tag) =	ssettag $0x1  }
0x1: {  	s1 =	rddreg [dreg:$0x0]  }
0x2: {  	s0 =	rddreg [dreg:$0x1]  }
0x3: {  	s2 =	rddreg [dreg:$0x2]  }
0x4: {  	s3 =	rddreg [dreg:$0x3]  }
0x5: {  	s4 =	rddreg [dreg:$0x4]  }
0x6: {  	s5 =	rddreg [dreg:$0x5]  }
0x7: {  	s6 =	rddreg [dreg:$0x6];
	s7 =	simm.s32 $0x0;
	s9 =	srdreg.scid  }
0x8: {  	s13 =	stileid.u32;
	s28 =	simm.s32 $0x1;
	s29 =	simm.s32 $0x4B0  }
0x9: {  	s30 =	simm.s32 $0x960;
	s31 =	simm.s32 $0x2;
	[smem:$0x7FF] =	sst s7  }
0xa: {  	s8 =	sadd.s32 $0x2600, s1;
	s9 =	sand.u32 $0x1, s9;
	s10 =	sadd.s32 $0x67400, s1  }
0xb: {  	s19 =	sadd.s32 $0x64200, s1;
	_ =	strace $0x8000004A;
	[dreg:$0x8] =	wrdreg s10  }
0xc: {  	s11 =	sadd.s32 $0x225400, s1;
	s12 =	sadd.s32 $0x6A800, s1;
	[dreg:$0x9] =	wrdreg s19  }
0xd: {  	s21 =	sadd.s32 $0x6DC00, s1;
	s22 =	sadd.s32 $0x6AA00, s1;
	[dreg:$0xa] =	wrdreg s12  }
0xe: {  	p0 =	sne.s32 s13, $0x0;
	s20 =	smul.u32 $0x30D40, s9;
	[dreg:$0xb] =	wrdreg s21  }
0xf: {  	[dreg:$0xc] =	wrdreg s22;
	s23 =	smul.u32 $0x30D4, s9;
	s14 =	ssub.s32 $0x2, s9  }
0x10: {  	s9 =	sshll.u32 s9, $0x4;
	s21 =	sshrl.u32 @!p0 s5, $0x3;
	s22 =	sshrl.u32 @!p0 s6, $0x3  }
0x11: {  	s24 =	sshrl.u32 s14, $0x1;
	s9 =	sor.u32 s13, s9;
	s13 =	simm.s32 $0x0  }
0x12: {  	s10 =	sadd.s32 s20, s1;
	s1 =	sadd.s32 s23, s1;
	s12 =	ssub.s32 s14, s24  }
0x13: {  	s15 =	smul.u32 $0x186A0, s9;
	s23 =	simm.s32 $0x3;
	s1 =	sadd.s32 $0x9EA00, s1  }
0x14: {  	s9 =	simm.s32 $0x4;
	s25 =	sadd.s32 $0xA4C00, s10;
	[dreg:$0xd] =	wrdreg s1  }
0x15: {  	s26 =	smax.u32 s12, $0x1;
	s10 =	simm.s32 $0x5;
	[dreg:$0xe] =	wrdreg s25  }
0x16: {  	s12 =	simm.s32 $0x7D0;
	[dreg:$0xf] =	wrdreg s26;
	s1 =	sshrl.u32 @!p0 s3, $0x3  }
0x17: {  	s25 =	simm.s32 $0x190;
	[dreg:$0x10] =	wrdreg s1;
	s1 =	sshrl.u32 @!p0 s4, $0x3  }
0x18: {  	s26 =	simm.s32 $0x320;
	[dreg:$0x11] =	wrdreg s1;
	s1 =	simm.s32 $0x640  }
.LBB2_1:
0x19: {  	s16 =	rddreg [dreg:$0x8]  }
0x1a: {  	s14 =	simm.s32 @!p0 $0x1C06;
	s17 =	rddreg [dreg:$0x10]  }
0x1b: {  	[spmem:s17], [sflag:s14] =	dma.local @!p0 [hbm:s16], $0x30D4  }
0x1c: {  	s16 =	simm.s32 @!p0 $0x6  }
0x1d: {  	_ =	swait.ge @!p0 [sflag:s16], $0x30D4  }
0x1e: {  	[sflag:s16] =	ssyncset.done @!p0 $0x0;
	s17 =	rddreg [dreg:$0x9]  }
0x1f: {  	s18 =	rddreg [dreg:$0x11];
	[sflag:s16] =	ssyncadd.s32 @!p0 $0xFFFFCF2C  }
0x20: {  	[spmem:s18], [sflag:s14] =	dma.local @!p0 [hbm:s17], $0x30D4  }
0x21: {  	_ =	swait.ge @!p0 [sflag:s16], $0x30D4  }
0x22: {  	[sflag:s16] =	ssyncset.done @!p0 $0x0  }
0x23: {  	s17 =	rddreg [dreg:$0xc];
	[sflag:s16] =	ssyncadd.s32 @!p0 $0xFFFFCF2C  }
0x24: {  	[spmem:s21], [sflag:s14] =	dma.local @!p0 [hbm:s17], $0x30D4  }
0x25: {  	_ =	swait.ge @!p0 [sflag:s16], $0x30D4  }
0x26: {  	[sflag:s16] =	ssyncset.done @!p0 $0x0  }
0x27: {  	s17 =	rddreg [dreg:$0xb];
	[sflag:s16] =	ssyncadd.s32 @!p0 $0xFFFFCF2C  }
0x28: {  	[spmem:s22], [sflag:s14] =	dma.local @!p0 [hbm:s17], $0x30D40  }
0x29: {  	_ =	swait.ge @!p0 [sflag:s16], $0x30D40  }
0x2a: {  	[sflag:s16] =	ssyncset.done @!p0 $0x0  }
0x2b: {  	[sflag:s16] =	ssyncadd.s32 @!p0 $0xFFFCF2C0  }
0x2c: {  	[bflag:$0x0] =	sbarrier.arrive $0xFFFF  }
0x2d: {  	s20 =	simm.s32 $0x2260;
	s24 =	simm.s32 $0x6;
	s19 =	rddreg [dreg:$0xa]  }
0x2e: {  	[tilespmem:s20], [sflag:$0x6] =	stream.linear.gather [hbm4b:s19+s7], $0x10, $0x38;
	[tilespmem:$0x1F260] =	vst v63  }
0x2f: {  	_ =	swait.ge [sflag:s24], $0x10  }
0x30: {  	[sflag:s24] =	ssyncset.done $0x0  }
0x31: {  	[sflag:s24] =	ssyncadd.s32 $0xFFFFFFF0  }
0x32: {  	s14 =	simm.s32 $0x0;
	v0 =	vld [tilespmem:$0x2260]  }
.LBB2_2:
0x33: {  	s16 =	smul.u32 $0x190, s14;
	_ =	sdelay $0x1  }
0x34: {  	s16 =	sadd.s32 s15, s16  }
0x35: {  	s16 =	sshrl.u32 s16, $0x3  }
0x36: {  	s17 =	sadd.s32 s8, s16  }
0x37: {  	[tilespmem:s7], [sflag:$0x1] =	stream.linear.gather [hbm4b:s17+s7], $0x190, $0x38;
	[tilespmem:$0x1F260] =	vst v63  }
0x38: {  	s24 =	sadd.s32 s0, s16  }
0x39: {  	[tilespmem:s25], [sflag:$0x2] =	stream.linear.gather [hbm4b:s24+s7], $0x190, $0x38;
	[tilespmem:$0x1F260] =	vst v63  }
0x3a: {  	s16 =	sadd.s32 s2, s16  }
0x3b: {  	[tilespmem:s26], [sflag:$0x3] =	stream.linear.gather [hbm4b:s16+s7], $0x190, $0x38;
	[tilespmem:$0x1F260] =	vst v63  }
0x3c: {  	_ =	swait.ge [sflag:s28], $0x190  }
0x3d: {  	[sflag:s28] =	ssyncset.done $0x0  }
0x3e: {  	[sflag:s28] =	ssyncadd.s32 $0xFFFFFE70  }
0x3f: {  	[tilespmem:s29], [sflag:$0x4] =	stream.indirect.gather [spmem:s3], $0x1, s7, s25, $0xb8;
	[tilespmem:$0x1F260] =	vst v63  }
0x40: {  	_ = 	snop  }
0x41: {  	[tilespmem:s30], [sflag:$0x1] =	stream.indirect.gather [hbm4b:s11+s25], $0x10, s7, s25, $0xb8;
	[tilespmem:$0x1F260] =	vst v63  }
0x42: {  	_ =	swait.ge [sflag:s31], $0x190  }
0x43: {  	[sflag:s31] =	ssyncset.done $0x0  }
0x44: {  	[sflag:s31] =	ssyncadd.s32 $0xFFFFFE70  }
0x45: {  	[tilespmem:s1], [sflag:$0x5] =	stream.indirect.gather [spmem:s4], $0x1, s25, s25, $0xb8;
	[tilespmem:$0x1F260] =	vst v63  }
0x46: {  	_ =	swait.ge [sflag:s23], $0x190  }
0x47: {  	[sflag:s23] =	ssyncset.done $0x0  }
0x48: {  	[sflag:s23] =	ssyncadd.s32 $0xFFFFFE70  }
0x49: {  	_ =	swait.ge [sflag:s9], $0x190  }
0x4a: {  	[sflag:s9] =	ssyncset.done $0x0  }
0x4b: {  	[sflag:s9] =	ssyncadd.s32 $0xFFFFFE70  }
0x4c: {  	_ =	swait.ge [sflag:s10], $0x190  }
0x4d: {  	[sflag:s10] =	ssyncset.done $0x0  }
0x4e: {  	s16 =	simm.s32 $0x4D0;
	[sflag:s10] =	ssyncadd.s32 $0xFFFFFE70  }
0x4f: {  	s19 =	simm.s32 $0x340;
	v1 =	vld [tilespmem:s16+$0xFFFFFFE0]  }
0x50: {  	s17 =	simm.s32 $0x660;
	v2 =	vld [tilespmem:s19+$0xFFFFFFE0]  }
0x51: {  	v3 =	vld [tilespmem:s17+$0xFFFFFFE0];
	_ =	sdelay $0x4  }
0x52: {  	v1 =	vadd.f32 v3, v1;
	v2 =	vmul.f32 v2, v0;
	_ =	sdelay $0x1  }
0x53: {  	v1 =	vadd.f32 v2, v1;
	_ =	sdelay $0x1  }
0x54: {  	v2 =	vmul.f32 $2.000000030e-01, v1  }
0x55: {  	vm0 =	vge.f32 v1, $0.0e+00  }
0x56: {  	v1 =	vsel vm0, v1, v2  }
0x57: {  	v1 =	vmul.f32 $1.442695020e+00, v1;
	_ =	sdelay $0x1  }
0x58: {  	(erf) = vpow2.f32 v1;
	_ =	sdelay $0x8  }
0x59: {  	s18 =	simm.s32 $0x7F0;
	v1 =	vpop (erf)  }
0x5a: {  	[tilespmem:s18+$0xFFFFFFE0] =	vst v1  }
0x5b: {  	v1 =	vld [tilespmem:s19+$0xFFFFFFF0]  }
0x5c: {  	v2 =	vld [tilespmem:s16+$0xFFFFFFF0]  }
0x5d: {  	v3 =	vld [tilespmem:s17+$0xFFFFFFF0];
	_ =	sdelay $0x4  }
0x5e: {  	v1 =	vmul.f32 v1, v0;
	v2 =	vadd.f32 v3, v2;
	_ =	sdelay $0x1  }
0x5f: {  	v1 =	vadd.f32 v1, v2;
	_ =	sdelay $0x1  }
0x60: {  	v2 =	vmul.f32 $2.000000030e-01, v1  }
0x61: {  	vm13 =	vge.f32 v1, $0.0e+00  }
0x62: {  	v1 =	vsel vm13, v1, v2  }
0x63: {  	v1 =	vmul.f32 $1.442695020e+00, v1;
	_ =	sdelay $0x1  }
0x64: {  	(erf) = vpow2.f32 v1;
	_ =	sdelay $0x8  }
0x65: {  	v1 =	vpop (erf)  }
0x66: {  	[tilespmem:s18+$0xFFFFFFF0] =	vst v1  }
0x67: {  	v1 =	vld [tilespmem:s16+$0x0]  }
0x68: {  	v2 =	vld [tilespmem:s17+$0x0]  }
0x69: {  	v3 =	vld [tilespmem:s19+$0x0];
	_ =	sdelay $0x4  }
0x6a: {  	v1 =	vadd.f32 v2, v1;
	v2 =	vmul.f32 v3, v0;
	_ =	sdelay $0x1  }
0x6b: {  	v1 =	vadd.f32 v2, v1;
	_ =	sdelay $0x1  }
0x6c: {  	v2 =	vmul.f32 $2.000000030e-01, v1  }
0x6d: {  	vm14 =	vge.f32 v1, $0.0e+00  }
0x6e: {  	v1 =	vsel vm14, v1, v2  }
0x6f: {  	v1 =	vmul.f32 $1.442695020e+00, v1;
	_ =	sdelay $0x1  }
0x70: {  	(erf) = vpow2.f32 v1;
	_ =	sdelay $0x8  }
0x71: {  	v1 =	vpop (erf)  }
0x72: {  	[tilespmem:s18+$0x0] =	vst v1  }
0x73: {  	v1 =	vld [tilespmem:s16+$0x10]  }
0x74: {  	v2 =	vld [tilespmem:s19+$0x10]  }
0x75: {  	v3 =	vld [tilespmem:s17+$0x10];
	_ =	sdelay $0x4  }
0x76: {  	v2 =	vmul.f32 v2, v0;
	v1 =	vadd.f32 v3, v1;
	_ =	sdelay $0x1  }
0x77: {  	v1 =	vadd.f32 v2, v1;
	_ =	sdelay $0x1  }
0x78: {  	v2 =	vmul.f32 $2.000000030e-01, v1  }
0x79: {  	vm15 =	vge.f32 v1, $0.0e+00  }
0x7a: {  	v1 =	vsel vm15, v1, v2  }
0x7b: {  	v1 =	vmul.f32 $1.442695020e+00, v1;
	_ =	sdelay $0x1  }
0x7c: {  	(erf) = vpow2.f32 v1;
	_ =	sdelay $0x2  }
0x7d: {  	s20 =	simm.s32 $0x380;
	s24 =	simm.s32 $0x830;
	s19 =	simm.s32 $0x0  }
.LBB2_3:
0x7e: {  	s19 =	sadd.s32 $0x4, s19;
	s16 =	sadd.s32 $0x40, s16;
	s17 =	sadd.s32 $0x40, s17  }
0x7f: {  	p1 =	slt.u32 s19, $0x14;
	_ =	sdelay $0x3  }
0x80: {  	v1 =	vpop (erf)  }
0x81: {  	[tilespmem:s18+$0x10] =	vst v1;
	s18 =	smov.u32 s24  }
0x82: {  	v1 =	vld [tilespmem:s16+$0xFFFFFFE0]  }
0x83: {  	v2 =	vld [tilespmem:s20+$0xFFFFFFE0]  }
0x84: {  	v3 =	vld [tilespmem:s17+$0xFFFFFFE0];
	_ =	sdelay $0x4  }
0x85: {  	v2 =	vmul.f32 v2, v0;
	v1 =	vadd.f32 v3, v1;
	_ =	sdelay $0x1  }
0x86: {  	v1 =	vadd.f32 v2, v1;
	_ =	sdelay $0x1  }
0x87: {  	v2 =	vmul.f32 $2.000000030e-01, v1  }
0x88: {  	vm0 =	vge.f32 v1, $0.0e+00  }
0x89: {  	v1 =	vsel vm0, v1, v2  }
0x8a: {  	v1 =	vmul.f32 $1.442695020e+00, v1;
	_ =	sdelay $0x1  }
0x8b: {  	(erf) = vpow2.f32 v1;
	_ =	sdelay $0x8  }
0x8c: {  	v1 =	vpop (erf)  }
0x8d: {  	[tilespmem:s24+$0xFFFFFFE0] =	vst v1  }
0x8e: {  	v1 =	vld [tilespmem:s20+$0xFFFFFFF0]  }
0x8f: {  	v2 =	vld [tilespmem:s16+$0xFFFFFFF0]  }
0x90: {  	v3 =	vld [tilespmem:s17+$0xFFFFFFF0];
	_ =	sdelay $0x2  }
0x91: {  	v1 =	vmul.f32 v1, v0;
	_ =	sdelay $0x1  }
0x92: {  	v2 =	vadd.f32 v3, v2;
	_ =	sdelay $0x1  }
0x93: {  	v1 =	vadd.f32 v1, v2;
	_ =	sdelay $0x1  }
0x94: {  	v2 =	vmul.f32 $2.000000030e-01, v1  }
0x95: {  	vm0 =	vge.f32 v1, $0.0e+00  }
0x96: {  	v1 =	vsel vm0, v1, v2  }
0x97: {  	v1 =	vmul.f32 $1.442695020e+00, v1;
	_ =	sdelay $0x1  }
0x98: {  	(erf) = vpow2.f32 v1;
	_ =	sdelay $0x8  }
0x99: {  	v1 =	vpop (erf)  }
0x9a: {  	[tilespmem:s24+$0xFFFFFFF0] =	vst v1  }
0x9b: {  	v1 =	vld [tilespmem:s16+$0x0]  }
0x9c: {  	v2 =	vld [tilespmem:s17+$0x0]  }
0x9d: {  	v3 =	vld [tilespmem:s20+$0x0];
	_ =	sdelay $0x3  }
0x9e: {  	v1 =	vadd.f32 v2, v1  }
0x9f: {  	v2 =	vmul.f32 v3, v0;
	_ =	sdelay $0x1  }
0xa0: {  	v1 =	vadd.f32 v2, v1;
	_ =	sdelay $0x1  }
0xa1: {  	v2 =	vmul.f32 $2.000000030e-01, v1  }
0xa2: {  	vm0 =	vge.f32 v1, $0.0e+00  }
0xa3: {  	v1 =	vsel vm0, v1, v2  }
0xa4: {  	v1 =	vmul.f32 $1.442695020e+00, v1;
	_ =	sdelay $0x1  }
0xa5: {  	(erf) = vpow2.f32 v1;
	_ =	sdelay $0x8  }
0xa6: {  	v1 =	vpop (erf)  }
0xa7: {  	[tilespmem:s24+$0x0] =	vst v1  }
0xa8: {  	v1 =	vld [tilespmem:s16+$0x10]  }
0xa9: {  	v2 =	vld [tilespmem:s20+$0x10]  }
0xaa: {  	v3 =	vld [tilespmem:s17+$0x10];
	_ =	sdelay $0x3  }
0xab: {  	v2 =	vmul.f32 v2, v0  }
0xac: {  	v1 =	vadd.f32 v3, v1;
	_ =	sdelay $0x1  }
0xad: {  	v1 =	vadd.f32 v2, v1;
	_ =	sdelay $0x1  }
0xae: {  	vm0 =	vge.f32 v1, $0.0e+00;
	v2 =	vmul.f32 $2.000000030e-01, v1;
	_ =	sdelay $0x1  }
0xaf: {  	v1 =	vsel vm0, v1, v2  }
0xb0: {  	v1 =	vmul.f32 $1.442695020e+00, v1  }
.Ltmp0:
0xb1: {  	(pc) =	sbr.rel @p1 .LBB2_3-.Ltmp0, $2  }
0xb2: {  	(erf) = vpow2.f32 v1;
	_ =	sdelay $0x2  }
0xb3: {  	s24 =	sadd.s32 $0x40, s24;
	s20 =	sadd.s32 $0x40, s20  }
0xb4: {  	_ =	sdelay $0x4  }
0xb5: {  	v1 =	vpop (erf)  }
0xb6: {  	[tilespmem:s18+$0x10] =	vst v1  }
0xb7: {  	v1 =	vld [tilespmem:$0x630]  }
0xb8: {  	v2 =	vld [tilespmem:$0x7C0]  }
0xb9: {  	v3 =	vld [tilespmem:$0x4A0];
	_ =	sdelay $0x4  }
0xba: {  	v1 =	vadd.f32 v2, v1;
	v2 =	vmul.f32 v3, v0;
	_ =	sdelay $0x1  }
0xbb: {  	v1 =	vadd.f32 v2, v1;
	_ =	sdelay $0x1  }
0xbc: {  	v2 =	vmul.f32 $2.000000030e-01, v1  }
0xbd: {  	vm0 =	vge.f32 v1, $0.0e+00  }
0xbe: {  	v1 =	vsel vm0, v1, v2  }
0xbf: {  	v1 =	vmul.f32 $1.442695020e+00, v1;
	_ =	sdelay $0x1  }
0xc0: {  	(erf) = vpow2.f32 v1;
	_ =	sdelay $0x8  }
0xc1: {  	v1 =	vpop (erf)  }
0xc2: {  	[tilespmem:$0x950] =	vst v1  }
0xc3: {  	[spmem:s5] =	stream.indirect.scatter.add.f32 [tilespmem:s12], [sflag:$0x2], $0x1, s25, s25, $0xb8;
	[tilespmem:$0x1F260] =	vst v63  }
0xc4: {  	_ =	swait.ge [sflag:s28], $0x1900  }
0xc5: {  	[sflag:s28] =	ssyncset.done $0x0  }
0xc6: {  	s16 =	simm.s32 $0x9E0;
	[sflag:s28] =	ssyncadd.s32 $0xFFFFE700  }
0xc7: {  	s19 =	simm.s32 $0x0;
	s17 =	simm.s32 $0x9E0;
	s18 =	simm.s32 $0x40;
	v1 =	vld [tilespmem:s16+$0xFFFFFFB0]  }
.LBB2_5:
0xc8: {  	p1 =	sne.s32 s18, $0x600;
	v2 =	vld [tilespmem:s19+$0x7D0]  }
0xc9: {  	v3 =	vld [tilespmem:s16+$0xFFFFFF90]  }
0xca: {  	v4 =	vld [tilespmem:s16+$0xFFFFFF80]  }
0xcb: {  	v5 =	vld [tilespmem:s16+$0xFFFFFFA0]  }
0xcc: {  	v6 =	vld [tilespmem:s16+$0xFFFFFFF0]  }
0xcd: {  	v7 =	vbroadcast v2, $0x0;
	v8 =	vbroadcast v2, $0x1;
	v9 =	vld [tilespmem:s16+$0xFFFFFFD0]  }
0xce: {  	v10 =	vbroadcast v2, $0x2;
	v11 =	vbroadcast v2, $0x3;
	v12 =	vld [tilespmem:s16+$0xFFFFFFC0]  }
0xcf: {  	v4 =	vmul.f32 v7, v4;
	v3 =	vmul.f32 v3, v8;
	v7 =	vld [tilespmem:s16+$0xFFFFFFE0]  }
0xd0: {  	v1 =	vmul.f32 v1, v11;
	v5 =	vmul.f32 v5, v10;
	v8 =	vld [tilespmem:s16+$0x30]  }
0xd1: {  	v10 =	vbroadcast v2, $0x5;
	[tilespmem:s16+$0xFFFFFF80] =	vst v4;
	v4 =	vbroadcast v2, $0x4;
	v11 =	vld [tilespmem:s16+$0x10]  }
0xd2: {  	v13 =	vbroadcast v2, $0x7;
	[tilespmem:s16+$0xFFFFFF90] =	vst v3;
	v3 =	vbroadcast v2, $0x6;
	v14 =	vld [tilespmem:s16+$0x0]  }
0xd3: {  	[tilespmem:s16+$0xFFFFFFA0] =	vst v5;
	v4 =	vmul.f32 v12, v4;
	v5 =	vmul.f32 v9, v10;
	v9 =	vld [tilespmem:s16+$0x20]  }
0xd4: {  	[tilespmem:s16+$0xFFFFFFB0] =	vst v1;
	v1 =	vmul.f32 v7, v3;
	v3 =	vmul.f32 v6, v13;
	v6 =	vld [tilespmem:s16+$0x70]  }
0xd5: {  	v7 =	vbroadcast v2, $0x9;
	[tilespmem:s16+$0xFFFFFFC0] =	vst v4;
	v4 =	vbroadcast v2, $0x8;
	v10 =	vld [tilespmem:s16+$0x50]  }
0xd6: {  	v12 =	vbroadcast v2, $0xB;
	[tilespmem:s16+$0xFFFFFFD0] =	vst v5;
	v5 =	vbroadcast v2, $0xA;
	v13 =	vld [tilespmem:s16+$0x40]  }
0xd7: {  	[tilespmem:s16+$0xFFFFFFE0] =	vst v1;
	v1 =	vmul.f32 v14, v4;
	v4 =	vmul.f32 v11, v7;
	v7 =	vld [tilespmem:s16+$0x60]  }
0xd8: {  	[tilespmem:s16+$0xFFFFFFF0] =	vst v3;
	v3 =	vmul.f32 v9, v5;
	v5 =	vmul.f32 v8, v12  }
0xd9: {  	v8 =	vbroadcast v2, $0xD;
	[tilespmem:s16+$0x0] =	vst v1;
	v1 =	vbroadcast v2, $0xC  }
0xda: {  	[tilespmem:s16+$0x10] =	vst v4;
	v4 =	vbroadcast v2, $0xE;
	v2 =	vbroadcast v2, $0xF  }
0xdb: {  	[tilespmem:s16+$0x20] =	vst v3;
	v1 =	vmul.f32 v13, v1;
	v3 =	vmul.f32 v10, v8  }
.Ltmp1:
0xdc: {  	[tilespmem:s16+$0x30] =	vst v5;
	v4 =	vmul.f32 v7, v4;
	v2 =	vmul.f32 v6, v2;
	(pc) =	sbr.rel @p1 .LBB2_5-.Ltmp1, $4  }
0xdd: {  	[tilespmem:s16+$0x40] =	vst v1  }
0xde: {  	[tilespmem:s16+$0x50] =	vst v3  }
0xdf: {  	s16 =	sadd.s32 $0x100, s16;
	[tilespmem:s17+$0x60] =	vst v4  }
0xe0: {  	s19 =	sshra.s32 s18, $0x2;
	s18 =	sadd.s32 $0x40, s18;
	v1 =	vld [tilespmem:s16+$0xFFFFFFB0];
	[tilespmem:s17+$0x70] =	vst v2;
	s17 =	smov.u32 s16  }
0xe1: {  	v2 =	vld [tilespmem:s19+$0x7D0];
	_ =	sdelay $0x1  }
0xe2: {  	v3 =	vld [tilespmem:s16+$0xFFFFFF80]  }
0xe3: {  	v4 =	vld [tilespmem:s16+$0xFFFFFF90]  }
0xe4: {  	v5 =	vld [tilespmem:s16+$0xFFFFFFA0]  }
0xe5: {  	v6 =	vbroadcast v2, $0x0  }
0xe6: {  	v9 =	vld [tilespmem:s16+$0xFFFFFFD0];
	v7 =	vbroadcast v2, $0x1  }
0xe7: {  	v8 =	vld [tilespmem:s16+$0xFFFFFFC0];
	v10 =	vbroadcast v2, $0x2;
	v3 =	vmul.f32 v6, v3  }
0xe8: {  	v48 =	vld [tilespmem:s16+$0xFFFFFFE0];
	v47 =	vbroadcast v2, $0x3;
	v4 =	vmul.f32 v4, v7  }
0xe9: {  	v51 =	vld [tilespmem:s16+$0x10];
	v49 =	vbroadcast v2, $0x5;
	v5 =	vmul.f32 v5, v10;
	[tilespmem:s16+$0xFFFFFF80] =	vst v3  }
0xea: {  	v11 =	vld [tilespmem:s16+$0xFFFFFFF0];
	v1 =	vmul.f32 v1, v47;
	v3 =	vbroadcast v2, $0x4;
	[tilespmem:s16+$0xFFFFFF90] =	vst v4  }
0xeb: {  	v50 =	vld [tilespmem:s16+$0x0];
	v12 =	vbroadcast v2, $0x6;
	v6 =	vmul.f32 v9, v49;
	[tilespmem:s16+$0xFFFFFFA0] =	vst v5  }
0xec: {  	v56 =	vld [tilespmem:s16+$0x50];
	v54 =	vbroadcast v2, $0x9;
	[tilespmem:s16+$0xFFFFFFB0] =	vst v1;
	v3 =	vmul.f32 v8, v3  }
0xed: {  	v53 =	vld [tilespmem:s16+$0x20];
	v52 =	vbroadcast v2, $0x7;
	v7 =	vmul.f32 v48, v12;
	[tilespmem:s16+$0xFFFFFFD0] =	vst v6  }
0xee: {  	v59 =	vmul.f32 v51, v54;
	v1 =	vld [tilespmem:s16+$0x30];
	[tilespmem:s16+$0xFFFFFFC0] =	vst v3;
	v3 =	vbroadcast v2, $0x8  }
0xef: {  	v55 =	vld [tilespmem:s16+$0x40];
	v62 =	vbroadcast v2, $0xD;
	v5 =	vmul.f32 v11, v52;
	[tilespmem:s16+$0xFFFFFFE0] =	vst v7  }
0xf0: {  	v60 =	vld [tilespmem:s16+$0x60];
	v57 =	vbroadcast v2, $0xA;
	[tilespmem:s16+$0x10] =	vst v59;
	v3 =	vmul.f32 v50, v3  }
0xf1: {  	v61 =	vld [tilespmem:s16+$0x70];
	v58 =	vbroadcast v2, $0xB;
	v4 =	vmul.f32 v56, v62;
	[tilespmem:s16+$0xFFFFFFF0] =	vst v5  }
0xf2: {  	v8 =	vmul.f32 v53, v57;
	[tilespmem:s16+$0x0] =	vst v3;
	v3 =	vbroadcast v2, $0xC  }
0xf3: {  	v63 =	vbroadcast v2, $0xE;
	[tilespmem:s16+$0x50] =	vst v4;
	v1 =	vmul.f32 v1, v58  }
0xf4: {  	[tilespmem:s16+$0x20] =	vst v8;
	v2 =	vbroadcast v2, $0xF;
	v3 =	vmul.f32 v55, v3  }
0xf5: {  	[tilespmem:s16+$0x30] =	vst v1;
	v1 =	vmul.f32 v60, v63  }
0xf6: {  	v2 =	vmul.f32 v61, v2;
	[tilespmem:s16+$0x40] =	vst v3  }
0xf7: {  	[tilespmem:s17+$0x60] =	vst v1  }
0xf8: {  	s14 =	sadd.s32 $0x1, s14;
	[tilespmem:s17+$0x70] =	vst v2  }
0xf9: {  	[spmem:s6] =	stream.indirect.scatter.add.f32 [tilespmem:s30], [sflag:$0x3], $0x10, s25, s25, $0xb8;
	[tilespmem:$0x1F260] =	vst v63  }
0xfa: {  	p1 =	sne.s32 s14, $0xFA;
	_ =	swait.ge [sflag:s31], $0x190  }
.Ltmp2:
0xfb: {  	[sflag:s31] =	ssyncset.done $0x0;
	(pc) =	sbr.rel @p1 .LBB2_2-.Ltmp2, $4  }
0xfc: {  	[sflag:s31] =	ssyncadd.s32 $0xFFFFFE70  }
0xfd: {  	_ =	swait.ge [sflag:s23], $0x1900  }
0xfe: {  	[sflag:s23] =	ssyncset.done $0x0  }
0xff: {  	[sflag:s23] =	ssyncadd.s32 $0xFFFFE700  }
0x100: {  	[bflag:$0x0] =	sbarrier.arrive $0xFFFF  }
0x101: {  	s14 =	simm.s32 @!p0 $0x1C06;
	s16 =	rddreg [dreg:$0xd]  }
0x102: {  	[hbm:s16], [sflag:s14] =	dma.local @!p0 [spmem:s21], $0x30D4  }
0x103: {  	s16 =	simm.s32 @!p0 $0x6  }
0x104: {  	_ =	swait.ge @!p0 [sflag:s16], $0x30D4  }
0x105: {  	[sflag:s16] =	ssyncset.done @!p0 $0x0  }
0x106: {  	s17 =	rddreg [dreg:$0xe];
	[sflag:s16] =	ssyncadd.s32 @!p0 $0xFFFFCF2C  }
0x107: {  	[hbm:s17], [sflag:s14] =	dma.local @!p0 [spmem:s22], $0x30D40  }
0x108: {  	_ =	swait.ge @!p0 [sflag:s16], $0x30D40  }
0x109: {  	s13 =	sadd.s32 $0x1, s13;
	s24 =	rddreg [dreg:$0xf]  }
0x10a: {  	p1 =	sne.s32 s13, s24  }
.Ltmp3:
0x10b: {  	_ = 	snop;
	(pc) =	sbr.rel @p1 .LBB2_1-.Ltmp3, $3  }
0x10c: {  	_ =	sdelay $0x1  }
0x10d: {  	[sflag:s16] =	ssyncset.done @!p0 $0x0  }
0x10e: {  	[sflag:s16] =	ssyncadd.s32 @!p0 $0xFFFCF2C0  }
0x10f: {  	_ =	sfence.sel $0x180000  }
0x110: {  	[bflag:$0x0] =	sbarrier.arrive $0xFFFF  }
0x111: {  	_ =	strace $0x9000004A  }
0x112: {  	[bflag:$0x2] =	sbarrier.arrive $0xFFFF  }
0x113: {  	s0 =	rddreg [dreg:$0x7]  }
0x114: {  	s0 =	sadd.s32 @!p0 $0x100000, s0  }
0x115: {  	[sflag:s0] =	ssyncadd.tile.s32 @!p0 $0x1;
	_ =	shalt  }
.Lfunc_end2:
_tile_overlayer_lowered:
.L_overlay_start_2:
0x116: {  	(tag) =	ssettag $0x2  }
0x117: {  	s0 =	rddreg [dreg:$0x0];
	s2 =	stileid.u32  }
0x118: {  	s1 =	rddreg [dreg:$0x1];
	p0 =	sne.s32 s2, $0x0  }
0x119: {  	s3 =	rddreg [dreg:$0x2];
	[bflag:$0x3] =	sbarrier.arrive $0xFFFF;
	s2 =	simm.s32 @!p0 $0x1C06  }
0x11a: {  	[timem:s3], [sflag:s2] =	dma.local @!p0 [hbm:s0], s1  }
0x11b: {  	s0 =	simm.s32 @!p0 $0x6  }
0x11c: {  	_ =	swait.ge @!p0 [sflag:s0], s1  }
0x11d: {  	s1 =	ssub.s32 @!p0 $0x0, s1;
	[sflag:s0] =	ssyncset.done @!p0 $0x0  }
0x11e: {  	[sflag:s0] =	ssyncadd.s32 @!p0 s1  }
0x11f: {  	[bflag:$0x3] =	sbarrier.arrive $0xFFFF  }
0x120: {  	_ =	shalt  }

</sc_bundles>
